<compile_context>
chip_gen: v7x
topology: tpu7x:2x2x1
jax: 0.10.2.dev20260603
libtpu: 0.0.44.dev20260713+nightly
codegen_flags: <defaults>
</compile_context>

<pallas_src>
import jax
import jax.numpy as jnp
from jax import lax
from jax.experimental import pallas as pl
from jax.experimental.pallas import tpu as pltpu
from jax.experimental.pallas import tpu_sc as plsc

_B = 16384
_D = 64
_L = 16
_NC = 2
_NS = 16
_SHIFT = 15
_WSZ = 1 << _SHIFT
_DP = 128
_CH = 64
_CHS = 6
_NCHUNK = _B // _CH

_SENT = 0x7FFFFFFF


def _shift_up(x):
    i = jnp.minimum(lax.iota(jnp.int32, _L) + 1, _L - 1)
    dnums = lax.GatherDimensionNumbers(
        offset_dims=(), collapsed_slice_dims=(0,), start_index_map=(0,))
    return lax.gather(x, i[:, None], dnums, (1,),
                      mode=lax.GatherScatterMode.PROMISE_IN_BOUNDS)


def _body(idx_hbm, val_hbm, lab_hbm, out_hbm, lab0_hbm, lab1_hbm,
          idx_v, lab_v, W, my_i, rlist, rows2, labbuf, zbuf, shared_lab,
          gsem, ssem, lsem, isem):
    cid = lax.axis_index("c")
    sid = lax.axis_index("s")
    wid = sid * _NC + cid
    lane = lax.iota(jnp.int32, _L)
    _SL = _B // _NS

    _H = _B // 2
    with jax.named_scope("stage_idx"):
        cp_idx1 = pltpu.async_copy(idx_hbm.at[pl.ds(0, _H)],
                                   idx_v.at[pl.ds(0, _H)], isem)
        cp_idx2 = pltpu.async_copy(idx_hbm.at[pl.ds(_H, _H)],
                                   idx_v.at[pl.ds(_H, _H)], gsem)
        cp_lab = pltpu.async_copy(lab_hbm, lab_v, lsem)
        for s in range(_SL // _L):
            zbuf[pl.ds(s * _L, _L)] = jnp.zeros((_L,), jnp.int32)
        pltpu.sync_copy(zbuf, shared_lab.at[pl.ds(sid * _SL, _SL)])
        plsc.subcore_barrier()
        cp_idx1.wait()

    _U = 8

    def p1(kk, cnt_vec):
        sorted_keys = []
        masks = []
        for u in range(_U):
            k = kk * _U + u
            v = idx_v[pl.ds(k * _L, _L)]
            owner = lax.shift_right_logical(v, _SHIFT)
            m = owner == wid
            local = lax.bitwise_and(v, _WSZ - 1)
            key = jnp.where(m, lax.bitwise_or(lax.shift_left(local, 4), lane),
                            _SENT)
            skey, _ = plsc.sort_key_val(key, key)
            sorted_keys.append(skey)
            masks.append(m)
        for u in range(_U):
            k = kk * _U + u
            skey = sorted_keys[u]
            sloc_cmp = lax.shift_right_logical(skey, 4)
            keep = (sloc_cmp != _shift_up(sloc_cmp)) | (lane == _L - 1)
            sm = skey != _SENT
            wr = keep & sm
            sloc = lax.bitwise_and(sloc_cmp, _WSZ - 1)
            j_sorted = k * _L + lax.bitwise_and(skey, _L - 1)
            plsc.store_scatter(W, [sloc], j_sorted, mask=wr)
            addr = cnt_vec + lane
            hi = lax.shift_right_logical(addr, _CHS)
            lo = lax.bitwise_and(addr, _CH - 1)
            plsc.store_scatter(my_i, [hi, lo], j_sorted, mask=sm)
            cnt_vec = cnt_vec + plsc.all_reduce_population_count(masks[u])
        return cnt_vec

    with jax.named_scope("p1_scan"):
        half_iters = _H // (_L * _U)
        cnt_vec = lax.fori_loop(0, half_iters, p1,
                                jnp.zeros((_L,), jnp.int32))
        cp_idx2.wait()
        cnt_vec = lax.fori_loop(half_iters, 2 * half_iters, p1, cnt_vec)
        cnt = jnp.max(cnt_vec)

    nchunks = lax.shift_right_logical(cnt + _CH - 1, _CHS)
    zero16 = jnp.zeros((_L,), jnp.int32)
    i0 = plsc.load_gather(my_i, [zero16, zero16])
    l0 = lax.bitwise_and(
        plsc.load_gather(idx_v, [lax.bitwise_and(i0, _B - 1)]), _WSZ - 1)
    r0 = plsc.load_gather(W, [l0])

    def p2a(t, _):
        pos = t * _L + lane
        hi = lax.shift_right_logical(pos, _CHS)
        lo = lax.bitwise_and(pos, _CH - 1)
        valid = pos < cnt
        iv_raw = plsc.load_gather(my_i, [hi, lo])
        loc = lax.bitwise_and(
            plsc.load_gather(idx_v, [lax.bitwise_and(iv_raw, _B - 1)]),
            _WSZ - 1)
        r = jnp.where(valid, plsc.load_gather(W, [loc]), r0)
        iv = jnp.where(valid, iv_raw, i0)
        plsc.store_scatter(rlist, [hi, lo], r)
        plsc.store_scatter(my_i, [hi, lo], iv)
        return 0

    with jax.named_scope("p2a_resolve"):
        lax.fori_loop(0, nchunks * (_CH // _L), p2a, 0)
        cp_lab.wait()

    def _wait_gather():
        pltpu.make_async_copy(
            val_hbm.at[pl.ds(0, _CH)], rows2.at[0], gsem).wait()

    def _wait_scatters():
        pltpu.make_async_copy(
            rows2.at[0], out_hbm.at[pl.ds(0, _CH)], ssem).wait()
        pltpu.make_async_copy(
            labbuf.at[0], shared_lab.at[pl.ds(0, _CH)], lsem).wait()

    def p2b(c, _):
        buf = lax.bitwise_and(c, 1)
        nbuf = lax.bitwise_and(c + 1, 1)

        @pl.when(c >= 1)
        def _():
            _wait_scatters()

        @pl.when(c + 1 < nchunks)
        def _():
            pltpu.async_copy(val_hbm.at[rlist.at[c + 1]], rows2.at[nbuf],
                             gsem)

        for s in range(_CH // _L):
            p = s * _L + lane
            r = rlist[c, pl.ds(s * _L, _L)]
            lab = plsc.load_gather(lab_v, [r])
            lab = jnp.where(c * _CH + p < cnt, lab, 0)
            plsc.store_scatter(labbuf.at[buf], [p], lab)
        _wait_gather()
        pltpu.async_copy(rows2.at[buf], out_hbm.at[my_i.at[c]], ssem)
        pltpu.async_copy(labbuf.at[buf], shared_lab.at[my_i.at[c]], lsem,
                         add=True)
        return 0

    with jax.named_scope("p2b_dma"):
        @pl.when(nchunks > 0)
        def _():
            pltpu.async_copy(val_hbm.at[rlist.at[0]], rows2.at[0], gsem)

        lax.fori_loop(0, nchunks, p2b, 0)

        @pl.when(nchunks > 0)
        def _():
            _wait_scatters()

    with jax.named_scope("p2c_labels_out"):
        plsc.subcore_barrier()
        sl = pl.ds(sid * _SL, _SL)

        @pl.when(cid == 0)
        def _():
            pltpu.sync_copy(shared_lab.at[sl], lab0_hbm.at[sl])

        @pl.when(cid == 1)
        def _():
            pltpu.sync_copy(shared_lab.at[sl], lab1_hbm.at[sl])


def kernel(idx, val, labels, buffer_imgs, buffer_labels):
    del buffer_imgs, buffer_labels
    f = pl.kernel(
        _body,
        out_type=(
            jax.ShapeDtypeStruct((_B, _DP), jnp.float32),
            jax.ShapeDtypeStruct((_B,), jnp.int32),
            jax.ShapeDtypeStruct((_B,), jnp.int32),
        ),
        mesh=plsc.VectorSubcoreMesh(core_axis_name="c", subcore_axis_name="s"),
        compiler_params=pltpu.CompilerParams(
            needs_layout_passes=False, use_tc_tiling_on_sc=False),
        scratch_types=[
            pltpu.VMEM((_B,), jnp.int32),
            pltpu.VMEM((_B,), jnp.int32),
            pltpu.VMEM((_WSZ,), jnp.int32),
            pltpu.VMEM((_NCHUNK, _CH), jnp.int32),
            pltpu.VMEM((_NCHUNK, _CH), jnp.int32),
            pltpu.VMEM((2, _CH, _DP), jnp.float32),
            pltpu.VMEM((2, _CH), jnp.int32),
            pltpu.VMEM((_B // _NS,), jnp.int32),
            pltpu.VMEM_SHARED((_B,), jnp.int32),
            pltpu.SemaphoreType.DMA,
            pltpu.SemaphoreType.DMA,
            pltpu.SemaphoreType.DMA,
            pltpu.SemaphoreType.DMA,
        ],
    )
    val_pad = jnp.pad(val, ((0, 0), (0, _DP - _D)))
    out_pad, lab0, lab1 = f(idx.astype(jnp.int32), val_pad,
                            labels.astype(jnp.int32))
    return out_pad[:, :_D], lab0 + lab1

# --- scband reference (transcript-rebuilt; emitter-appended) ---
"""Pipeline reference for scband-odd-buffer-8675833937983 (READ-ONLY COPY).

The authoritative reference and input builder live on the scoring server;
editing this copy changes nothing except your own understanding.
"""

import jax, jax.numpy as jnp
import numpy as np

M, D, B = 1000000, 64, 16384

def setup_inputs(seed: int = 0) -> dict:
    key = jax.random.key(seed)
    k1, k2, k3 = jax.random.split(key, 3)
    idx = jax.random.randint(k1, (B,), 0, M)
    val = jax.random.normal(k2, (B, D), dtype=jnp.float32)
    labels = jax.random.randint(k3, (B,), 0, 10)
    buffer_imgs = jnp.zeros((M, D), dtype=jnp.float32)
    buffer_labels = jnp.full((M,), -1, dtype=jnp.int32)
    return {"idx": idx, "val": val, "labels": labels, "buffer_imgs": buffer_imgs, "buffer_labels": buffer_labels}

def reference(idx, val, labels, buffer_imgs, buffer_labels):
    # OddBuffer.write_data / replace_data semantics: scatter-overwrite rows of the
    # buffer at positions idx with streaming images + labels (vectorized form of the
    # per-sample python loop in update()).
    buf = buffer_imgs.at[idx].set(val)
    lab = buffer_labels.at[idx].set(labels)
    # random_retrieve semantics: gather rows back out at given indices.
    ret_imgs = jnp.take(buf, idx, axis=0)
    ret_labels = jnp.take(lab, idx, axis=0)
    return ret_imgs, ret_labels

if __name__ == "__main__":
    import jax
    _d = setup_inputs()
    print(jax.jit(kernel)(*tuple(_d.values())))

</pallas_src>

<mosaic_0001>
#map = affine_map<(d0, d1) -> (0)>
#map1 = affine_map<(d0, d1) -> (0, 0)>
module attributes {stable_mosaic.version = 14 : i64} {
  func.func @_body(%arg0: i32, %arg1: i32, %arg2: memref<16384xi32, #tpu.memory_space<hbm>>, %arg3: memref<16384x128xf32, #tpu.memory_space<hbm>>, %arg4: memref<16384xi32, #tpu.memory_space<hbm>>, %arg5: memref<16384x128xf32, #tpu.memory_space<hbm>>, %arg6: memref<16384xi32, #tpu.memory_space<hbm>>, %arg7: memref<16384xi32, #tpu.memory_space<hbm>>, %arg8: memref<16384xi32, #tpu.memory_space<vmem>>, %arg9: memref<16384xi32, #tpu.memory_space<vmem>>, %arg10: memref<32768xi32, #tpu.memory_space<vmem>>, %arg11: memref<256x64xi32, #tpu.memory_space<vmem>>, %arg12: memref<256x64xi32, #tpu.memory_space<vmem>>, %arg13: memref<2x64x128xf32, #tpu.memory_space<vmem>>, %arg14: memref<2x64xi32, #tpu.memory_space<vmem>>, %arg15: memref<1024xi32, #tpu.memory_space<vmem>>, %arg16: memref<16384xi32, #tpu.memory_space<vmem_shared>>, %arg17: memref<!tpu.dma_semaphore, #tpu.memory_space<semaphore_mem>>, %arg18: memref<!tpu.dma_semaphore, #tpu.memory_space<semaphore_mem>>, %arg19: memref<!tpu.dma_semaphore, #tpu.memory_space<semaphore_mem>>, %arg20: memref<!tpu.dma_semaphore, #tpu.memory_space<semaphore_mem>>) attributes {dimension_semantics = [#tpu.dimension_semantics<core_parallel>, #tpu.dimension_semantics<subcore_parallel>], iteration_bounds = array<i64: 2, 16>, scalar_prefetch = 0 : i64, scratch_operands = 13 : i64, tpu.core_type = #tpu.core_type<sc_vector_subcore>, window_params = [{transform_indices = #map}, {transform_indices = #map1}, {transform_indices = #map}, {transform_indices = #map1}, {transform_indices = #map}, {transform_indices = #map}]} {
    %mul3A = arith.constant 2 : i32
    %mul3A_0 = arith.muli %arg1, %mul3A : i32
    %add3A = arith.addi %mul3A_0, %arg0 : i32
    %iota3A = tpu.iota {dimensions = array<i32: 0>} : vector<16xi32>
    "tpu.trace_start"() <{level = 10 : i32, message = "stage_idx"}> : () -> ()
    %dma_start3A = arith.constant 0 : i32
    %dma_start3A_1 = tpu.memref_slice %arg8[%dma_start3A] : memref<16384xi32, #tpu.memory_space<vmem>> -> memref<8192xi32, #tpu.memory_space<vmem>>
    %dma_start3A_2 = arith.constant 0 : i32
    %dma_start3A_3 = tpu.memref_slice %arg2[%dma_start3A_2] : memref<16384xi32, #tpu.memory_space<hbm>> -> memref<8192xi32, #tpu.memory_space<hbm>>
    %dma_start3A_4 = arith.constant 0 : i32
    %dma_start3A_5 = tpu.memref_slice %arg8[%dma_start3A_4] : memref<16384xi32, #tpu.memory_space<vmem>> -> memref<8192xi32, #tpu.memory_space<vmem>>
    %dma_start3A_6 = arith.constant 0 : i32
    %dma_start3A_7 = tpu.memref_slice %arg2[%dma_start3A_6] : memref<16384xi32, #tpu.memory_space<hbm>> -> memref<8192xi32, #tpu.memory_space<hbm>>
    tpu.enqueue_dma source(%dma_start3A_7 : memref<8192xi32, #tpu.memory_space<hbm>>) target(%dma_start3A_5 : memref<8192xi32, #tpu.memory_space<vmem>>) target_semaphore(%arg20 : memref<!tpu.dma_semaphore, #tpu.memory_space<semaphore_mem>>)
    %dma_start3A_8 = arith.constant 8192 : i32
    %dma_start3A_9 = tpu.memref_slice %arg8[%dma_start3A_8] : memref<16384xi32, #tpu.memory_space<vmem>> -> memref<8192xi32, #tpu.memory_space<vmem>>
    %dma_start3A_10 = arith.constant 8192 : i32
    %dma_start3A_11 = tpu.memref_slice %arg2[%dma_start3A_10] : memref<16384xi32, #tpu.memory_space<hbm>> -> memref<8192xi32, #tpu.memory_space<hbm>>
    %dma_start3A_12 = arith.constant 8192 : i32
    %dma_start3A_13 = tpu.memref_slice %arg8[%dma_start3A_12] : memref<16384xi32, #tpu.memory_space<vmem>> -> memref<8192xi32, #tpu.memory_space<vmem>>
    %dma_start3A_14 = arith.constant 8192 : i32
    %dma_start3A_15 = tpu.memref_slice %arg2[%dma_start3A_14] : memref<16384xi32, #tpu.memory_space<hbm>> -> memref<8192xi32, #tpu.memory_space<hbm>>
    tpu.enqueue_dma source(%dma_start3A_15 : memref<8192xi32, #tpu.memory_space<hbm>>) target(%dma_start3A_13 : memref<8192xi32, #tpu.memory_space<vmem>>) target_semaphore(%arg17 : memref<!tpu.dma_semaphore, #tpu.memory_space<semaphore_mem>>)
    tpu.enqueue_dma source(%arg4 : memref<16384xi32, #tpu.memory_space<hbm>>) target(%arg9 : memref<16384xi32, #tpu.memory_space<vmem>>) target_semaphore(%arg19 : memref<!tpu.dma_semaphore, #tpu.memory_space<semaphore_mem>>)
    %broadcast_in_dim3A = arith.constant 0 : i32
    %broadcast_in_dim3A_16 = vector.broadcast %broadcast_in_dim3A : i32 to vector<16xi32>
    %swap3A = arith.constant 0 : index
    %swap3A_17 = tpu.vector_load %arg15[%swap3A] {strides = array<i32>} : memref<1024xi32, #tpu.memory_space<vmem>>, vector<16xi32>,
    tpu.vector_store %arg15[%swap3A], %broadcast_in_dim3A_16 {strides = array<i32>} : memref<1024xi32, #tpu.memory_space<vmem>>, vector<16xi32>,
    %broadcast_in_dim3A_18 = arith.constant 0 : i32
    %broadcast_in_dim3A_19 = vector.broadcast %broadcast_in_dim3A_18 : i32 to vector<16xi32>
    %swap3A_20 = arith.constant 16 : index
    %swap3A_21 = tpu.vector_load %arg15[%swap3A_20] {strides = array<i32>} : memref<1024xi32, #tpu.memory_space<vmem>>, vector<16xi32>,
    tpu.vector_store %arg15[%swap3A_20], %broadcast_in_dim3A_19 {strides = array<i32>} : memref<1024xi32, #tpu.memory_space<vmem>>, vector<16xi32>,
    %broadcast_in_dim3A_22 = arith.constant 0 : i32
    %broadcast_in_dim3A_23 = vector.broadcast %broadcast_in_dim3A_22 : i32 to vector<16xi32>
    %swap3A_24 = arith.constant 32 : index
    %swap3A_25 = tpu.vector_load %arg15[%swap3A_24] {strides = array<i32>} : memref<1024xi32, #tpu.memory_space<vmem>>, vector<16xi32>,
    tpu.vector_store %arg15[%swap3A_24], %broadcast_in_dim3A_23 {strides = array<i32>} : memref<1024xi32, #tpu.memory_space<vmem>>, vector<16xi32>,
    %broadcast_in_dim3A_26 = arith.constant 0 : i32
    %broadcast_in_dim3A_27 = vector.broadcast %broadcast_in_dim3A_26 : i32 to vector<16xi32>
    %swap3A_28 = arith.constant 48 : index
    %swap3A_29 = tpu.vector_load %arg15[%swap3A_28] {strides = array<i32>} : memref<1024xi32, #tpu.memory_space<vmem>>, vector<16xi32>,
    tpu.vector_store %arg15[%swap3A_28], %broadcast_in_dim3A_27 {strides = array<i32>} : memref<1024xi32, #tpu.memory_space<vmem>>, vector<16xi32>,
    %broadcast_in_dim3A_30 = arith.constant 0 : i32
    %broadcast_in_dim3A_31 = vector.broadcast %broadcast_in_dim3A_30 : i32 to vector<16xi32>
    %swap3A_32 = arith.constant 64 : index
    %swap3A_33 = tpu.vector_load %arg15[%swap3A_32] {strides = array<i32>} : memref<1024xi32, #tpu.memory_space<vmem>>, vector<16xi32>,
    tpu.vector_store %arg15[%swap3A_32], %broadcast_in_dim3A_31 {strides = array<i32>} : memref<1024xi32, #tpu.memory_space<vmem>>, vector<16xi32>,
    %broadcast_in_dim3A_34 = arith.constant 0 : i32
    %broadcast_in_dim3A_35 = vector.broadcast %broadcast_in_dim3A_34 : i32 to vector<16xi32>
    %swap3A_36 = arith.constant 80 : index
    %swap3A_37 = tpu.vector_load %arg15[%swap3A_36] {strides = array<i32>} : memref<1024xi32, #tpu.memory_space<vmem>>, vector<16xi32>,
    tpu.vector_store %arg15[%swap3A_36], %broadcast_in_dim3A_35 {strides = array<i32>} : memref<1024xi32, #tpu.memory_space<vmem>>, vector<16xi32>,
    %broadcast_in_dim3A_38 = arith.constant 0 : i32
    %broadcast_in_dim3A_39 = vector.broadcast %broadcast_in_dim3A_38 : i32 to vector<16xi32>
    %swap3A_40 = arith.constant 96 : index
    %swap3A_41 = tpu.vector_load %arg15[%swap3A_40] {strides = array<i32>} : memref<1024xi32, #tpu.memory_space<vmem>>, vector<16xi32>,
    tpu.vector_store %arg15[%swap3A_40], %broadcast_in_dim3A_39 {strides = array<i32>} : memref<1024xi32, #tpu.memory_space<vmem>>, vector<16xi32>,
    %broadcast_in_dim3A_42 = arith.constant 0 : i32
    %broadcast_in_dim3A_43 = vector.broadcast %broadcast_in_dim3A_42 : i32 to vector<16xi32>
    %swap3A_44 = arith.constant 112 : index
    %swap3A_45 = tpu.vector_load %arg15[%swap3A_44] {strides = array<i32>} : memref<1024xi32, #tpu.memory_space<vmem>>, vector<16xi32>,
    tpu.vector_store %arg15[%swap3A_44], %broadcast_in_dim3A_43 {strides = array<i32>} : memref<1024xi32, #tpu.memory_space<vmem>>, vector<16xi32>,
    %broadcast_in_dim3A_46 = arith.constant 0 : i32
    %broadcast_in_dim3A_47 = vector.broadcast %broadcast_in_dim3A_46 : i32 to vector<16xi32>
    %swap3A_48 = arith.constant 128 : index
    %swap3A_49 = tpu.vector_load %arg15[%swap3A_48] {strides = array<i32>} : memref<1024xi32, #tpu.memory_space<vmem>>, vector<16xi32>,
    tpu.vector_store %arg15[%swap3A_48], %broadcast_in_dim3A_47 {strides = array<i32>} : memref<1024xi32, #tpu.memory_space<vmem>>, vector<16xi32>,
    %broadcast_in_dim3A_50 = arith.constant 0 : i32
    %broadcast_in_dim3A_51 = vector.broadcast %broadcast_in_dim3A_50 : i32 to vector<16xi32>
    %swap3A_52 = arith.constant 144 : index
    %swap3A_53 = tpu.vector_load %arg15[%swap3A_52] {strides = array<i32>} : memref<1024xi32, #tpu.memory_space<vmem>>, vector<16xi32>,
    tpu.vector_store %arg15[%swap3A_52], %broadcast_in_dim3A_51 {strides = array<i32>} : memref<1024xi32, #tpu.memory_space<vmem>>, vector<16xi32>,
    %broadcast_in_dim3A_54 = arith.constant 0 : i32
    %broadcast_in_dim3A_55 = vector.broadcast %broadcast_in_dim3A_54 : i32 to vector<16xi32>
    %swap3A_56 = arith.constant 160 : index
    %swap3A_57 = tpu.vector_load %arg15[%swap3A_56] {strides = array<i32>} : memref<1024xi32, #tpu.memory_space<vmem>>, vector<16xi32>,
    tpu.vector_store %arg15[%swap3A_56], %broadcast_in_dim3A_55 {strides = array<i32>} : memref<1024xi32, #tpu.memory_space<vmem>>, vector<16xi32>,
    %broadcast_in_dim3A_58 = arith.constant 0 : i32
    %broadcast_in_dim3A_59 = vector.broadcast %broadcast_in_dim3A_58 : i32 to vector<16xi32>
    %swap3A_60 = arith.constant 176 : index
    %swap3A_61 = tpu.vector_load %arg15[%swap3A_60] {strides = array<i32>} : memref<1024xi32, #tpu.memory_space<vmem>>, vector<16xi32>,
    tpu.vector_store %arg15[%swap3A_60], %broadcast_in_dim3A_59 {strides = array<i32>} : memref<1024xi32, #tpu.memory_space<vmem>>, vector<16xi32>,
    %broadcast_in_dim3A_62 = arith.constant 0 : i32
    %broadcast_in_dim3A_63 = vector.broadcast %broadcast_in_dim3A_62 : i32 to vector<16xi32>
    %swap3A_64 = arith.constant 192 : index
    %swap3A_65 = tpu.vector_load %arg15[%swap3A_64] {strides = array<i32>} : memref<1024xi32, #tpu.memory_space<vmem>>, vector<16xi32>,
    tpu.vector_store %arg15[%swap3A_64], %broadcast_in_dim3A_63 {strides = array<i32>} : memref<1024xi32, #tpu.memory_space<vmem>>, vector<16xi32>,
    %broadcast_in_dim3A_66 = arith.constant 0 : i32
    %broadcast_in_dim3A_67 = vector.broadcast %broadcast_in_dim3A_66 : i32 to vector<16xi32>
    %swap3A_68 = arith.constant 208 : index
    %swap3A_69 = tpu.vector_load %arg15[%swap3A_68] {strides = array<i32>} : memref<1024xi32, #tpu.memory_space<vmem>>, vector<16xi32>,
    tpu.vector_store %arg15[%swap3A_68], %broadcast_in_dim3A_67 {strides = array<i32>} : memref<1024xi32, #tpu.memory_space<vmem>>, vector<16xi32>,
    %broadcast_in_dim3A_70 = arith.constant 0 : i32
    %broadcast_in_dim3A_71 = vector.broadcast %broadcast_in_dim3A_70 : i32 to vector<16xi32>
    %swap3A_72 = arith.constant 224 : index
    %swap3A_73 = tpu.vector_load %arg15[%swap3A_72] {strides = array<i32>} : memref<1024xi32, #tpu.memory_space<vmem>>, vector<16xi32>,
    tpu.vector_store %arg15[%swap3A_72], %broadcast_in_dim3A_71 {strides = array<i32>} : memref<1024xi32, #tpu.memory_space<vmem>>, vector<16xi32>,
    %broadcast_in_dim3A_74 = arith.constant 0 : i32
    %broadcast_in_dim3A_75 = vector.broadcast %broadcast_in_dim3A_74 : i32 to vector<16xi32>
    %swap3A_76 = arith.constant 240 : index
    %swap3A_77 = tpu.vector_load %arg15[%swap3A_76] {strides = array<i32>} : memref<1024xi32, #tpu.memory_space<vmem>>, vector<16xi32>,
    tpu.vector_store %arg15[%swap3A_76], %broadcast_in_dim3A_75 {strides = array<i32>} : memref<1024xi32, #tpu.memory_space<vmem>>, vector<16xi32>,
    %broadcast_in_dim3A_78 = arith.constant 0 : i32
    %broadcast_in_dim3A_79 = vector.broadcast %broadcast_in_dim3A_78 : i32 to vector<16xi32>
    %swap3A_80 = arith.constant 256 : index
    %swap3A_81 = tpu.vector_load %arg15[%swap3A_80] {strides = array<i32>} : memref<1024xi32, #tpu.memory_space<vmem>>, vector<16xi32>,
    tpu.vector_store %arg15[%swap3A_80], %broadcast_in_dim3A_79 {strides = array<i32>} : memref<1024xi32, #tpu.memory_space<vmem>>, vector<16xi32>,
    %broadcast_in_dim3A_82 = arith.constant 0 : i32
    %broadcast_in_dim3A_83 = vector.broadcast %broadcast_in_dim3A_82 : i32 to vector<16xi32>
    %swap3A_84 = arith.constant 272 : index
    %swap3A_85 = tpu.vector_load %arg15[%swap3A_84] {strides = array<i32>} : memref<1024xi32, #tpu.memory_space<vmem>>, vector<16xi32>,
    tpu.vector_store %arg15[%swap3A_84], %broadcast_in_dim3A_83 {strides = array<i32>} : memref<1024xi32, #tpu.memory_space<vmem>>, vector<16xi32>,
    %broadcast_in_dim3A_86 = arith.constant 0 : i32
    %broadcast_in_dim3A_87 = vector.broadcast %broadcast_in_dim3A_86 : i32 to vector<16xi32>
    %swap3A_88 = arith.constant 288 : index
    %swap3A_89 = tpu.vector_load %arg15[%swap3A_88] {strides = array<i32>} : memref<1024xi32, #tpu.memory_space<vmem>>, vector<16xi32>,
    tpu.vector_store %arg15[%swap3A_88], %broadcast_in_dim3A_87 {strides = array<i32>} : memref<1024xi32, #tpu.memory_space<vmem>>, vector<16xi32>,
    %broadcast_in_dim3A_90 = arith.constant 0 : i32
    %broadcast_in_dim3A_91 = vector.broadcast %broadcast_in_dim3A_90 : i32 to vector<16xi32>
    %swap3A_92 = arith.constant 304 : index
    %swap3A_93 = tpu.vector_load %arg15[%swap3A_92] {strides = array<i32>} : memref<1024xi32, #tpu.memory_space<vmem>>, vector<16xi32>,
    tpu.vector_store %arg15[%swap3A_92], %broadcast_in_dim3A_91 {strides = array<i32>} : memref<1024xi32, #tpu.memory_space<vmem>>, vector<16xi32>,
    %broadcast_in_dim3A_94 = arith.constant 0 : i32
    %broadcast_in_dim3A_95 = vector.broadcast %broadcast_in_dim3A_94 : i32 to vector<16xi32>
    %swap3A_96 = arith.constant 320 : index
    %swap3A_97 = tpu.vector_load %arg15[%swap3A_96] {strides = array<i32>} : memref<1024xi32, #tpu.memory_space<vmem>>, vector<16xi32>,
    tpu.vector_store %arg15[%swap3A_96], %broadcast_in_dim3A_95 {strides = array<i32>} : memref<1024xi32, #tpu.memory_space<vmem>>, vector<16xi32>,
    %broadcast_in_dim3A_98 = arith.constant 0 : i32
    %broadcast_in_dim3A_99 = vector.broadcast %broadcast_in_dim3A_98 : i32 to vector<16xi32>
    %swap3A_100 = arith.constant 336 : index
    %swap3A_101 = tpu.vector_load %arg15[%swap3A_100] {strides = array<i32>} : memref<1024xi32, #tpu.memory_space<vmem>>, vector<16xi32>,
    tpu.vector_store %arg15[%swap3A_100], %broadcast_in_dim3A_99 {strides = array<i32>} : memref<1024xi32, #tpu.memory_space<vmem>>, vector<16xi32>,
    %broadcast_in_dim3A_102 = arith.constant 0 : i32
    %broadcast_in_dim3A_103 = vector.broadcast %broadcast_in_dim3A_102 : i32 to vector<16xi32>
    %swap3A_104 = arith.constant 352 : index
    %swap3A_105 = tpu.vector_load %arg15[%swap3A_104] {strides = array<i32>} : memref<1024xi32, #tpu.memory_space<vmem>>, vector<16xi32>,
    tpu.vector_store %arg15[%swap3A_104], %broadcast_in_dim3A_103 {strides = array<i32>} : memref<1024xi32, #tpu.memory_space<vmem>>, vector<16xi32>,
    %broadcast_in_dim3A_106 = arith.constant 0 : i32
    %broadcast_in_dim3A_107 = vector.broadcast %broadcast_in_dim3A_106 : i32 to vector<16xi32>
    %swap3A_108 = arith.constant 368 : index
    %swap3A_109 = tpu.vector_load %arg15[%swap3A_108] {strides = array<i32>} : memref<1024xi32, #tpu.memory_space<vmem>>, vector<16xi32>,
    tpu.vector_store %arg15[%swap3A_108], %broadcast_in_dim3A_107 {strides = array<i32>} : memref<1024xi32, #tpu.memory_space<vmem>>, vector<16xi32>,
    %broadcast_in_dim3A_110 = arith.constant 0 : i32
    %broadcast_in_dim3A_111 = vector.broadcast %broadcast_in_dim3A_110 : i32 to vector<16xi32>
    %swap3A_112 = arith.constant 384 : index
    %swap3A_113 = tpu.vector_load %arg15[%swap3A_112] {strides = array<i32>} : memref<1024xi32, #tpu.memory_space<vmem>>, vector<16xi32>,
    tpu.vector_store %arg15[%swap3A_112], %broadcast_in_dim3A_111 {strides = array<i32>} : memref<1024xi32, #tpu.memory_space<vmem>>, vector<16xi32>,
    %broadcast_in_dim3A_114 = arith.constant 0 : i32
    %broadcast_in_dim3A_115 = vector.broadcast %broadcast_in_dim3A_114 : i32 to vector<16xi32>
    %swap3A_116 = arith.constant 400 : index
    %swap3A_117 = tpu.vector_load %arg15[%swap3A_116] {strides = array<i32>} : memref<1024xi32, #tpu.memory_space<vmem>>, vector<16xi32>,
    tpu.vector_store %arg15[%swap3A_116], %broadcast_in_dim3A_115 {strides = array<i32>} : memref<1024xi32, #tpu.memory_space<vmem>>, vector<16xi32>,
    %broadcast_in_dim3A_118 = arith.constant 0 : i32
    %broadcast_in_dim3A_119 = vector.broadcast %broadcast_in_dim3A_118 : i32 to vector<16xi32>
    %swap3A_120 = arith.constant 416 : index
    %swap3A_121 = tpu.vector_load %arg15[%swap3A_120] {strides = array<i32>} : memref<1024xi32, #tpu.memory_space<vmem>>, vector<16xi32>,
    tpu.vector_store %arg15[%swap3A_120], %broadcast_in_dim3A_119 {strides = array<i32>} : memref<1024xi32, #tpu.memory_space<vmem>>, vector<16xi32>,
    %broadcast_in_dim3A_122 = arith.constant 0 : i32
    %broadcast_in_dim3A_123 = vector.broadcast %broadcast_in_dim3A_122 : i32 to vector<16xi32>
    %swap3A_124 = arith.constant 432 : index
    %swap3A_125 = tpu.vector_load %arg15[%swap3A_124] {strides = array<i32>} : memref<1024xi32, #tpu.memory_space<vmem>>, vector<16xi32>,
    tpu.vector_store %arg15[%swap3A_124], %broadcast_in_dim3A_123 {strides = array<i32>} : memref<1024xi32, #tpu.memory_space<vmem>>, vector<16xi32>,
    %broadcast_in_dim3A_126 = arith.constant 0 : i32
    %broadcast_in_dim3A_127 = vector.broadcast %broadcast_in_dim3A_126 : i32 to vector<16xi32>
    %swap3A_128 = arith.constant 448 : index
    %swap3A_129 = tpu.vector_load %arg15[%swap3A_128] {strides = array<i32>} : memref<1024xi32, #tpu.memory_space<vmem>>, vector<16xi32>,
    tpu.vector_store %arg15[%swap3A_128], %broadcast_in_dim3A_127 {strides = array<i32>} : memref<1024xi32, #tpu.memory_space<vmem>>, vector<16xi32>,
    %broadcast_in_dim3A_130 = arith.constant 0 : i32
    %broadcast_in_dim3A_131 = vector.broadcast %broadcast_in_dim3A_130 : i32 to vector<16xi32>
    %swap3A_132 = arith.constant 464 : index
    %swap3A_133 = tpu.vector_load %arg15[%swap3A_132] {strides = array<i32>} : memref<1024xi32, #tpu.memory_space<vmem>>, vector<16xi32>,
    tpu.vector_store %arg15[%swap3A_132], %broadcast_in_dim3A_131 {strides = array<i32>} : memref<1024xi32, #tpu.memory_space<vmem>>, vector<16xi32>,
    %broadcast_in_dim3A_134 = arith.constant 0 : i32
    %broadcast_in_dim3A_135 = vector.broadcast %broadcast_in_dim3A_134 : i32 to vector<16xi32>
    %swap3A_136 = arith.constant 480 : index
    %swap3A_137 = tpu.vector_load %arg15[%swap3A_136] {strides = array<i32>} : memref<1024xi32, #tpu.memory_space<vmem>>, vector<16xi32>,
    tpu.vector_store %arg15[%swap3A_136], %broadcast_in_dim3A_135 {strides = array<i32>} : memref<1024xi32, #tpu.memory_space<vmem>>, vector<16xi32>,
    %broadcast_in_dim3A_138 = arith.constant 0 : i32
    %broadcast_in_dim3A_139 = vector.broadcast %broadcast_in_dim3A_138 : i32 to vector<16xi32>
    %swap3A_140 = arith.constant 496 : index
    %swap3A_141 = tpu.vector_load %arg15[%swap3A_140] {strides = array<i32>} : memref<1024xi32, #tpu.memory_space<vmem>>, vector<16xi32>,
    tpu.vector_store %arg15[%swap3A_140], %broadcast_in_dim3A_139 {strides = array<i32>} : memref<1024xi32, #tpu.memory_space<vmem>>, vector<16xi32>,
    %broadcast_in_dim3A_142 = arith.constant 0 : i32
    %broadcast_in_dim3A_143 = vector.broadcast %broadcast_in_dim3A_142 : i32 to vector<16xi32>
    %swap3A_144 = arith.constant 512 : index
    %swap3A_145 = tpu.vector_load %arg15[%swap3A_144] {strides = array<i32>} : memref<1024xi32, #tpu.memory_space<vmem>>, vector<16xi32>,
    tpu.vector_store %arg15[%swap3A_144], %broadcast_in_dim3A_143 {strides = array<i32>} : memref<1024xi32, #tpu.memory_space<vmem>>, vector<16xi32>,
    %broadcast_in_dim3A_146 = arith.constant 0 : i32
    %broadcast_in_dim3A_147 = vector.broadcast %broadcast_in_dim3A_146 : i32 to vector<16xi32>
    %swap3A_148 = arith.constant 528 : index
    %swap3A_149 = tpu.vector_load %arg15[%swap3A_148] {strides = array<i32>} : memref<1024xi32, #tpu.memory_space<vmem>>, vector<16xi32>,
    tpu.vector_store %arg15[%swap3A_148], %broadcast_in_dim3A_147 {strides = array<i32>} : memref<1024xi32, #tpu.memory_space<vmem>>, vector<16xi32>,
    %broadcast_in_dim3A_150 = arith.constant 0 : i32
    %broadcast_in_dim3A_151 = vector.broadcast %broadcast_in_dim3A_150 : i32 to vector<16xi32>
    %swap3A_152 = arith.constant 544 : index
    %swap3A_153 = tpu.vector_load %arg15[%swap3A_152] {strides = array<i32>} : memref<1024xi32, #tpu.memory_space<vmem>>, vector<16xi32>,
    tpu.vector_store %arg15[%swap3A_152], %broadcast_in_dim3A_151 {strides = array<i32>} : memref<1024xi32, #tpu.memory_space<vmem>>, vector<16xi32>,
    %broadcast_in_dim3A_154 = arith.constant 0 : i32
    %broadcast_in_dim3A_155 = vector.broadcast %broadcast_in_dim3A_154 : i32 to vector<16xi32>
    %swap3A_156 = arith.constant 560 : index
    %swap3A_157 = tpu.vector_load %arg15[%swap3A_156] {strides = array<i32>} : memref<1024xi32, #tpu.memory_space<vmem>>, vector<16xi32>,
    tpu.vector_store %arg15[%swap3A_156], %broadcast_in_dim3A_155 {strides = array<i32>} : memref<1024xi32, #tpu.memory_space<vmem>>, vector<16xi32>,
    %broadcast_in_dim3A_158 = arith.constant 0 : i32
    %broadcast_in_dim3A_159 = vector.broadcast %broadcast_in_dim3A_158 : i32 to vector<16xi32>
    %swap3A_160 = arith.constant 576 : index
    %swap3A_161 = tpu.vector_load %arg15[%swap3A_160] {strides = array<i32>} : memref<1024xi32, #tpu.memory_space<vmem>>, vector<16xi32>,
    tpu.vector_store %arg15[%swap3A_160], %broadcast_in_dim3A_159 {strides = array<i32>} : memref<1024xi32, #tpu.memory_space<vmem>>, vector<16xi32>,
    %broadcast_in_dim3A_162 = arith.constant 0 : i32
    %broadcast_in_dim3A_163 = vector.broadcast %broadcast_in_dim3A_162 : i32 to vector<16xi32>
    %swap3A_164 = arith.constant 592 : index
    %swap3A_165 = tpu.vector_load %arg15[%swap3A_164] {strides = array<i32>} : memref<1024xi32, #tpu.memory_space<vmem>>, vector<16xi32>,
    tpu.vector_store %arg15[%swap3A_164], %broadcast_in_dim3A_163 {strides = array<i32>} : memref<1024xi32, #tpu.memory_space<vmem>>, vector<16xi32>,
    %broadcast_in_dim3A_166 = arith.constant 0 : i32
    %broadcast_in_dim3A_167 = vector.broadcast %broadcast_in_dim3A_166 : i32 to vector<16xi32>
    %swap3A_168 = arith.constant 608 : index
    %swap3A_169 = tpu.vector_load %arg15[%swap3A_168] {strides = array<i32>} : memref<1024xi32, #tpu.memory_space<vmem>>, vector<16xi32>,
    tpu.vector_store %arg15[%swap3A_168], %broadcast_in_dim3A_167 {strides = array<i32>} : memref<1024xi32, #tpu.memory_space<vmem>>, vector<16xi32>,
    %broadcast_in_dim3A_170 = arith.constant 0 : i32
    %broadcast_in_dim3A_171 = vector.broadcast %broadcast_in_dim3A_170 : i32 to vector<16xi32>
    %swap3A_172 = arith.constant 624 : index
    %swap3A_173 = tpu.vector_load %arg15[%swap3A_172] {strides = array<i32>} : memref<1024xi32, #tpu.memory_space<vmem>>, vector<16xi32>,
    tpu.vector_store %arg15[%swap3A_172], %broadcast_in_dim3A_171 {strides = array<i32>} : memref<1024xi32, #tpu.memory_space<vmem>>, vector<16xi32>,
    %broadcast_in_dim3A_174 = arith.constant 0 : i32
    %broadcast_in_dim3A_175 = vector.broadcast %broadcast_in_dim3A_174 : i32 to vector<16xi32>
    %swap3A_176 = arith.constant 640 : index
    %swap3A_177 = tpu.vector_load %arg15[%swap3A_176] {strides = array<i32>} : memref<1024xi32, #tpu.memory_space<vmem>>, vector<16xi32>,
    tpu.vector_store %arg15[%swap3A_176], %broadcast_in_dim3A_175 {strides = array<i32>} : memref<1024xi32, #tpu.memory_space<vmem>>, vector<16xi32>,
    %broadcast_in_dim3A_178 = arith.constant 0 : i32
    %broadcast_in_dim3A_179 = vector.broadcast %broadcast_in_dim3A_178 : i32 to vector<16xi32>
    %swap3A_180 = arith.constant 656 : index
    %swap3A_181 = tpu.vector_load %arg15[%swap3A_180] {strides = array<i32>} : memref<1024xi32, #tpu.memory_space<vmem>>, vector<16xi32>,
    tpu.vector_store %arg15[%swap3A_180], %broadcast_in_dim3A_179 {strides = array<i32>} : memref<1024xi32, #tpu.memory_space<vmem>>, vector<16xi32>,
    %broadcast_in_dim3A_182 = arith.constant 0 : i32
    %broadcast_in_dim3A_183 = vector.broadcast %broadcast_in_dim3A_182 : i32 to vector<16xi32>
    %swap3A_184 = arith.constant 672 : index
    %swap3A_185 = tpu.vector_load %arg15[%swap3A_184] {strides = array<i32>} : memref<1024xi32, #tpu.memory_space<vmem>>, vector<16xi32>,
    tpu.vector_store %arg15[%swap3A_184], %broadcast_in_dim3A_183 {strides = array<i32>} : memref<1024xi32, #tpu.memory_space<vmem>>, vector<16xi32>,
    %broadcast_in_dim3A_186 = arith.constant 0 : i32
    %broadcast_in_dim3A_187 = vector.broadcast %broadcast_in_dim3A_186 : i32 to vector<16xi32>
    %swap3A_188 = arith.constant 688 : index
    %swap3A_189 = tpu.vector_load %arg15[%swap3A_188] {strides = array<i32>} : memref<1024xi32, #tpu.memory_space<vmem>>, vector<16xi32>,
    tpu.vector_store %arg15[%swap3A_188], %broadcast_in_dim3A_187 {strides = array<i32>} : memref<1024xi32, #tpu.memory_space<vmem>>, vector<16xi32>,
    %broadcast_in_dim3A_190 = arith.constant 0 : i32
    %broadcast_in_dim3A_191 = vector.broadcast %broadcast_in_dim3A_190 : i32 to vector<16xi32>
    %swap3A_192 = arith.constant 704 : index
    %swap3A_193 = tpu.vector_load %arg15[%swap3A_192] {strides = array<i32>} : memref<1024xi32, #tpu.memory_space<vmem>>, vector<16xi32>,
    tpu.vector_store %arg15[%swap3A_192], %broadcast_in_dim3A_191 {strides = array<i32>} : memref<1024xi32, #tpu.memory_space<vmem>>, vector<16xi32>,
    %broadcast_in_dim3A_194 = arith.constant 0 : i32
    %broadcast_in_dim3A_195 = vector.broadcast %broadcast_in_dim3A_194 : i32 to vector<16xi32>
    %swap3A_196 = arith.constant 720 : index
    %swap3A_197 = tpu.vector_load %arg15[%swap3A_196] {strides = array<i32>} : memref<1024xi32, #tpu.memory_space<vmem>>, vector<16xi32>,
    tpu.vector_store %arg15[%swap3A_196], %broadcast_in_dim3A_195 {strides = array<i32>} : memref<1024xi32, #tpu.memory_space<vmem>>, vector<16xi32>,
    %broadcast_in_dim3A_198 = arith.constant 0 : i32
    %broadcast_in_dim3A_199 = vector.broadcast %broadcast_in_dim3A_198 : i32 to vector<16xi32>
    %swap3A_200 = arith.constant 736 : index
    %swap3A_201 = tpu.vector_load %arg15[%swap3A_200] {strides = array<i32>} : memref<1024xi32, #tpu.memory_space<vmem>>, vector<16xi32>,
    tpu.vector_store %arg15[%swap3A_200], %broadcast_in_dim3A_199 {strides = array<i32>} : memref<1024xi32, #tpu.memory_space<vmem>>, vector<16xi32>,
    %broadcast_in_dim3A_202 = arith.constant 0 : i32
    %broadcast_in_dim3A_203 = vector.broadcast %broadcast_in_dim3A_202 : i32 to vector<16xi32>
    %swap3A_204 = arith.constant 752 : index
    %swap3A_205 = tpu.vector_load %arg15[%swap3A_204] {strides = array<i32>} : memref<1024xi32, #tpu.memory_space<vmem>>, vector<16xi32>,
    tpu.vector_store %arg15[%swap3A_204], %broadcast_in_dim3A_203 {strides = array<i32>} : memref<1024xi32, #tpu.memory_space<vmem>>, vector<16xi32>,
    %broadcast_in_dim3A_206 = arith.constant 0 : i32
    %broadcast_in_dim3A_207 = vector.broadcast %broadcast_in_dim3A_206 : i32 to vector<16xi32>
    %swap3A_208 = arith.constant 768 : index
    %swap3A_209 = tpu.vector_load %arg15[%swap3A_208] {strides = array<i32>} : memref<1024xi32, #tpu.memory_space<vmem>>, vector<16xi32>,
    tpu.vector_store %arg15[%swap3A_208], %broadcast_in_dim3A_207 {strides = array<i32>} : memref<1024xi32, #tpu.memory_space<vmem>>, vector<16xi32>,
    %broadcast_in_dim3A_210 = arith.constant 0 : i32
    %broadcast_in_dim3A_211 = vector.broadcast %broadcast_in_dim3A_210 : i32 to vector<16xi32>
    %swap3A_212 = arith.constant 784 : index
    %swap3A_213 = tpu.vector_load %arg15[%swap3A_212] {strides = array<i32>} : memref<1024xi32, #tpu.memory_space<vmem>>, vector<16xi32>,
    tpu.vector_store %arg15[%swap3A_212], %broadcast_in_dim3A_211 {strides = array<i32>} : memref<1024xi32, #tpu.memory_space<vmem>>, vector<16xi32>,
    %broadcast_in_dim3A_214 = arith.constant 0 : i32
    %broadcast_in_dim3A_215 = vector.broadcast %broadcast_in_dim3A_214 : i32 to vector<16xi32>
    %swap3A_216 = arith.constant 800 : index
    %swap3A_217 = tpu.vector_load %arg15[%swap3A_216] {strides = array<i32>} : memref<1024xi32, #tpu.memory_space<vmem>>, vector<16xi32>,
    tpu.vector_store %arg15[%swap3A_216], %broadcast_in_dim3A_215 {strides = array<i32>} : memref<1024xi32, #tpu.memory_space<vmem>>, vector<16xi32>,
    %broadcast_in_dim3A_218 = arith.constant 0 : i32
    %broadcast_in_dim3A_219 = vector.broadcast %broadcast_in_dim3A_218 : i32 to vector<16xi32>
    %swap3A_220 = arith.constant 816 : index
    %swap3A_221 = tpu.vector_load %arg15[%swap3A_220] {strides = array<i32>} : memref<1024xi32, #tpu.memory_space<vmem>>, vector<16xi32>,
    tpu.vector_store %arg15[%swap3A_220], %broadcast_in_dim3A_219 {strides = array<i32>} : memref<1024xi32, #tpu.memory_space<vmem>>, vector<16xi32>,
    %broadcast_in_dim3A_222 = arith.constant 0 : i32
    %broadcast_in_dim3A_223 = vector.broadcast %broadcast_in_dim3A_222 : i32 to vector<16xi32>
    %swap3A_224 = arith.constant 832 : index
    %swap3A_225 = tpu.vector_load %arg15[%swap3A_224] {strides = array<i32>} : memref<1024xi32, #tpu.memory_space<vmem>>, vector<16xi32>,
    tpu.vector_store %arg15[%swap3A_224], %broadcast_in_dim3A_223 {strides = array<i32>} : memref<1024xi32, #tpu.memory_space<vmem>>, vector<16xi32>,
    %broadcast_in_dim3A_226 = arith.constant 0 : i32
    %broadcast_in_dim3A_227 = vector.broadcast %broadcast_in_dim3A_226 : i32 to vector<16xi32>
    %swap3A_228 = arith.constant 848 : index
    %swap3A_229 = tpu.vector_load %arg15[%swap3A_228] {strides = array<i32>} : memref<1024xi32, #tpu.memory_space<vmem>>, vector<16xi32>,
    tpu.vector_store %arg15[%swap3A_228], %broadcast_in_dim3A_227 {strides = array<i32>} : memref<1024xi32, #tpu.memory_space<vmem>>, vector<16xi32>,
    %broadcast_in_dim3A_230 = arith.constant 0 : i32
    %broadcast_in_dim3A_231 = vector.broadcast %broadcast_in_dim3A_230 : i32 to vector<16xi32>
    %swap3A_232 = arith.constant 864 : index
    %swap3A_233 = tpu.vector_load %arg15[%swap3A_232] {strides = array<i32>} : memref<1024xi32, #tpu.memory_space<vmem>>, vector<16xi32>,
    tpu.vector_store %arg15[%swap3A_232], %broadcast_in_dim3A_231 {strides = array<i32>} : memref<1024xi32, #tpu.memory_space<vmem>>, vector<16xi32>,
    %broadcast_in_dim3A_234 = arith.constant 0 : i32
    %broadcast_in_dim3A_235 = vector.broadcast %broadcast_in_dim3A_234 : i32 to vector<16xi32>
    %swap3A_236 = arith.constant 880 : index
    %swap3A_237 = tpu.vector_load %arg15[%swap3A_236] {strides = array<i32>} : memref<1024xi32, #tpu.memory_space<vmem>>, vector<16xi32>,
    tpu.vector_store %arg15[%swap3A_236], %broadcast_in_dim3A_235 {strides = array<i32>} : memref<1024xi32, #tpu.memory_space<vmem>>, vector<16xi32>,
    %broadcast_in_dim3A_238 = arith.constant 0 : i32
    %broadcast_in_dim3A_239 = vector.broadcast %broadcast_in_dim3A_238 : i32 to vector<16xi32>
    %swap3A_240 = arith.constant 896 : index
    %swap3A_241 = tpu.vector_load %arg15[%swap3A_240] {strides = array<i32>} : memref<1024xi32, #tpu.memory_space<vmem>>, vector<16xi32>,
    tpu.vector_store %arg15[%swap3A_240], %broadcast_in_dim3A_239 {strides = array<i32>} : memref<1024xi32, #tpu.memory_space<vmem>>, vector<16xi32>,
    %broadcast_in_dim3A_242 = arith.constant 0 : i32
    %broadcast_in_dim3A_243 = vector.broadcast %broadcast_in_dim3A_242 : i32 to vector<16xi32>
    %swap3A_244 = arith.constant 912 : index
    %swap3A_245 = tpu.vector_load %arg15[%swap3A_244] {strides = array<i32>} : memref<1024xi32, #tpu.memory_space<vmem>>, vector<16xi32>,
    tpu.vector_store %arg15[%swap3A_244], %broadcast_in_dim3A_243 {strides = array<i32>} : memref<1024xi32, #tpu.memory_space<vmem>>, vector<16xi32>,
    %broadcast_in_dim3A_246 = arith.constant 0 : i32
    %broadcast_in_dim3A_247 = vector.broadcast %broadcast_in_dim3A_246 : i32 to vector<16xi32>
    %swap3A_248 = arith.constant 928 : index
    %swap3A_249 = tpu.vector_load %arg15[%swap3A_248] {strides = array<i32>} : memref<1024xi32, #tpu.memory_space<vmem>>, vector<16xi32>,
    tpu.vector_store %arg15[%swap3A_248], %broadcast_in_dim3A_247 {strides = array<i32>} : memref<1024xi32, #tpu.memory_space<vmem>>, vector<16xi32>,
    %broadcast_in_dim3A_250 = arith.constant 0 : i32
    %broadcast_in_dim3A_251 = vector.broadcast %broadcast_in_dim3A_250 : i32 to vector<16xi32>
    %swap3A_252 = arith.constant 944 : index
    %swap3A_253 = tpu.vector_load %arg15[%swap3A_252] {strides = array<i32>} : memref<1024xi32, #tpu.memory_space<vmem>>, vector<16xi32>,
    tpu.vector_store %arg15[%swap3A_252], %broadcast_in_dim3A_251 {strides = array<i32>} : memref<1024xi32, #tpu.memory_space<vmem>>, vector<16xi32>,
    %broadcast_in_dim3A_254 = arith.constant 0 : i32
    %broadcast_in_dim3A_255 = vector.broadcast %broadcast_in_dim3A_254 : i32 to vector<16xi32>
    %swap3A_256 = arith.constant 960 : index
    %swap3A_257 = tpu.vector_load %arg15[%swap3A_256] {strides = array<i32>} : memref<1024xi32, #tpu.memory_space<vmem>>, vector<16xi32>,
    tpu.vector_store %arg15[%swap3A_256], %broadcast_in_dim3A_255 {strides = array<i32>} : memref<1024xi32, #tpu.memory_space<vmem>>, vector<16xi32>,
    %broadcast_in_dim3A_258 = arith.constant 0 : i32
    %broadcast_in_dim3A_259 = vector.broadcast %broadcast_in_dim3A_258 : i32 to vector<16xi32>
    %swap3A_260 = arith.constant 976 : index
    %swap3A_261 = tpu.vector_load %arg15[%swap3A_260] {strides = array<i32>} : memref<1024xi32, #tpu.memory_space<vmem>>, vector<16xi32>,
    tpu.vector_store %arg15[%swap3A_260], %broadcast_in_dim3A_259 {strides = array<i32>} : memref<1024xi32, #tpu.memory_space<vmem>>, vector<16xi32>,
    %broadcast_in_dim3A_262 = arith.constant 0 : i32
    %broadcast_in_dim3A_263 = vector.broadcast %broadcast_in_dim3A_262 : i32 to vector<16xi32>
    %swap3A_264 = arith.constant 992 : index
    %swap3A_265 = tpu.vector_load %arg15[%swap3A_264] {strides = array<i32>} : memref<1024xi32, #tpu.memory_space<vmem>>, vector<16xi32>,
    tpu.vector_store %arg15[%swap3A_264], %broadcast_in_dim3A_263 {strides = array<i32>} : memref<1024xi32, #tpu.memory_space<vmem>>, vector<16xi32>,
    %broadcast_in_dim3A_266 = arith.constant 0 : i32
    %broadcast_in_dim3A_267 = vector.broadcast %broadcast_in_dim3A_266 : i32 to vector<16xi32>
    %swap3A_268 = arith.constant 1008 : index
    %swap3A_269 = tpu.vector_load %arg15[%swap3A_268] {strides = array<i32>} : memref<1024xi32, #tpu.memory_space<vmem>>, vector<16xi32>,
    tpu.vector_store %arg15[%swap3A_268], %broadcast_in_dim3A_267 {strides = array<i32>} : memref<1024xi32, #tpu.memory_space<vmem>>, vector<16xi32>,
    %mul3A_270 = arith.constant 1024 : i32
    %mul3A_271 = arith.muli %arg1, %mul3A_270 : i32
    "tpu.region"() ({
      %run_scoped3A = tpu.sem_alloc : memref<!tpu.dma_semaphore, #tpu.memory_space<semaphore_mem>>
      %dma_start3A_364 = tpu.memref_slice %arg16[%mul3A_271] : memref<16384xi32, #tpu.memory_space<vmem_shared>> -> memref<1024xi32, #tpu.memory_space<vmem_shared>>
      %dma_start3A_365 = tpu.memref_slice %arg16[%mul3A_271] : memref<16384xi32, #tpu.memory_space<vmem_shared>> -> memref<1024xi32, #tpu.memory_space<vmem_shared>>
      tpu.enqueue_dma source(%arg15 : memref<1024xi32, #tpu.memory_space<vmem>>) target(%dma_start3A_365 : memref<1024xi32, #tpu.memory_space<vmem_shared>>) target_semaphore(%run_scoped3A : memref<!tpu.dma_semaphore, #tpu.memory_space<semaphore_mem>>)
      %dma_wait3A_366 = tpu.memref_slice %arg16[%mul3A_271] : memref<16384xi32, #tpu.memory_space<vmem_shared>> -> memref<1024xi32, #tpu.memory_space<vmem_shared>>
      %dma_wait3A_367 = tpu.memref_slice %arg16[%mul3A_271] : memref<16384xi32, #tpu.memory_space<vmem_shared>> -> memref<1024xi32, #tpu.memory_space<vmem_shared>>
      tpu.wait_dma2 semaphore(%run_scoped3A : memref<!tpu.dma_semaphore, #tpu.memory_space<semaphore_mem>>) src(%arg15 : memref<1024xi32, #tpu.memory_space<vmem>>) dst(%dma_wait3A_367 : memref<1024xi32, #tpu.memory_space<vmem_shared>>)
      tpu.yield
    }) : () -> ()
    %barrier3A = arith.constant 0 : index
    tpu.barrier barrier_id(%barrier3A)
    %dma_wait3A = arith.constant 0 : i32
    %dma_wait3A_272 = tpu.memref_slice %arg8[%dma_wait3A] : memref<16384xi32, #tpu.memory_space<vmem>> -> memref<8192xi32, #tpu.memory_space<vmem>>
    %dma_wait3A_273 = arith.constant 0 : i32
    %dma_wait3A_274 = tpu.memref_slice %arg2[%dma_wait3A_273] : memref<16384xi32, #tpu.memory_space<hbm>> -> memref<8192xi32, #tpu.memory_space<hbm>>
    %dma_wait3A_275 = arith.constant 0 : i32
    %dma_wait3A_276 = tpu.memref_slice %arg8[%dma_wait3A_275] : memref<16384xi32, #tpu.memory_space<vmem>> -> memref<8192xi32, #tpu.memory_space<vmem>>
    %dma_wait3A_277 = arith.constant 0 : i32
    %dma_wait3A_278 = tpu.memref_slice %arg2[%dma_wait3A_277] : memref<16384xi32, #tpu.memory_space<hbm>> -> memref<8192xi32, #tpu.memory_space<hbm>>
    tpu.wait_dma2 semaphore(%arg20 : memref<!tpu.dma_semaphore, #tpu.memory_space<semaphore_mem>>) src(%dma_wait3A_278 : memref<8192xi32, #tpu.memory_space<hbm>>) dst(%dma_wait3A_276 : memref<8192xi32, #tpu.memory_space<vmem>>)
    %broadcast_in_dim3A_279 = arith.constant 0 : i32
    "tpu.trace_stop"() : () -> ()
    "tpu.trace_start"() <{level = 10 : i32, message = "p1_scan"}> : () -> ()
    %broadcast_in_dim3A_280 = vector.broadcast %broadcast_in_dim3A_279 : i32 to vector<16xi32>
    %scan3A = arith.constant 0 : i32
    %scan3A_281 = arith.constant 64 : i32
    %scan3A_282 = arith.addi %scan3A, %scan3A_281 : i32
    %scan3A_283 = arith.constant 1 : i32
    %scan3A_284 = scf.for %scan3A_364 = %scan3A to %scan3A_282 step %scan3A_283 iter_args(%scan3A_365 = %broadcast_in_dim3A_280) -> (vector<16xi32>)  : i32 {
      %mul3A_366 = arith.constant 8 : i32
      %mul3A_367 = arith.muli %scan3A_364, %mul3A_366 : i32
      %add3A_368 = arith.constant 0 : i32
      %add3A_369 = arith.addi %mul3A_367, %add3A_368 : i32
      %mul3A_370 = arith.constant 16 : i32
      %mul3A_371 = arith.muli %add3A_369, %mul3A_370 : i32
      %get3A = arith.index_cast %mul3A_371 : i32 to index
      %get3A_372 = tpu.vector_load %arg8[%get3A] {strides = array<i32>} : memref<16384xi32, #tpu.memory_space<vmem>>, vector<16xi32>,
      %shift_right_logical3A_373 = arith.constant 15 : i32
      %shift_right_logical3A_374 = vector.broadcast %shift_right_logical3A_373 : i32 to vector<16xi32>
      %shift_right_logical3A_375 = arith.shrui %get3A_372, %shift_right_logical3A_374 : vector<16xi32>
      %eq3A_376 = vector.broadcast %add3A : i32 to vector<16xi32>
      %eq3A_377 = arith.cmpi eq, %shift_right_logical3A_375, %eq3A_376 : vector<16xi32>
      %and3A_378 = arith.constant 32767 : i32
      %and3A_379 = vector.broadcast %and3A_378 : i32 to vector<16xi32>
      %and3A_380 = arith.andi %get3A_372, %and3A_379 : vector<16xi32>
      %shift_left3A = arith.constant 4 : i32
      %shift_left3A_381 = vector.broadcast %shift_left3A : i32 to vector<16xi32>
      %shift_left3A_382 = arith.shli %and3A_380, %shift_left3A_381 : vector<16xi32>
      %or3A = arith.ori %shift_left3A_382, %iota3A : vector<16xi32>
      %jit3A = arith.constant 2147483647 : i32
      %broadcast_in_dim3A_383 = vector.broadcast %jit3A : i32 to vector<16xi32>
      %select_n3A = arith.select %eq3A_377, %or3A, %broadcast_in_dim3A_383 : vector<16xi1>, vector<16xi32>
      %masked_sort3A = arith.constant dense<true> : vector<16xi1>
      %masked_sort3A_384 = arith.constant -2147483648 : i32
      %masked_sort3A_385 = vector.broadcast %masked_sort3A_384 : i32 to vector<16xi32>
      %masked_sort3A_386 = arith.xori %select_n3A, %masked_sort3A_385 : vector<16xi32>
      %masked_sort3A_387, %masked_sort3A_388, %masked_sort3A_389 = tpu.sort %masked_sort3A_386, %select_n3A masked %masked_sort3A : (vector<16xi32>, vector<16xi32>, vector<16xi1>) -> (vector<16xi1>, vector<16xi32>, vector<16xi32>)
      %masked_sort3A_390 = arith.xori %masked_sort3A_388, %masked_sort3A_385 : vector<16xi32>
      %mul3A_391 = arith.constant 8 : i32
      %mul3A_392 = arith.muli %scan3A_364, %mul3A_391 : i32
      %add3A_393 = arith.constant 1 : i32
      %add3A_394 = arith.addi %mul3A_392, %add3A_393 : i32
      %mul3A_395 = arith.constant 16 : i32
      %mul3A_396 = arith.muli %add3A_394, %mul3A_395 : i32
      %get3A_397 = arith.index_cast %mul3A_396 : i32 to index
      %get3A_398 = tpu.vector_load %arg8[%get3A_397] {strides = array<i32>} : memref<16384xi32, #tpu.memory_space<vmem>>, vector<16xi32>,
      %shift_right_logical3A_399 = arith.constant 15 : i32
      %shift_right_logical3A_400 = vector.broadcast %shift_right_logical3A_399 : i32 to vector<16xi32>
      %shift_right_logical3A_401 = arith.shrui %get3A_398, %shift_right_logical3A_400 : vector<16xi32>
      %eq3A_402 = vector.broadcast %add3A : i32 to vector<16xi32>
      %eq3A_403 = arith.cmpi eq, %shift_right_logical3A_401, %eq3A_402 : vector<16xi32>
      %and3A_404 = arith.constant 32767 : i32
      %and3A_405 = vector.broadcast %and3A_404 : i32 to vector<16xi32>
      %and3A_406 = arith.andi %get3A_398, %and3A_405 : vector<16xi32>
      %shift_left3A_407 = arith.constant 4 : i32
      %shift_left3A_408 = vector.broadcast %shift_left3A_407 : i32 to vector<16xi32>
      %shift_left3A_409 = arith.shli %and3A_406, %shift_left3A_408 : vector<16xi32>
      %or3A_410 = arith.ori %shift_left3A_409, %iota3A : vector<16xi32>
      %jit3A_411 = arith.constant 2147483647 : i32
      %broadcast_in_dim3A_412 = vector.broadcast %jit3A_411 : i32 to vector<16xi32>
      %select_n3A_413 = arith.select %eq3A_403, %or3A_410, %broadcast_in_dim3A_412 : vector<16xi1>, vector<16xi32>
      %masked_sort3A_414 = arith.constant dense<true> : vector<16xi1>
      %masked_sort3A_415 = arith.constant -2147483648 : i32
      %masked_sort3A_416 = vector.broadcast %masked_sort3A_415 : i32 to vector<16xi32>
      %masked_sort3A_417 = arith.xori %select_n3A_413, %masked_sort3A_416 : vector<16xi32>
      %masked_sort3A_418, %masked_sort3A_419, %masked_sort3A_420 = tpu.sort %masked_sort3A_417, %select_n3A_413 masked %masked_sort3A_414 : (vector<16xi32>, vector<16xi32>, vector<16xi1>) -> (vector<16xi1>, vector<16xi32>, vector<16xi32>)
      %masked_sort3A_421 = arith.xori %masked_sort3A_419, %masked_sort3A_416 : vector<16xi32>
      %mul3A_422 = arith.constant 8 : i32
      %mul3A_423 = arith.muli %scan3A_364, %mul3A_422 : i32
      %add3A_424 = arith.constant 2 : i32
      %add3A_425 = arith.addi %mul3A_423, %add3A_424 : i32
      %mul3A_426 = arith.constant 16 : i32
      %mul3A_427 = arith.muli %add3A_425, %mul3A_426 : i32
      %get3A_428 = arith.index_cast %mul3A_427 : i32 to index
      %get3A_429 = tpu.vector_load %arg8[%get3A_428] {strides = array<i32>} : memref<16384xi32, #tpu.memory_space<vmem>>, vector<16xi32>,
      %shift_right_logical3A_430 = arith.constant 15 : i32
      %shift_right_logical3A_431 = vector.broadcast %shift_right_logical3A_430 : i32 to vector<16xi32>
      %shift_right_logical3A_432 = arith.shrui %get3A_429, %shift_right_logical3A_431 : vector<16xi32>
      %eq3A_433 = vector.broadcast %add3A : i32 to vector<16xi32>
      %eq3A_434 = arith.cmpi eq, %shift_right_logical3A_432, %eq3A_433 : vector<16xi32>
      %and3A_435 = arith.constant 32767 : i32
      %and3A_436 = vector.broadcast %and3A_435 : i32 to vector<16xi32>
      %and3A_437 = arith.andi %get3A_429, %and3A_436 : vector<16xi32>
      %shift_left3A_438 = arith.constant 4 : i32
      %shift_left3A_439 = vector.broadcast %shift_left3A_438 : i32 to vector<16xi32>
      %shift_left3A_440 = arith.shli %and3A_437, %shift_left3A_439 : vector<16xi32>
      %or3A_441 = arith.ori %shift_left3A_440, %iota3A : vector<16xi32>
      %jit3A_442 = arith.constant 2147483647 : i32
      %broadcast_in_dim3A_443 = vector.broadcast %jit3A_442 : i32 to vector<16xi32>
      %select_n3A_444 = arith.select %eq3A_434, %or3A_441, %broadcast_in_dim3A_443 : vector<16xi1>, vector<16xi32>
      %masked_sort3A_445 = arith.constant dense<true> : vector<16xi1>
      %masked_sort3A_446 = arith.constant -2147483648 : i32
      %masked_sort3A_447 = vector.broadcast %masked_sort3A_446 : i32 to vector<16xi32>
      %masked_sort3A_448 = arith.xori %select_n3A_444, %masked_sort3A_447 : vector<16xi32>
      %masked_sort3A_449, %masked_sort3A_450, %masked_sort3A_451 = tpu.sort %masked_sort3A_448, %select_n3A_444 masked %masked_sort3A_445 : (vector<16xi32>, vector<16xi32>, vector<16xi1>) -> (vector<16xi1>, vector<16xi32>, vector<16xi32>)
      %masked_sort3A_452 = arith.xori %masked_sort3A_450, %masked_sort3A_447 : vector<16xi32>
      %mul3A_453 = arith.constant 8 : i32
      %mul3A_454 = arith.muli %scan3A_364, %mul3A_453 : i32
      %add3A_455 = arith.constant 3 : i32
      %add3A_456 = arith.addi %mul3A_454, %add3A_455 : i32
      %mul3A_457 = arith.constant 16 : i32
      %mul3A_458 = arith.muli %add3A_456, %mul3A_457 : i32
      %get3A_459 = arith.index_cast %mul3A_458 : i32 to index
      %get3A_460 = tpu.vector_load %arg8[%get3A_459] {strides = array<i32>} : memref<16384xi32, #tpu.memory_space<vmem>>, vector<16xi32>,
      %shift_right_logical3A_461 = arith.constant 15 : i32
      %shift_right_logical3A_462 = vector.broadcast %shift_right_logical3A_461 : i32 to vector<16xi32>
      %shift_right_logical3A_463 = arith.shrui %get3A_460, %shift_right_logical3A_462 : vector<16xi32>
      %eq3A_464 = vector.broadcast %add3A : i32 to vector<16xi32>
      %eq3A_465 = arith.cmpi eq, %shift_right_logical3A_463, %eq3A_464 : vector<16xi32>
      %and3A_466 = arith.constant 32767 : i32
      %and3A_467 = vector.broadcast %and3A_466 : i32 to vector<16xi32>
      %and3A_468 = arith.andi %get3A_460, %and3A_467 : vector<16xi32>
      %shift_left3A_469 = arith.constant 4 : i32
      %shift_left3A_470 = vector.broadcast %shift_left3A_469 : i32 to vector<16xi32>
      %shift_left3A_471 = arith.shli %and3A_468, %shift_left3A_470 : vector<16xi32>
      %or3A_472 = arith.ori %shift_left3A_471, %iota3A : vector<16xi32>
      %jit3A_473 = arith.constant 2147483647 : i32
      %broadcast_in_dim3A_474 = vector.broadcast %jit3A_473 : i32 to vector<16xi32>
      %select_n3A_475 = arith.select %eq3A_465, %or3A_472, %broadcast_in_dim3A_474 : vector<16xi1>, vector<16xi32>
      %masked_sort3A_476 = arith.constant dense<true> : vector<16xi1>
      %masked_sort3A_477 = arith.constant -2147483648 : i32
      %masked_sort3A_478 = vector.broadcast %masked_sort3A_477 : i32 to vector<16xi32>
      %masked_sort3A_479 = arith.xori %select_n3A_475, %masked_sort3A_478 : vector<16xi32>
      %masked_sort3A_480, %masked_sort3A_481, %masked_sort3A_482 = tpu.sort %masked_sort3A_479, %select_n3A_475 masked %masked_sort3A_476 : (vector<16xi32>, vector<16xi32>, vector<16xi1>) -> (vector<16xi1>, vector<16xi32>, vector<16xi32>)
      %masked_sort3A_483 = arith.xori %masked_sort3A_481, %masked_sort3A_478 : vector<16xi32>
      %mul3A_484 = arith.constant 8 : i32
      %mul3A_485 = arith.muli %scan3A_364, %mul3A_484 : i32
      %add3A_486 = arith.constant 4 : i32
      %add3A_487 = arith.addi %mul3A_485, %add3A_486 : i32
      %mul3A_488 = arith.constant 16 : i32
      %mul3A_489 = arith.muli %add3A_487, %mul3A_488 : i32
      %get3A_490 = arith.index_cast %mul3A_489 : i32 to index
      %get3A_491 = tpu.vector_load %arg8[%get3A_490] {strides = array<i32>} : memref<16384xi32, #tpu.memory_space<vmem>>, vector<16xi32>,
      %shift_right_logical3A_492 = arith.constant 15 : i32
      %shift_right_logical3A_493 = vector.broadcast %shift_right_logical3A_492 : i32 to vector<16xi32>
      %shift_right_logical3A_494 = arith.shrui %get3A_491, %shift_right_logical3A_493 : vector<16xi32>
      %eq3A_495 = vector.broadcast %add3A : i32 to vector<16xi32>
      %eq3A_496 = arith.cmpi eq, %shift_right_logical3A_494, %eq3A_495 : vector<16xi32>
      %and3A_497 = arith.constant 32767 : i32
      %and3A_498 = vector.broadcast %and3A_497 : i32 to vector<16xi32>
      %and3A_499 = arith.andi %get3A_491, %and3A_498 : vector<16xi32>
      %shift_left3A_500 = arith.constant 4 : i32
      %shift_left3A_501 = vector.broadcast %shift_left3A_500 : i32 to vector<16xi32>
      %shift_left3A_502 = arith.shli %and3A_499, %shift_left3A_501 : vector<16xi32>
      %or3A_503 = arith.ori %shift_left3A_502, %iota3A : vector<16xi32>
      %jit3A_504 = arith.constant 2147483647 : i32
      %broadcast_in_dim3A_505 = vector.broadcast %jit3A_504 : i32 to vector<16xi32>
      %select_n3A_506 = arith.select %eq3A_496, %or3A_503, %broadcast_in_dim3A_505 : vector<16xi1>, vector<16xi32>
      %masked_sort3A_507 = arith.constant dense<true> : vector<16xi1>
      %masked_sort3A_508 = arith.constant -2147483648 : i32
      %masked_sort3A_509 = vector.broadcast %masked_sort3A_508 : i32 to vector<16xi32>
      %masked_sort3A_510 = arith.xori %select_n3A_506, %masked_sort3A_509 : vector<16xi32>
      %masked_sort3A_511, %masked_sort3A_512, %masked_sort3A_513 = tpu.sort %masked_sort3A_510, %select_n3A_506 masked %masked_sort3A_507 : (vector<16xi32>, vector<16xi32>, vector<16xi1>) -> (vector<16xi1>, vector<16xi32>, vector<16xi32>)
      %masked_sort3A_514 = arith.xori %masked_sort3A_512, %masked_sort3A_509 : vector<16xi32>
      %mul3A_515 = arith.constant 8 : i32
      %mul3A_516 = arith.muli %scan3A_364, %mul3A_515 : i32
      %add3A_517 = arith.constant 5 : i32
      %add3A_518 = arith.addi %mul3A_516, %add3A_517 : i32
      %mul3A_519 = arith.constant 16 : i32
      %mul3A_520 = arith.muli %add3A_518, %mul3A_519 : i32
      %get3A_521 = arith.index_cast %mul3A_520 : i32 to index
      %get3A_522 = tpu.vector_load %arg8[%get3A_521] {strides = array<i32>} : memref<16384xi32, #tpu.memory_space<vmem>>, vector<16xi32>,
      %shift_right_logical3A_523 = arith.constant 15 : i32
      %shift_right_logical3A_524 = vector.broadcast %shift_right_logical3A_523 : i32 to vector<16xi32>
      %shift_right_logical3A_525 = arith.shrui %get3A_522, %shift_right_logical3A_524 : vector<16xi32>
      %eq3A_526 = vector.broadcast %add3A : i32 to vector<16xi32>
      %eq3A_527 = arith.cmpi eq, %shift_right_logical3A_525, %eq3A_526 : vector<16xi32>
      %and3A_528 = arith.constant 32767 : i32
      %and3A_529 = vector.broadcast %and3A_528 : i32 to vector<16xi32>
      %and3A_530 = arith.andi %get3A_522, %and3A_529 : vector<16xi32>
      %shift_left3A_531 = arith.constant 4 : i32
      %shift_left3A_532 = vector.broadcast %shift_left3A_531 : i32 to vector<16xi32>
      %shift_left3A_533 = arith.shli %and3A_530, %shift_left3A_532 : vector<16xi32>
      %or3A_534 = arith.ori %shift_left3A_533, %iota3A : vector<16xi32>
      %jit3A_535 = arith.constant 2147483647 : i32
      %broadcast_in_dim3A_536 = vector.broadcast %jit3A_535 : i32 to vector<16xi32>
      %select_n3A_537 = arith.select %eq3A_527, %or3A_534, %broadcast_in_dim3A_536 : vector<16xi1>, vector<16xi32>
      %masked_sort3A_538 = arith.constant dense<true> : vector<16xi1>
      %masked_sort3A_539 = arith.constant -2147483648 : i32
      %masked_sort3A_540 = vector.broadcast %masked_sort3A_539 : i32 to vector<16xi32>
      %masked_sort3A_541 = arith.xori %select_n3A_537, %masked_sort3A_540 : vector<16xi32>
      %masked_sort3A_542, %masked_sort3A_543, %masked_sort3A_544 = tpu.sort %masked_sort3A_541, %select_n3A_537 masked %masked_sort3A_538 : (vector<16xi32>, vector<16xi32>, vector<16xi1>) -> (vector<16xi1>, vector<16xi32>, vector<16xi32>)
      %masked_sort3A_545 = arith.xori %masked_sort3A_543, %masked_sort3A_540 : vector<16xi32>
      %mul3A_546 = arith.constant 8 : i32
      %mul3A_547 = arith.muli %scan3A_364, %mul3A_546 : i32
      %add3A_548 = arith.constant 6 : i32
      %add3A_549 = arith.addi %mul3A_547, %add3A_548 : i32
      %mul3A_550 = arith.constant 16 : i32
      %mul3A_551 = arith.muli %add3A_549, %mul3A_550 : i32
      %get3A_552 = arith.index_cast %mul3A_551 : i32 to index
      %get3A_553 = tpu.vector_load %arg8[%get3A_552] {strides = array<i32>} : memref<16384xi32, #tpu.memory_space<vmem>>, vector<16xi32>,
      %shift_right_logical3A_554 = arith.constant 15 : i32
      %shift_right_logical3A_555 = vector.broadcast %shift_right_logical3A_554 : i32 to vector<16xi32>
      %shift_right_logical3A_556 = arith.shrui %get3A_553, %shift_right_logical3A_555 : vector<16xi32>
      %eq3A_557 = vector.broadcast %add3A : i32 to vector<16xi32>
      %eq3A_558 = arith.cmpi eq, %shift_right_logical3A_556, %eq3A_557 : vector<16xi32>
      %and3A_559 = arith.constant 32767 : i32
      %and3A_560 = vector.broadcast %and3A_559 : i32 to vector<16xi32>
      %and3A_561 = arith.andi %get3A_553, %and3A_560 : vector<16xi32>
      %shift_left3A_562 = arith.constant 4 : i32
      %shift_left3A_563 = vector.broadcast %shift_left3A_562 : i32 to vector<16xi32>
      %shift_left3A_564 = arith.shli %and3A_561, %shift_left3A_563 : vector<16xi32>
      %or3A_565 = arith.ori %shift_left3A_564, %iota3A : vector<16xi32>
      %jit3A_566 = arith.constant 2147483647 : i32
      %broadcast_in_dim3A_567 = vector.broadcast %jit3A_566 : i32 to vector<16xi32>
      %select_n3A_568 = arith.select %eq3A_558, %or3A_565, %broadcast_in_dim3A_567 : vector<16xi1>, vector<16xi32>
      %masked_sort3A_569 = arith.constant dense<true> : vector<16xi1>
      %masked_sort3A_570 = arith.constant -2147483648 : i32
      %masked_sort3A_571 = vector.broadcast %masked_sort3A_570 : i32 to vector<16xi32>
      %masked_sort3A_572 = arith.xori %select_n3A_568, %masked_sort3A_571 : vector<16xi32>
      %masked_sort3A_573, %masked_sort3A_574, %masked_sort3A_575 = tpu.sort %masked_sort3A_572, %select_n3A_568 masked %masked_sort3A_569 : (vector<16xi32>, vector<16xi32>, vector<16xi1>) -> (vector<16xi1>, vector<16xi32>, vector<16xi32>)
      %masked_sort3A_576 = arith.xori %masked_sort3A_574, %masked_sort3A_571 : vector<16xi32>
      %mul3A_577 = arith.constant 8 : i32
      %mul3A_578 = arith.muli %scan3A_364, %mul3A_577 : i32
      %add3A_579 = arith.constant 7 : i32
      %add3A_580 = arith.addi %mul3A_578, %add3A_579 : i32
      %mul3A_581 = arith.constant 16 : i32
      %mul3A_582 = arith.muli %add3A_580, %mul3A_581 : i32
      %get3A_583 = arith.index_cast %mul3A_582 : i32 to index
      %get3A_584 = tpu.vector_load %arg8[%get3A_583] {strides = array<i32>} : memref<16384xi32, #tpu.memory_space<vmem>>, vector<16xi32>,
      %shift_right_logical3A_585 = arith.constant 15 : i32
      %shift_right_logical3A_586 = vector.broadcast %shift_right_logical3A_585 : i32 to vector<16xi32>
      %shift_right_logical3A_587 = arith.shrui %get3A_584, %shift_right_logical3A_586 : vector<16xi32>
      %eq3A_588 = vector.broadcast %add3A : i32 to vector<16xi32>
      %eq3A_589 = arith.cmpi eq, %shift_right_logical3A_587, %eq3A_588 : vector<16xi32>
      %and3A_590 = arith.constant 32767 : i32
      %and3A_591 = vector.broadcast %and3A_590 : i32 to vector<16xi32>
      %and3A_592 = arith.andi %get3A_584, %and3A_591 : vector<16xi32>
      %shift_left3A_593 = arith.constant 4 : i32
      %shift_left3A_594 = vector.broadcast %shift_left3A_593 : i32 to vector<16xi32>
      %shift_left3A_595 = arith.shli %and3A_592, %shift_left3A_594 : vector<16xi32>
      %or3A_596 = arith.ori %shift_left3A_595, %iota3A : vector<16xi32>
      %jit3A_597 = arith.constant 2147483647 : i32
      %broadcast_in_dim3A_598 = vector.broadcast %jit3A_597 : i32 to vector<16xi32>
      %select_n3A_599 = arith.select %eq3A_589, %or3A_596, %broadcast_in_dim3A_598 : vector<16xi1>, vector<16xi32>
      %masked_sort3A_600 = arith.constant dense<true> : vector<16xi1>
      %masked_sort3A_601 = arith.constant -2147483648 : i32
      %masked_sort3A_602 = vector.broadcast %masked_sort3A_601 : i32 to vector<16xi32>
      %masked_sort3A_603 = arith.xori %select_n3A_599, %masked_sort3A_602 : vector<16xi32>
      %masked_sort3A_604, %masked_sort3A_605, %masked_sort3A_606 = tpu.sort %masked_sort3A_603, %select_n3A_599 masked %masked_sort3A_600 : (vector<16xi32>, vector<16xi32>, vector<16xi1>) -> (vector<16xi1>, vector<16xi32>, vector<16xi32>)
      %masked_sort3A_607 = arith.xori %masked_sort3A_605, %masked_sort3A_602 : vector<16xi32>
      %mul3A_608 = arith.constant 8 : i32
      %mul3A_609 = arith.muli %scan3A_364, %mul3A_608 : i32
      %add3A_610 = arith.constant 0 : i32
      %add3A_611 = arith.addi %mul3A_609, %add3A_610 : i32
      %shift_right_logical3A_612 = arith.constant 4 : i32
      %shift_right_logical3A_613 = vector.broadcast %shift_right_logical3A_612 : i32 to vector<16xi32>
      %shift_right_logical3A_614 = arith.shrui %masked_sort3A_390, %shift_right_logical3A_613 : vector<16xi32>
      %iota3A_615 = tpu.iota {dimensions = array<i32: 0>} : vector<16xi32>
      %add3A_616 = arith.constant 1 : i32
      %add3A_617 = vector.broadcast %add3A_616 : i32 to vector<16xi32>
      %add3A_618 = arith.addi %iota3A_615, %add3A_617 : vector<16xi32>
      %min3A = arith.constant 15 : i32
      %min3A_619 = vector.broadcast %min3A : i32 to vector<16xi32>
      %min3A_620 = arith.minsi %add3A_618, %min3A_619 : vector<16xi32>
      %broadcast_in_dim3A_621 = vector.shape_cast %min3A_620 : vector<16xi32> to vector<16x1xi32>
      %gather3A_622 = vector.shape_cast %broadcast_in_dim3A_621 : vector<16x1xi32> to vector<16xi32>
      %gather3A_623 = tpu.dynamic_gather %shift_right_logical3A_614[%gather3A_622] in [0] : vector<16xi32>, vector<16xi32> -> vector<16xi32>
      %ne3A = arith.cmpi ne, %shift_right_logical3A_614, %gather3A_623 : vector<16xi32>
      %eq3A_624 = arith.constant 15 : i32
      %eq3A_625 = vector.broadcast %eq3A_624 : i32 to vector<16xi32>
      %eq3A_626 = arith.cmpi eq, %iota3A, %eq3A_625 : vector<16xi32>
      %or3A_627 = arith.ori %ne3A, %eq3A_626 : vector<16xi1>
      %ne3A_628 = arith.constant 2147483647 : i32
      %ne3A_629 = vector.broadcast %ne3A_628 : i32 to vector<16xi32>
      %ne3A_630 = arith.cmpi ne, %masked_sort3A_390, %ne3A_629 : vector<16xi32>
      %and3A_631 = arith.andi %or3A_627, %ne3A_630 : vector<16xi1>
      %and3A_632 = arith.constant 32767 : i32
      %and3A_633 = vector.broadcast %and3A_632 : i32 to vector<16xi32>
      %and3A_634 = arith.andi %shift_right_logical3A_614, %and3A_633 : vector<16xi32>
      %mul3A_635 = arith.constant 16 : i32
      %mul3A_636 = arith.muli %add3A_611, %mul3A_635 : i32
      %and3A_637 = arith.constant 15 : i32
      %and3A_638 = vector.broadcast %and3A_637 : i32 to vector<16xi32>
      %and3A_639 = arith.andi %masked_sort3A_390, %and3A_638 : vector<16xi32>
      %add3A_640 = vector.broadcast %mul3A_636 : i32 to vector<16xi32>
      %add3A_641 = arith.addi %add3A_640, %and3A_639 : vector<16xi32>
      tpu.vector_store_idx %arg10[%and3A_634], %add3A_641 masked %and3A_631 : memref<32768xi32, #tpu.memory_space<vmem>>[vector<16xi32>], vector<16xi32>, vector<16xi1>
      %add3A_642 = arith.addi %scan3A_365, %iota3A : vector<16xi32>
      %shift_right_logical3A_643 = arith.constant 6 : i32
      %shift_right_logical3A_644 = vector.broadcast %shift_right_logical3A_643 : i32 to vector<16xi32>
      %shift_right_logical3A_645 = arith.shrui %add3A_642, %shift_right_logical3A_644 : vector<16xi32>
      %and3A_646 = arith.constant 63 : i32
      %and3A_647 = vector.broadcast %and3A_646 : i32 to vector<16xi32>
      %and3A_648 = arith.andi %add3A_642, %and3A_647 : vector<16xi32>
      tpu.vector_store_idx %arg11[%shift_right_logical3A_645, %and3A_648], %add3A_641 masked %ne3A_630 : memref<256x64xi32, #tpu.memory_space<vmem>>[vector<16xi32>, vector<16xi32>], vector<16xi32>, vector<16xi1>
      %all_reduce_population_count3A = tpu.all_reduce %eq3A_377 {dim = 0 : i64, kind = #tpu.reduction_kind<sum>} : vector<16xi1> -> vector<16xi32>
      %add3A_649 = arith.addi %scan3A_365, %all_reduce_population_count3A : vector<16xi32>
      %mul3A_650 = arith.constant 8 : i32
      %mul3A_651 = arith.muli %scan3A_364, %mul3A_650 : i32
      %add3A_652 = arith.constant 1 : i32
      %add3A_653 = arith.addi %mul3A_651, %add3A_652 : i32
      %shift_right_logical3A_654 = arith.constant 4 : i32
      %shift_right_logical3A_655 = vector.broadcast %shift_right_logical3A_654 : i32 to vector<16xi32>
      %shift_right_logical3A_656 = arith.shrui %masked_sort3A_421, %shift_right_logical3A_655 : vector<16xi32>
      %iota3A_657 = tpu.iota {dimensions = array<i32: 0>} : vector<16xi32>
      %add3A_658 = arith.constant 1 : i32
      %add3A_659 = vector.broadcast %add3A_658 : i32 to vector<16xi32>
      %add3A_660 = arith.addi %iota3A_657, %add3A_659 : vector<16xi32>
      %min3A_661 = arith.constant 15 : i32
      %min3A_662 = vector.broadcast %min3A_661 : i32 to vector<16xi32>
      %min3A_663 = arith.minsi %add3A_660, %min3A_662 : vector<16xi32>
      %broadcast_in_dim3A_664 = vector.shape_cast %min3A_663 : vector<16xi32> to vector<16x1xi32>
      %gather3A_665 = vector.shape_cast %broadcast_in_dim3A_664 : vector<16x1xi32> to vector<16xi32>
      %gather3A_666 = tpu.dynamic_gather %shift_right_logical3A_656[%gather3A_665] in [0] : vector<16xi32>, vector<16xi32> -> vector<16xi32>
      %ne3A_667 = arith.cmpi ne, %shift_right_logical3A_656, %gather3A_666 : vector<16xi32>
      %eq3A_668 = arith.constant 15 : i32
      %eq3A_669 = vector.broadcast %eq3A_668 : i32 to vector<16xi32>
      %eq3A_670 = arith.cmpi eq, %iota3A, %eq3A_669 : vector<16xi32>
      %or3A_671 = arith.ori %ne3A_667, %eq3A_670 : vector<16xi1>
      %ne3A_672 = arith.constant 2147483647 : i32
      %ne3A_673 = vector.broadcast %ne3A_672 : i32 to vector<16xi32>
      %ne3A_674 = arith.cmpi ne, %masked_sort3A_421, %ne3A_673 : vector<16xi32>
      %and3A_675 = arith.andi %or3A_671, %ne3A_674 : vector<16xi1>
      %and3A_676 = arith.constant 32767 : i32
      %and3A_677 = vector.broadcast %and3A_676 : i32 to vector<16xi32>
      %and3A_678 = arith.andi %shift_right_logical3A_656, %and3A_677 : vector<16xi32>
      %mul3A_679 = arith.constant 16 : i32
      %mul3A_680 = arith.muli %add3A_653, %mul3A_679 : i32
      %and3A_681 = arith.constant 15 : i32
      %and3A_682 = vector.broadcast %and3A_681 : i32 to vector<16xi32>
      %and3A_683 = arith.andi %masked_sort3A_421, %and3A_682 : vector<16xi32>
      %add3A_684 = vector.broadcast %mul3A_680 : i32 to vector<16xi32>
      %add3A_685 = arith.addi %add3A_684, %and3A_683 : vector<16xi32>
      tpu.vector_store_idx %arg10[%and3A_678], %add3A_685 masked %and3A_675 : memref<32768xi32, #tpu.memory_space<vmem>>[vector<16xi32>], vector<16xi32>, vector<16xi1>
      %add3A_686 = arith.addi %add3A_649, %iota3A : vector<16xi32>
      %shift_right_logical3A_687 = arith.constant 6 : i32
      %shift_right_logical3A_688 = vector.broadcast %shift_right_logical3A_687 : i32 to vector<16xi32>
      %shift_right_logical3A_689 = arith.shrui %add3A_686, %shift_right_logical3A_688 : vector<16xi32>
      %and3A_690 = arith.constant 63 : i32
      %and3A_691 = vector.broadcast %and3A_690 : i32 to vector<16xi32>
      %and3A_692 = arith.andi %add3A_686, %and3A_691 : vector<16xi32>
      tpu.vector_store_idx %arg11[%shift_right_logical3A_689, %and3A_692], %add3A_685 masked %ne3A_674 : memref<256x64xi32, #tpu.memory_space<vmem>>[vector<16xi32>, vector<16xi32>], vector<16xi32>, vector<16xi1>
      %all_reduce_population_count3A_693 = tpu.all_reduce %eq3A_403 {dim = 0 : i64, kind = #tpu.reduction_kind<sum>} : vector<16xi1> -> vector<16xi32>
      %add3A_694 = arith.addi %add3A_649, %all_reduce_population_count3A_693 : vector<16xi32>
      %mul3A_695 = arith.constant 8 : i32
      %mul3A_696 = arith.muli %scan3A_364, %mul3A_695 : i32
      %add3A_697 = arith.constant 2 : i32
      %add3A_698 = arith.addi %mul3A_696, %add3A_697 : i32
      %shift_right_logical3A_699 = arith.constant 4 : i32
      %shift_right_logical3A_700 = vector.broadcast %shift_right_logical3A_699 : i32 to vector<16xi32>
      %shift_right_logical3A_701 = arith.shrui %masked_sort3A_452, %shift_right_logical3A_700 : vector<16xi32>
      %iota3A_702 = tpu.iota {dimensions = array<i32: 0>} : vector<16xi32>
      %add3A_703 = arith.constant 1 : i32
      %add3A_704 = vector.broadcast %add3A_703 : i32 to vector<16xi32>
      %add3A_705 = arith.addi %iota3A_702, %add3A_704 : vector<16xi32>
      %min3A_706 = arith.constant 15 : i32
      %min3A_707 = vector.broadcast %min3A_706 : i32 to vector<16xi32>
      %min3A_708 = arith.minsi %add3A_705, %min3A_707 : vector<16xi32>
      %broadcast_in_dim3A_709 = vector.shape_cast %min3A_708 : vector<16xi32> to vector<16x1xi32>
      %gather3A_710 = vector.shape_cast %broadcast_in_dim3A_709 : vector<16x1xi32> to vector<16xi32>
      %gather3A_711 = tpu.dynamic_gather %shift_right_logical3A_701[%gather3A_710] in [0] : vector<16xi32>, vector<16xi32> -> vector<16xi32>
      %ne3A_712 = arith.cmpi ne, %shift_right_logical3A_701, %gather3A_711 : vector<16xi32>
      %eq3A_713 = arith.constant 15 : i32
      %eq3A_714 = vector.broadcast %eq3A_713 : i32 to vector<16xi32>
      %eq3A_715 = arith.cmpi eq, %iota3A, %eq3A_714 : vector<16xi32>
      %or3A_716 = arith.ori %ne3A_712, %eq3A_715 : vector<16xi1>
      %ne3A_717 = arith.constant 2147483647 : i32
      %ne3A_718 = vector.broadcast %ne3A_717 : i32 to vector<16xi32>
      %ne3A_719 = arith.cmpi ne, %masked_sort3A_452, %ne3A_718 : vector<16xi32>
      %and3A_720 = arith.andi %or3A_716, %ne3A_719 : vector<16xi1>
      %and3A_721 = arith.constant 32767 : i32
      %and3A_722 = vector.broadcast %and3A_721 : i32 to vector<16xi32>
      %and3A_723 = arith.andi %shift_right_logical3A_701, %and3A_722 : vector<16xi32>
      %mul3A_724 = arith.constant 16 : i32
      %mul3A_725 = arith.muli %add3A_698, %mul3A_724 : i32
      %and3A_726 = arith.constant 15 : i32
      %and3A_727 = vector.broadcast %and3A_726 : i32 to vector<16xi32>
      %and3A_728 = arith.andi %masked_sort3A_452, %and3A_727 : vector<16xi32>
      %add3A_729 = vector.broadcast %mul3A_725 : i32 to vector<16xi32>
      %add3A_730 = arith.addi %add3A_729, %and3A_728 : vector<16xi32>
      tpu.vector_store_idx %arg10[%and3A_723], %add3A_730 masked %and3A_720 : memref<32768xi32, #tpu.memory_space<vmem>>[vector<16xi32>], vector<16xi32>, vector<16xi1>
      %add3A_731 = arith.addi %add3A_694, %iota3A : vector<16xi32>
      %shift_right_logical3A_732 = arith.constant 6 : i32
      %shift_right_logical3A_733 = vector.broadcast %shift_right_logical3A_732 : i32 to vector<16xi32>
      %shift_right_logical3A_734 = arith.shrui %add3A_731, %shift_right_logical3A_733 : vector<16xi32>
      %and3A_735 = arith.constant 63 : i32
      %and3A_736 = vector.broadcast %and3A_735 : i32 to vector<16xi32>
      %and3A_737 = arith.andi %add3A_731, %and3A_736 : vector<16xi32>
      tpu.vector_store_idx %arg11[%shift_right_logical3A_734, %and3A_737], %add3A_730 masked %ne3A_719 : memref<256x64xi32, #tpu.memory_space<vmem>>[vector<16xi32>, vector<16xi32>], vector<16xi32>, vector<16xi1>
      %all_reduce_population_count3A_738 = tpu.all_reduce %eq3A_434 {dim = 0 : i64, kind = #tpu.reduction_kind<sum>} : vector<16xi1> -> vector<16xi32>
      %add3A_739 = arith.addi %add3A_694, %all_reduce_population_count3A_738 : vector<16xi32>
      %mul3A_740 = arith.constant 8 : i32
      %mul3A_741 = arith.muli %scan3A_364, %mul3A_740 : i32
      %add3A_742 = arith.constant 3 : i32
      %add3A_743 = arith.addi %mul3A_741, %add3A_742 : i32
      %shift_right_logical3A_744 = arith.constant 4 : i32
      %shift_right_logical3A_745 = vector.broadcast %shift_right_logical3A_744 : i32 to vector<16xi32>
      %shift_right_logical3A_746 = arith.shrui %masked_sort3A_483, %shift_right_logical3A_745 : vector<16xi32>
      %iota3A_747 = tpu.iota {dimensions = array<i32: 0>} : vector<16xi32>
      %add3A_748 = arith.constant 1 : i32
      %add3A_749 = vector.broadcast %add3A_748 : i32 to vector<16xi32>
      %add3A_750 = arith.addi %iota3A_747, %add3A_749 : vector<16xi32>
      %min3A_751 = arith.constant 15 : i32
      %min3A_752 = vector.broadcast %min3A_751 : i32 to vector<16xi32>
      %min3A_753 = arith.minsi %add3A_750, %min3A_752 : vector<16xi32>
      %broadcast_in_dim3A_754 = vector.shape_cast %min3A_753 : vector<16xi32> to vector<16x1xi32>
      %gather3A_755 = vector.shape_cast %broadcast_in_dim3A_754 : vector<16x1xi32> to vector<16xi32>
      %gather3A_756 = tpu.dynamic_gather %shift_right_logical3A_746[%gather3A_755] in [0] : vector<16xi32>, vector<16xi32> -> vector<16xi32>
      %ne3A_757 = arith.cmpi ne, %shift_right_logical3A_746, %gather3A_756 : vector<16xi32>
      %eq3A_758 = arith.constant 15 : i32
      %eq3A_759 = vector.broadcast %eq3A_758 : i32 to vector<16xi32>
      %eq3A_760 = arith.cmpi eq, %iota3A, %eq3A_759 : vector<16xi32>
      %or3A_761 = arith.ori %ne3A_757, %eq3A_760 : vector<16xi1>
      %ne3A_762 = arith.constant 2147483647 : i32
      %ne3A_763 = vector.broadcast %ne3A_762 : i32 to vector<16xi32>
      %ne3A_764 = arith.cmpi ne, %masked_sort3A_483, %ne3A_763 : vector<16xi32>
      %and3A_765 = arith.andi %or3A_761, %ne3A_764 : vector<16xi1>
      %and3A_766 = arith.constant 32767 : i32
      %and3A_767 = vector.broadcast %and3A_766 : i32 to vector<16xi32>
      %and3A_768 = arith.andi %shift_right_logical3A_746, %and3A_767 : vector<16xi32>
      %mul3A_769 = arith.constant 16 : i32
      %mul3A_770 = arith.muli %add3A_743, %mul3A_769 : i32
      %and3A_771 = arith.constant 15 : i32
      %and3A_772 = vector.broadcast %and3A_771 : i32 to vector<16xi32>
      %and3A_773 = arith.andi %masked_sort3A_483, %and3A_772 : vector<16xi32>
      %add3A_774 = vector.broadcast %mul3A_770 : i32 to vector<16xi32>
      %add3A_775 = arith.addi %add3A_774, %and3A_773 : vector<16xi32>
      tpu.vector_store_idx %arg10[%and3A_768], %add3A_775 masked %and3A_765 : memref<32768xi32, #tpu.memory_space<vmem>>[vector<16xi32>], vector<16xi32>, vector<16xi1>
      %add3A_776 = arith.addi %add3A_739, %iota3A : vector<16xi32>
      %shift_right_logical3A_777 = arith.constant 6 : i32
      %shift_right_logical3A_778 = vector.broadcast %shift_right_logical3A_777 : i32 to vector<16xi32>
      %shift_right_logical3A_779 = arith.shrui %add3A_776, %shift_right_logical3A_778 : vector<16xi32>
      %and3A_780 = arith.constant 63 : i32
      %and3A_781 = vector.broadcast %and3A_780 : i32 to vector<16xi32>
      %and3A_782 = arith.andi %add3A_776, %and3A_781 : vector<16xi32>
      tpu.vector_store_idx %arg11[%shift_right_logical3A_779, %and3A_782], %add3A_775 masked %ne3A_764 : memref<256x64xi32, #tpu.memory_space<vmem>>[vector<16xi32>, vector<16xi32>], vector<16xi32>, vector<16xi1>
      %all_reduce_population_count3A_783 = tpu.all_reduce %eq3A_465 {dim = 0 : i64, kind = #tpu.reduction_kind<sum>} : vector<16xi1> -> vector<16xi32>
      %add3A_784 = arith.addi %add3A_739, %all_reduce_population_count3A_783 : vector<16xi32>
      %mul3A_785 = arith.constant 8 : i32
      %mul3A_786 = arith.muli %scan3A_364, %mul3A_785 : i32
      %add3A_787 = arith.constant 4 : i32
      %add3A_788 = arith.addi %mul3A_786, %add3A_787 : i32
      %shift_right_logical3A_789 = arith.constant 4 : i32
      %shift_right_logical3A_790 = vector.broadcast %shift_right_logical3A_789 : i32 to vector<16xi32>
      %shift_right_logical3A_791 = arith.shrui %masked_sort3A_514, %shift_right_logical3A_790 : vector<16xi32>
      %iota3A_792 = tpu.iota {dimensions = array<i32: 0>} : vector<16xi32>
      %add3A_793 = arith.constant 1 : i32
      %add3A_794 = vector.broadcast %add3A_793 : i32 to vector<16xi32>
      %add3A_795 = arith.addi %iota3A_792, %add3A_794 : vector<16xi32>
      %min3A_796 = arith.constant 15 : i32
      %min3A_797 = vector.broadcast %min3A_796 : i32 to vector<16xi32>
      %min3A_798 = arith.minsi %add3A_795, %min3A_797 : vector<16xi32>
      %broadcast_in_dim3A_799 = vector.shape_cast %min3A_798 : vector<16xi32> to vector<16x1xi32>
      %gather3A_800 = vector.shape_cast %broadcast_in_dim3A_799 : vector<16x1xi32> to vector<16xi32>
      %gather3A_801 = tpu.dynamic_gather %shift_right_logical3A_791[%gather3A_800] in [0] : vector<16xi32>, vector<16xi32> -> vector<16xi32>
      %ne3A_802 = arith.cmpi ne, %shift_right_logical3A_791, %gather3A_801 : vector<16xi32>
      %eq3A_803 = arith.constant 15 : i32
      %eq3A_804 = vector.broadcast %eq3A_803 : i32 to vector<16xi32>
      %eq3A_805 = arith.cmpi eq, %iota3A, %eq3A_804 : vector<16xi32>
      %or3A_806 = arith.ori %ne3A_802, %eq3A_805 : vector<16xi1>
      %ne3A_807 = arith.constant 2147483647 : i32
      %ne3A_808 = vector.broadcast %ne3A_807 : i32 to vector<16xi32>
      %ne3A_809 = arith.cmpi ne, %masked_sort3A_514, %ne3A_808 : vector<16xi32>
      %and3A_810 = arith.andi %or3A_806, %ne3A_809 : vector<16xi1>
      %and3A_811 = arith.constant 32767 : i32
      %and3A_812 = vector.broadcast %and3A_811 : i32 to vector<16xi32>
      %and3A_813 = arith.andi %shift_right_logical3A_791, %and3A_812 : vector<16xi32>
      %mul3A_814 = arith.constant 16 : i32
      %mul3A_815 = arith.muli %add3A_788, %mul3A_814 : i32
      %and3A_816 = arith.constant 15 : i32
      %and3A_817 = vector.broadcast %and3A_816 : i32 to vector<16xi32>
      %and3A_818 = arith.andi %masked_sort3A_514, %and3A_817 : vector<16xi32>
      %add3A_819 = vector.broadcast %mul3A_815 : i32 to vector<16xi32>
      %add3A_820 = arith.addi %add3A_819, %and3A_818 : vector<16xi32>
      tpu.vector_store_idx %arg10[%and3A_813], %add3A_820 masked %and3A_810 : memref<32768xi32, #tpu.memory_space<vmem>>[vector<16xi32>], vector<16xi32>, vector<16xi1>
      %add3A_821 = arith.addi %add3A_784, %iota3A : vector<16xi32>
      %shift_right_logical3A_822 = arith.constant 6 : i32
      %shift_right_logical3A_823 = vector.broadcast %shift_right_logical3A_822 : i32 to vector<16xi32>
      %shift_right_logical3A_824 = arith.shrui %add3A_821, %shift_right_logical3A_823 : vector<16xi32>
      %and3A_825 = arith.constant 63 : i32
      %and3A_826 = vector.broadcast %and3A_825 : i32 to vector<16xi32>
      %and3A_827 = arith.andi %add3A_821, %and3A_826 : vector<16xi32>
      tpu.vector_store_idx %arg11[%shift_right_logical3A_824, %and3A_827], %add3A_820 masked %ne3A_809 : memref<256x64xi32, #tpu.memory_space<vmem>>[vector<16xi32>, vector<16xi32>], vector<16xi32>, vector<16xi1>
      %all_reduce_population_count3A_828 = tpu.all_reduce %eq3A_496 {dim = 0 : i64, kind = #tpu.reduction_kind<sum>} : vector<16xi1> -> vector<16xi32>
      %add3A_829 = arith.addi %add3A_784, %all_reduce_population_count3A_828 : vector<16xi32>
      %mul3A_830 = arith.constant 8 : i32
      %mul3A_831 = arith.muli %scan3A_364, %mul3A_830 : i32
      %add3A_832 = arith.constant 5 : i32
      %add3A_833 = arith.addi %mul3A_831, %add3A_832 : i32
      %shift_right_logical3A_834 = arith.constant 4 : i32
      %shift_right_logical3A_835 = vector.broadcast %shift_right_logical3A_834 : i32 to vector<16xi32>
      %shift_right_logical3A_836 = arith.shrui %masked_sort3A_545, %shift_right_logical3A_835 : vector<16xi32>
      %iota3A_837 = tpu.iota {dimensions = array<i32: 0>} : vector<16xi32>
      %add3A_838 = arith.constant 1 : i32
      %add3A_839 = vector.broadcast %add3A_838 : i32 to vector<16xi32>
      %add3A_840 = arith.addi %iota3A_837, %add3A_839 : vector<16xi32>
      %min3A_841 = arith.constant 15 : i32
      %min3A_842 = vector.broadcast %min3A_841 : i32 to vector<16xi32>
      %min3A_843 = arith.minsi %add3A_840, %min3A_842 : vector<16xi32>
      %broadcast_in_dim3A_844 = vector.shape_cast %min3A_843 : vector<16xi32> to vector<16x1xi32>
      %gather3A_845 = vector.shape_cast %broadcast_in_dim3A_844 : vector<16x1xi32> to vector<16xi32>
      %gather3A_846 = tpu.dynamic_gather %shift_right_logical3A_836[%gather3A_845] in [0] : vector<16xi32>, vector<16xi32> -> vector<16xi32>
      %ne3A_847 = arith.cmpi ne, %shift_right_logical3A_836, %gather3A_846 : vector<16xi32>
      %eq3A_848 = arith.constant 15 : i32
      %eq3A_849 = vector.broadcast %eq3A_848 : i32 to vector<16xi32>
      %eq3A_850 = arith.cmpi eq, %iota3A, %eq3A_849 : vector<16xi32>
      %or3A_851 = arith.ori %ne3A_847, %eq3A_850 : vector<16xi1>
      %ne3A_852 = arith.constant 2147483647 : i32
      %ne3A_853 = vector.broadcast %ne3A_852 : i32 to vector<16xi32>
      %ne3A_854 = arith.cmpi ne, %masked_sort3A_545, %ne3A_853 : vector<16xi32>
      %and3A_855 = arith.andi %or3A_851, %ne3A_854 : vector<16xi1>
      %and3A_856 = arith.constant 32767 : i32
      %and3A_857 = vector.broadcast %and3A_856 : i32 to vector<16xi32>
      %and3A_858 = arith.andi %shift_right_logical3A_836, %and3A_857 : vector<16xi32>
      %mul3A_859 = arith.constant 16 : i32
      %mul3A_860 = arith.muli %add3A_833, %mul3A_859 : i32
      %and3A_861 = arith.constant 15 : i32
      %and3A_862 = vector.broadcast %and3A_861 : i32 to vector<16xi32>
      %and3A_863 = arith.andi %masked_sort3A_545, %and3A_862 : vector<16xi32>
      %add3A_864 = vector.broadcast %mul3A_860 : i32 to vector<16xi32>
      %add3A_865 = arith.addi %add3A_864, %and3A_863 : vector<16xi32>
      tpu.vector_store_idx %arg10[%and3A_858], %add3A_865 masked %and3A_855 : memref<32768xi32, #tpu.memory_space<vmem>>[vector<16xi32>], vector<16xi32>, vector<16xi1>
      %add3A_866 = arith.addi %add3A_829, %iota3A : vector<16xi32>
      %shift_right_logical3A_867 = arith.constant 6 : i32
      %shift_right_logical3A_868 = vector.broadcast %shift_right_logical3A_867 : i32 to vector<16xi32>
      %shift_right_logical3A_869 = arith.shrui %add3A_866, %shift_right_logical3A_868 : vector<16xi32>
      %and3A_870 = arith.constant 63 : i32
      %and3A_871 = vector.broadcast %and3A_870 : i32 to vector<16xi32>
      %and3A_872 = arith.andi %add3A_866, %and3A_871 : vector<16xi32>
      tpu.vector_store_idx %arg11[%shift_right_logical3A_869, %and3A_872], %add3A_865 masked %ne3A_854 : memref<256x64xi32, #tpu.memory_space<vmem>>[vector<16xi32>, vector<16xi32>], vector<16xi32>, vector<16xi1>
      %all_reduce_population_count3A_873 = tpu.all_reduce %eq3A_527 {dim = 0 : i64, kind = #tpu.reduction_kind<sum>} : vector<16xi1> -> vector<16xi32>
      %add3A_874 = arith.addi %add3A_829, %all_reduce_population_count3A_873 : vector<16xi32>
      %mul3A_875 = arith.constant 8 : i32
      %mul3A_876 = arith.muli %scan3A_364, %mul3A_875 : i32
      %add3A_877 = arith.constant 6 : i32
      %add3A_878 = arith.addi %mul3A_876, %add3A_877 : i32
      %shift_right_logical3A_879 = arith.constant 4 : i32
      %shift_right_logical3A_880 = vector.broadcast %shift_right_logical3A_879 : i32 to vector<16xi32>
      %shift_right_logical3A_881 = arith.shrui %masked_sort3A_576, %shift_right_logical3A_880 : vector<16xi32>
      %iota3A_882 = tpu.iota {dimensions = array<i32: 0>} : vector<16xi32>
      %add3A_883 = arith.constant 1 : i32
      %add3A_884 = vector.broadcast %add3A_883 : i32 to vector<16xi32>
      %add3A_885 = arith.addi %iota3A_882, %add3A_884 : vector<16xi32>
      %min3A_886 = arith.constant 15 : i32
      %min3A_887 = vector.broadcast %min3A_886 : i32 to vector<16xi32>
      %min3A_888 = arith.minsi %add3A_885, %min3A_887 : vector<16xi32>
      %broadcast_in_dim3A_889 = vector.shape_cast %min3A_888 : vector<16xi32> to vector<16x1xi32>
      %gather3A_890 = vector.shape_cast %broadcast_in_dim3A_889 : vector<16x1xi32> to vector<16xi32>
      %gather3A_891 = tpu.dynamic_gather %shift_right_logical3A_881[%gather3A_890] in [0] : vector<16xi32>, vector<16xi32> -> vector<16xi32>
      %ne3A_892 = arith.cmpi ne, %shift_right_logical3A_881, %gather3A_891 : vector<16xi32>
      %eq3A_893 = arith.constant 15 : i32
      %eq3A_894 = vector.broadcast %eq3A_893 : i32 to vector<16xi32>
      %eq3A_895 = arith.cmpi eq, %iota3A, %eq3A_894 : vector<16xi32>
      %or3A_896 = arith.ori %ne3A_892, %eq3A_895 : vector<16xi1>
      %ne3A_897 = arith.constant 2147483647 : i32
      %ne3A_898 = vector.broadcast %ne3A_897 : i32 to vector<16xi32>
      %ne3A_899 = arith.cmpi ne, %masked_sort3A_576, %ne3A_898 : vector<16xi32>
      %and3A_900 = arith.andi %or3A_896, %ne3A_899 : vector<16xi1>
      %and3A_901 = arith.constant 32767 : i32
      %and3A_902 = vector.broadcast %and3A_901 : i32 to vector<16xi32>
      %and3A_903 = arith.andi %shift_right_logical3A_881, %and3A_902 : vector<16xi32>
      %mul3A_904 = arith.constant 16 : i32
      %mul3A_905 = arith.muli %add3A_878, %mul3A_904 : i32
      %and3A_906 = arith.constant 15 : i32
      %and3A_907 = vector.broadcast %and3A_906 : i32 to vector<16xi32>
      %and3A_908 = arith.andi %masked_sort3A_576, %and3A_907 : vector<16xi32>
      %add3A_909 = vector.broadcast %mul3A_905 : i32 to vector<16xi32>
      %add3A_910 = arith.addi %add3A_909, %and3A_908 : vector<16xi32>
      tpu.vector_store_idx %arg10[%and3A_903], %add3A_910 masked %and3A_900 : memref<32768xi32, #tpu.memory_space<vmem>>[vector<16xi32>], vector<16xi32>, vector<16xi1>
      %add3A_911 = arith.addi %add3A_874, %iota3A : vector<16xi32>
      %shift_right_logical3A_912 = arith.constant 6 : i32
      %shift_right_logical3A_913 = vector.broadcast %shift_right_logical3A_912 : i32 to vector<16xi32>
      %shift_right_logical3A_914 = arith.shrui %add3A_911, %shift_right_logical3A_913 : vector<16xi32>
      %and3A_915 = arith.constant 63 : i32
      %and3A_916 = vector.broadcast %and3A_915 : i32 to vector<16xi32>
      %and3A_917 = arith.andi %add3A_911, %and3A_916 : vector<16xi32>
      tpu.vector_store_idx %arg11[%shift_right_logical3A_914, %and3A_917], %add3A_910 masked %ne3A_899 : memref<256x64xi32, #tpu.memory_space<vmem>>[vector<16xi32>, vector<16xi32>], vector<16xi32>, vector<16xi1>
      %all_reduce_population_count3A_918 = tpu.all_reduce %eq3A_558 {dim = 0 : i64, kind = #tpu.reduction_kind<sum>} : vector<16xi1> -> vector<16xi32>
      %add3A_919 = arith.addi %add3A_874, %all_reduce_population_count3A_918 : vector<16xi32>
      %mul3A_920 = arith.constant 8 : i32
      %mul3A_921 = arith.muli %scan3A_364, %mul3A_920 : i32
      %add3A_922 = arith.constant 7 : i32
      %add3A_923 = arith.addi %mul3A_921, %add3A_922 : i32
      %shift_right_logical3A_924 = arith.constant 4 : i32
      %shift_right_logical3A_925 = vector.broadcast %shift_right_logical3A_924 : i32 to vector<16xi32>
      %shift_right_logical3A_926 = arith.shrui %masked_sort3A_607, %shift_right_logical3A_925 : vector<16xi32>
      %iota3A_927 = tpu.iota {dimensions = array<i32: 0>} : vector<16xi32>
      %add3A_928 = arith.constant 1 : i32
      %add3A_929 = vector.broadcast %add3A_928 : i32 to vector<16xi32>
      %add3A_930 = arith.addi %iota3A_927, %add3A_929 : vector<16xi32>
      %min3A_931 = arith.constant 15 : i32
      %min3A_932 = vector.broadcast %min3A_931 : i32 to vector<16xi32>
      %min3A_933 = arith.minsi %add3A_930, %min3A_932 : vector<16xi32>
      %broadcast_in_dim3A_934 = vector.shape_cast %min3A_933 : vector<16xi32> to vector<16x1xi32>
      %gather3A_935 = vector.shape_cast %broadcast_in_dim3A_934 : vector<16x1xi32> to vector<16xi32>
      %gather3A_936 = tpu.dynamic_gather %shift_right_logical3A_926[%gather3A_935] in [0] : vector<16xi32>, vector<16xi32> -> vector<16xi32>
      %ne3A_937 = arith.cmpi ne, %shift_right_logical3A_926, %gather3A_936 : vector<16xi32>
      %eq3A_938 = arith.constant 15 : i32
      %eq3A_939 = vector.broadcast %eq3A_938 : i32 to vector<16xi32>
      %eq3A_940 = arith.cmpi eq, %iota3A, %eq3A_939 : vector<16xi32>
      %or3A_941 = arith.ori %ne3A_937, %eq3A_940 : vector<16xi1>
      %ne3A_942 = arith.constant 2147483647 : i32
      %ne3A_943 = vector.broadcast %ne3A_942 : i32 to vector<16xi32>
      %ne3A_944 = arith.cmpi ne, %masked_sort3A_607, %ne3A_943 : vector<16xi32>
      %and3A_945 = arith.andi %or3A_941, %ne3A_944 : vector<16xi1>
      %and3A_946 = arith.constant 32767 : i32
      %and3A_947 = vector.broadcast %and3A_946 : i32 to vector<16xi32>
      %and3A_948 = arith.andi %shift_right_logical3A_926, %and3A_947 : vector<16xi32>
      %mul3A_949 = arith.constant 16 : i32
      %mul3A_950 = arith.muli %add3A_923, %mul3A_949 : i32
      %and3A_951 = arith.constant 15 : i32
      %and3A_952 = vector.broadcast %and3A_951 : i32 to vector<16xi32>
      %and3A_953 = arith.andi %masked_sort3A_607, %and3A_952 : vector<16xi32>
      %add3A_954 = vector.broadcast %mul3A_950 : i32 to vector<16xi32>
      %add3A_955 = arith.addi %add3A_954, %and3A_953 : vector<16xi32>
      tpu.vector_store_idx %arg10[%and3A_948], %add3A_955 masked %and3A_945 : memref<32768xi32, #tpu.memory_space<vmem>>[vector<16xi32>], vector<16xi32>, vector<16xi1>
      %add3A_956 = arith.addi %add3A_919, %iota3A : vector<16xi32>
      %shift_right_logical3A_957 = arith.constant 6 : i32
      %shift_right_logical3A_958 = vector.broadcast %shift_right_logical3A_957 : i32 to vector<16xi32>
      %shift_right_logical3A_959 = arith.shrui %add3A_956, %shift_right_logical3A_958 : vector<16xi32>
      %and3A_960 = arith.constant 63 : i32
      %and3A_961 = vector.broadcast %and3A_960 : i32 to vector<16xi32>
      %and3A_962 = arith.andi %add3A_956, %and3A_961 : vector<16xi32>
      tpu.vector_store_idx %arg11[%shift_right_logical3A_959, %and3A_962], %add3A_955 masked %ne3A_944 : memref<256x64xi32, #tpu.memory_space<vmem>>[vector<16xi32>, vector<16xi32>], vector<16xi32>, vector<16xi1>
      %all_reduce_population_count3A_963 = tpu.all_reduce %eq3A_589 {dim = 0 : i64, kind = #tpu.reduction_kind<sum>} : vector<16xi1> -> vector<16xi32>
      %add3A_964 = arith.addi %add3A_919, %all_reduce_population_count3A_963 : vector<16xi32>
      scf.yield %add3A_964 : vector<16xi32>
    }
    %scan3A_285 = arith.constant 64 : i32
    %dma_wait3A_286 = arith.constant 8192 : i32
    %dma_wait3A_287 = tpu.memref_slice %arg8[%dma_wait3A_286] : memref<16384xi32, #tpu.memory_space<vmem>> -> memref<8192xi32, #tpu.memory_space<vmem>>
    %dma_wait3A_288 = arith.constant 8192 : i32
    %dma_wait3A_289 = tpu.memref_slice %arg2[%dma_wait3A_288] : memref<16384xi32, #tpu.memory_space<hbm>> -> memref<8192xi32, #tpu.memory_space<hbm>>
    %dma_wait3A_290 = arith.constant 8192 : i32
    %dma_wait3A_291 = tpu.memref_slice %arg8[%dma_wait3A_290] : memref<16384xi32, #tpu.memory_space<vmem>> -> memref<8192xi32, #tpu.memory_space<vmem>>
    %dma_wait3A_292 = arith.constant 8192 : i32
    %dma_wait3A_293 = tpu.memref_slice %arg2[%dma_wait3A_292] : memref<16384xi32, #tpu.memory_space<hbm>> -> memref<8192xi32, #tpu.memory_space<hbm>>
    tpu.wait_dma2 semaphore(%arg17 : memref<!tpu.dma_semaphore, #tpu.memory_space<semaphore_mem>>) src(%dma_wait3A_293 : memref<8192xi32, #tpu.memory_space<hbm>>) dst(%dma_wait3A_291 : memref<8192xi32, #tpu.memory_space<vmem>>)
    %scan3A_294 = arith.constant 64 : i32
    %scan3A_295 = arith.constant 64 : i32
    %scan3A_296 = arith.addi %scan3A_294, %scan3A_295 : i32
    %scan3A_297 = arith.constant 1 : i32
    %scan3A_298 = scf.for %scan3A_364 = %scan3A_294 to %scan3A_296 step %scan3A_297 iter_args(%scan3A_365 = %scan3A_284) -> (vector<16xi32>)  : i32 {
      %mul3A_366 = arith.constant 8 : i32
      %mul3A_367 = arith.muli %scan3A_364, %mul3A_366 : i32
      %add3A_368 = arith.constant 0 : i32
      %add3A_369 = arith.addi %mul3A_367, %add3A_368 : i32
      %mul3A_370 = arith.constant 16 : i32
      %mul3A_371 = arith.muli %add3A_369, %mul3A_370 : i32
      %get3A = arith.index_cast %mul3A_371 : i32 to index
      %get3A_372 = tpu.vector_load %arg8[%get3A] {strides = array<i32>} : memref<16384xi32, #tpu.memory_space<vmem>>, vector<16xi32>,
      %shift_right_logical3A_373 = arith.constant 15 : i32
      %shift_right_logical3A_374 = vector.broadcast %shift_right_logical3A_373 : i32 to vector<16xi32>
      %shift_right_logical3A_375 = arith.shrui %get3A_372, %shift_right_logical3A_374 : vector<16xi32>
      %eq3A_376 = vector.broadcast %add3A : i32 to vector<16xi32>
      %eq3A_377 = arith.cmpi eq, %shift_right_logical3A_375, %eq3A_376 : vector<16xi32>
      %and3A_378 = arith.constant 32767 : i32
      %and3A_379 = vector.broadcast %and3A_378 : i32 to vector<16xi32>
      %and3A_380 = arith.andi %get3A_372, %and3A_379 : vector<16xi32>
      %shift_left3A = arith.constant 4 : i32
      %shift_left3A_381 = vector.broadcast %shift_left3A : i32 to vector<16xi32>
      %shift_left3A_382 = arith.shli %and3A_380, %shift_left3A_381 : vector<16xi32>
      %or3A = arith.ori %shift_left3A_382, %iota3A : vector<16xi32>
      %jit3A = arith.constant 2147483647 : i32
      %broadcast_in_dim3A_383 = vector.broadcast %jit3A : i32 to vector<16xi32>
      %select_n3A = arith.select %eq3A_377, %or3A, %broadcast_in_dim3A_383 : vector<16xi1>, vector<16xi32>
      %masked_sort3A = arith.constant dense<true> : vector<16xi1>
      %masked_sort3A_384 = arith.constant -2147483648 : i32
      %masked_sort3A_385 = vector.broadcast %masked_sort3A_384 : i32 to vector<16xi32>
      %masked_sort3A_386 = arith.xori %select_n3A, %masked_sort3A_385 : vector<16xi32>
      %masked_sort3A_387, %masked_sort3A_388, %masked_sort3A_389 = tpu.sort %masked_sort3A_386, %select_n3A masked %masked_sort3A : (vector<16xi32>, vector<16xi32>, vector<16xi1>) -> (vector<16xi1>, vector<16xi32>, vector<16xi32>)
      %masked_sort3A_390 = arith.xori %masked_sort3A_388, %masked_sort3A_385 : vector<16xi32>
      %mul3A_391 = arith.constant 8 : i32
      %mul3A_392 = arith.muli %scan3A_364, %mul3A_391 : i32
      %add3A_393 = arith.constant 1 : i32
      %add3A_394 = arith.addi %mul3A_392, %add3A_393 : i32
      %mul3A_395 = arith.constant 16 : i32
      %mul3A_396 = arith.muli %add3A_394, %mul3A_395 : i32
      %get3A_397 = arith.index_cast %mul3A_396 : i32 to index
      %get3A_398 = tpu.vector_load %arg8[%get3A_397] {strides = array<i32>} : memref<16384xi32, #tpu.memory_space<vmem>>, vector<16xi32>,
      %shift_right_logical3A_399 = arith.constant 15 : i32
      %shift_right_logical3A_400 = vector.broadcast %shift_right_logical3A_399 : i32 to vector<16xi32>
      %shift_right_logical3A_401 = arith.shrui %get3A_398, %shift_right_logical3A_400 : vector<16xi32>
      %eq3A_402 = vector.broadcast %add3A : i32 to vector<16xi32>
      %eq3A_403 = arith.cmpi eq, %shift_right_logical3A_401, %eq3A_402 : vector<16xi32>
      %and3A_404 = arith.constant 32767 : i32
      %and3A_405 = vector.broadcast %and3A_404 : i32 to vector<16xi32>
      %and3A_406 = arith.andi %get3A_398, %and3A_405 : vector<16xi32>
      %shift_left3A_407 = arith.constant 4 : i32
      %shift_left3A_408 = vector.broadcast %shift_left3A_407 : i32 to vector<16xi32>
      %shift_left3A_409 = arith.shli %and3A_406, %shift_left3A_408 : vector<16xi32>
      %or3A_410 = arith.ori %shift_left3A_409, %iota3A : vector<16xi32>
      %jit3A_411 = arith.constant 2147483647 : i32
      %broadcast_in_dim3A_412 = vector.broadcast %jit3A_411 : i32 to vector<16xi32>
      %select_n3A_413 = arith.select %eq3A_403, %or3A_410, %broadcast_in_dim3A_412 : vector<16xi1>, vector<16xi32>
      %masked_sort3A_414 = arith.constant dense<true> : vector<16xi1>
      %masked_sort3A_415 = arith.constant -2147483648 : i32
      %masked_sort3A_416 = vector.broadcast %masked_sort3A_415 : i32 to vector<16xi32>
      %masked_sort3A_417 = arith.xori %select_n3A_413, %masked_sort3A_416 : vector<16xi32>
      %masked_sort3A_418, %masked_sort3A_419, %masked_sort3A_420 = tpu.sort %masked_sort3A_417, %select_n3A_413 masked %masked_sort3A_414 : (vector<16xi32>, vector<16xi32>, vector<16xi1>) -> (vector<16xi1>, vector<16xi32>, vector<16xi32>)
      %masked_sort3A_421 = arith.xori %masked_sort3A_419, %masked_sort3A_416 : vector<16xi32>
      %mul3A_422 = arith.constant 8 : i32
      %mul3A_423 = arith.muli %scan3A_364, %mul3A_422 : i32
      %add3A_424 = arith.constant 2 : i32
      %add3A_425 = arith.addi %mul3A_423, %add3A_424 : i32
      %mul3A_426 = arith.constant 16 : i32
      %mul3A_427 = arith.muli %add3A_425, %mul3A_426 : i32
      %get3A_428 = arith.index_cast %mul3A_427 : i32 to index
      %get3A_429 = tpu.vector_load %arg8[%get3A_428] {strides = array<i32>} : memref<16384xi32, #tpu.memory_space<vmem>>, vector<16xi32>,
      %shift_right_logical3A_430 = arith.constant 15 : i32
      %shift_right_logical3A_431 = vector.broadcast %shift_right_logical3A_430 : i32 to vector<16xi32>
      %shift_right_logical3A_432 = arith.shrui %get3A_429, %shift_right_logical3A_431 : vector<16xi32>
      %eq3A_433 = vector.broadcast %add3A : i32 to vector<16xi32>
      %eq3A_434 = arith.cmpi eq, %shift_right_logical3A_432, %eq3A_433 : vector<16xi32>
      %and3A_435 = arith.constant 32767 : i32
      %and3A_436 = vector.broadcast %and3A_435 : i32 to vector<16xi32>
      %and3A_437 = arith.andi %get3A_429, %and3A_436 : vector<16xi32>
      %shift_left3A_438 = arith.constant 4 : i32
      %shift_left3A_439 = vector.broadcast %shift_left3A_438 : i32 to vector<16xi32>
      %shift_left3A_440 = arith.shli %and3A_437, %shift_left3A_439 : vector<16xi32>
      %or3A_441 = arith.ori %shift_left3A_440, %iota3A : vector<16xi32>
      %jit3A_442 = arith.constant 2147483647 : i32
      %broadcast_in_dim3A_443 = vector.broadcast %jit3A_442 : i32 to vector<16xi32>
      %select_n3A_444 = arith.select %eq3A_434, %or3A_441, %broadcast_in_dim3A_443 : vector<16xi1>, vector<16xi32>
      %masked_sort3A_445 = arith.constant dense<true> : vector<16xi1>
      %masked_sort3A_446 = arith.constant -2147483648 : i32
      %masked_sort3A_447 = vector.broadcast %masked_sort3A_446 : i32 to vector<16xi32>
      %masked_sort3A_448 = arith.xori %select_n3A_444, %masked_sort3A_447 : vector<16xi32>
      %masked_sort3A_449, %masked_sort3A_450, %masked_sort3A_451 = tpu.sort %masked_sort3A_448, %select_n3A_444 masked %masked_sort3A_445 : (vector<16xi32>, vector<16xi32>, vector<16xi1>) -> (vector<16xi1>, vector<16xi32>, vector<16xi32>)
      %masked_sort3A_452 = arith.xori %masked_sort3A_450, %masked_sort3A_447 : vector<16xi32>
      %mul3A_453 = arith.constant 8 : i32
      %mul3A_454 = arith.muli %scan3A_364, %mul3A_453 : i32
      %add3A_455 = arith.constant 3 : i32
      %add3A_456 = arith.addi %mul3A_454, %add3A_455 : i32
      %mul3A_457 = arith.constant 16 : i32
      %mul3A_458 = arith.muli %add3A_456, %mul3A_457 : i32
      %get3A_459 = arith.index_cast %mul3A_458 : i32 to index
      %get3A_460 = tpu.vector_load %arg8[%get3A_459] {strides = array<i32>} : memref<16384xi32, #tpu.memory_space<vmem>>, vector<16xi32>,
      %shift_right_logical3A_461 = arith.constant 15 : i32
      %shift_right_logical3A_462 = vector.broadcast %shift_right_logical3A_461 : i32 to vector<16xi32>
      %shift_right_logical3A_463 = arith.shrui %get3A_460, %shift_right_logical3A_462 : vector<16xi32>
      %eq3A_464 = vector.broadcast %add3A : i32 to vector<16xi32>
      %eq3A_465 = arith.cmpi eq, %shift_right_logical3A_463, %eq3A_464 : vector<16xi32>
      %and3A_466 = arith.constant 32767 : i32
      %and3A_467 = vector.broadcast %and3A_466 : i32 to vector<16xi32>
      %and3A_468 = arith.andi %get3A_460, %and3A_467 : vector<16xi32>
      %shift_left3A_469 = arith.constant 4 : i32
      %shift_left3A_470 = vector.broadcast %shift_left3A_469 : i32 to vector<16xi32>
      %shift_left3A_471 = arith.shli %and3A_468, %shift_left3A_470 : vector<16xi32>
      %or3A_472 = arith.ori %shift_left3A_471, %iota3A : vector<16xi32>
      %jit3A_473 = arith.constant 2147483647 : i32
      %broadcast_in_dim3A_474 = vector.broadcast %jit3A_473 : i32 to vector<16xi32>
      %select_n3A_475 = arith.select %eq3A_465, %or3A_472, %broadcast_in_dim3A_474 : vector<16xi1>, vector<16xi32>
      %masked_sort3A_476 = arith.constant dense<true> : vector<16xi1>
      %masked_sort3A_477 = arith.constant -2147483648 : i32
      %masked_sort3A_478 = vector.broadcast %masked_sort3A_477 : i32 to vector<16xi32>
      %masked_sort3A_479 = arith.xori %select_n3A_475, %masked_sort3A_478 : vector<16xi32>
      %masked_sort3A_480, %masked_sort3A_481, %masked_sort3A_482 = tpu.sort %masked_sort3A_479, %select_n3A_475 masked %masked_sort3A_476 : (vector<16xi32>, vector<16xi32>, vector<16xi1>) -> (vector<16xi1>, vector<16xi32>, vector<16xi32>)
      %masked_sort3A_483 = arith.xori %masked_sort3A_481, %masked_sort3A_478 : vector<16xi32>
      %mul3A_484 = arith.constant 8 : i32
      %mul3A_485 = arith.muli %scan3A_364, %mul3A_484 : i32
      %add3A_486 = arith.constant 4 : i32
      %add3A_487 = arith.addi %mul3A_485, %add3A_486 : i32
      %mul3A_488 = arith.constant 16 : i32
      %mul3A_489 = arith.muli %add3A_487, %mul3A_488 : i32
      %get3A_490 = arith.index_cast %mul3A_489 : i32 to index
      %get3A_491 = tpu.vector_load %arg8[%get3A_490] {strides = array<i32>} : memref<16384xi32, #tpu.memory_space<vmem>>, vector<16xi32>,
      %shift_right_logical3A_492 = arith.constant 15 : i32
      %shift_right_logical3A_493 = vector.broadcast %shift_right_logical3A_492 : i32 to vector<16xi32>
      %shift_right_logical3A_494 = arith.shrui %get3A_491, %shift_right_logical3A_493 : vector<16xi32>
      %eq3A_495 = vector.broadcast %add3A : i32 to vector<16xi32>
      %eq3A_496 = arith.cmpi eq, %shift_right_logical3A_494, %eq3A_495 : vector<16xi32>
      %and3A_497 = arith.constant 32767 : i32
      %and3A_498 = vector.broadcast %and3A_497 : i32 to vector<16xi32>
      %and3A_499 = arith.andi %get3A_491, %and3A_498 : vector<16xi32>
      %shift_left3A_500 = arith.constant 4 : i32
      %shift_left3A_501 = vector.broadcast %shift_left3A_500 : i32 to vector<16xi32>
      %shift_left3A_502 = arith.shli %and3A_499, %shift_left3A_501 : vector<16xi32>
      %or3A_503 = arith.ori %shift_left3A_502, %iota3A : vector<16xi32>
      %jit3A_504 = arith.constant 2147483647 : i32
      %broadcast_in_dim3A_505 = vector.broadcast %jit3A_504 : i32 to vector<16xi32>
      %select_n3A_506 = arith.select %eq3A_496, %or3A_503, %broadcast_in_dim3A_505 : vector<16xi1>, vector<16xi32>
      %masked_sort3A_507 = arith.constant dense<true> : vector<16xi1>
      %masked_sort3A_508 = arith.constant -2147483648 : i32
      %masked_sort3A_509 = vector.broadcast %masked_sort3A_508 : i32 to vector<16xi32>
      %masked_sort3A_510 = arith.xori %select_n3A_506, %masked_sort3A_509 : vector<16xi32>
      %masked_sort3A_511, %masked_sort3A_512, %masked_sort3A_513 = tpu.sort %masked_sort3A_510, %select_n3A_506 masked %masked_sort3A_507 : (vector<16xi32>, vector<16xi32>, vector<16xi1>) -> (vector<16xi1>, vector<16xi32>, vector<16xi32>)
      %masked_sort3A_514 = arith.xori %masked_sort3A_512, %masked_sort3A_509 : vector<16xi32>
      %mul3A_515 = arith.constant 8 : i32
      %mul3A_516 = arith.muli %scan3A_364, %mul3A_515 : i32
      %add3A_517 = arith.constant 5 : i32
      %add3A_518 = arith.addi %mul3A_516, %add3A_517 : i32
      %mul3A_519 = arith.constant 16 : i32
      %mul3A_520 = arith.muli %add3A_518, %mul3A_519 : i32
      %get3A_521 = arith.index_cast %mul3A_520 : i32 to index
      %get3A_522 = tpu.vector_load %arg8[%get3A_521] {strides = array<i32>} : memref<16384xi32, #tpu.memory_space<vmem>>, vector<16xi32>,
      %shift_right_logical3A_523 = arith.constant 15 : i32
      %shift_right_logical3A_524 = vector.broadcast %shift_right_logical3A_523 : i32 to vector<16xi32>
      %shift_right_logical3A_525 = arith.shrui %get3A_522, %shift_right_logical3A_524 : vector<16xi32>
      %eq3A_526 = vector.broadcast %add3A : i32 to vector<16xi32>
      %eq3A_527 = arith.cmpi eq, %shift_right_logical3A_525, %eq3A_526 : vector<16xi32>
      %and3A_528 = arith.constant 32767 : i32
      %and3A_529 = vector.broadcast %and3A_528 : i32 to vector<16xi32>
      %and3A_530 = arith.andi %get3A_522, %and3A_529 : vector<16xi32>
      %shift_left3A_531 = arith.constant 4 : i32
      %shift_left3A_532 = vector.broadcast %shift_left3A_531 : i32 to vector<16xi32>
      %shift_left3A_533 = arith.shli %and3A_530, %shift_left3A_532 : vector<16xi32>
      %or3A_534 = arith.ori %shift_left3A_533, %iota3A : vector<16xi32>
      %jit3A_535 = arith.constant 2147483647 : i32
      %broadcast_in_dim3A_536 = vector.broadcast %jit3A_535 : i32 to vector<16xi32>
      %select_n3A_537 = arith.select %eq3A_527, %or3A_534, %broadcast_in_dim3A_536 : vector<16xi1>, vector<16xi32>
      %masked_sort3A_538 = arith.constant dense<true> : vector<16xi1>
      %masked_sort3A_539 = arith.constant -2147483648 : i32
      %masked_sort3A_540 = vector.broadcast %masked_sort3A_539 : i32 to vector<16xi32>
      %masked_sort3A_541 = arith.xori %select_n3A_537, %masked_sort3A_540 : vector<16xi32>
      %masked_sort3A_542, %masked_sort3A_543, %masked_sort3A_544 = tpu.sort %masked_sort3A_541, %select_n3A_537 masked %masked_sort3A_538 : (vector<16xi32>, vector<16xi32>, vector<16xi1>) -> (vector<16xi1>, vector<16xi32>, vector<16xi32>)
      %masked_sort3A_545 = arith.xori %masked_sort3A_543, %masked_sort3A_540 : vector<16xi32>
      %mul3A_546 = arith.constant 8 : i32
      %mul3A_547 = arith.muli %scan3A_364, %mul3A_546 : i32
      %add3A_548 = arith.constant 6 : i32
      %add3A_549 = arith.addi %mul3A_547, %add3A_548 : i32
      %mul3A_550 = arith.constant 16 : i32
      %mul3A_551 = arith.muli %add3A_549, %mul3A_550 : i32
      %get3A_552 = arith.index_cast %mul3A_551 : i32 to index
      %get3A_553 = tpu.vector_load %arg8[%get3A_552] {strides = array<i32>} : memref<16384xi32, #tpu.memory_space<vmem>>, vector<16xi32>,
      %shift_right_logical3A_554 = arith.constant 15 : i32
      %shift_right_logical3A_555 = vector.broadcast %shift_right_logical3A_554 : i32 to vector<16xi32>
      %shift_right_logical3A_556 = arith.shrui %get3A_553, %shift_right_logical3A_555 : vector<16xi32>
      %eq3A_557 = vector.broadcast %add3A : i32 to vector<16xi32>
      %eq3A_558 = arith.cmpi eq, %shift_right_logical3A_556, %eq3A_557 : vector<16xi32>
      %and3A_559 = arith.constant 32767 : i32
      %and3A_560 = vector.broadcast %and3A_559 : i32 to vector<16xi32>
      %and3A_561 = arith.andi %get3A_553, %and3A_560 : vector<16xi32>
      %shift_left3A_562 = arith.constant 4 : i32
      %shift_left3A_563 = vector.broadcast %shift_left3A_562 : i32 to vector<16xi32>
      %shift_left3A_564 = arith.shli %and3A_561, %shift_left3A_563 : vector<16xi32>
      %or3A_565 = arith.ori %shift_left3A_564, %iota3A : vector<16xi32>
      %jit3A_566 = arith.constant 2147483647 : i32
      %broadcast_in_dim3A_567 = vector.broadcast %jit3A_566 : i32 to vector<16xi32>
      %select_n3A_568 = arith.select %eq3A_558, %or3A_565, %broadcast_in_dim3A_567 : vector<16xi1>, vector<16xi32>
      %masked_sort3A_569 = arith.constant dense<true> : vector<16xi1>
      %masked_sort3A_570 = arith.constant -2147483648 : i32
      %masked_sort3A_571 = vector.broadcast %masked_sort3A_570 : i32 to vector<16xi32>
      %masked_sort3A_572 = arith.xori %select_n3A_568, %masked_sort3A_571 : vector<16xi32>
      %masked_sort3A_573, %masked_sort3A_574, %masked_sort3A_575 = tpu.sort %masked_sort3A_572, %select_n3A_568 masked %masked_sort3A_569 : (vector<16xi32>, vector<16xi32>, vector<16xi1>) -> (vector<16xi1>, vector<16xi32>, vector<16xi32>)
      %masked_sort3A_576 = arith.xori %masked_sort3A_574, %masked_sort3A_571 : vector<16xi32>
      %mul3A_577 = arith.constant 8 : i32
      %mul3A_578 = arith.muli %scan3A_364, %mul3A_577 : i32
      %add3A_579 = arith.constant 7 : i32
      %add3A_580 = arith.addi %mul3A_578, %add3A_579 : i32
      %mul3A_581 = arith.constant 16 : i32
      %mul3A_582 = arith.muli %add3A_580, %mul3A_581 : i32
      %get3A_583 = arith.index_cast %mul3A_582 : i32 to index
      %get3A_584 = tpu.vector_load %arg8[%get3A_583] {strides = array<i32>} : memref<16384xi32, #tpu.memory_space<vmem>>, vector<16xi32>,
      %shift_right_logical3A_585 = arith.constant 15 : i32
      %shift_right_logical3A_586 = vector.broadcast %shift_right_logical3A_585 : i32 to vector<16xi32>
      %shift_right_logical3A_587 = arith.shrui %get3A_584, %shift_right_logical3A_586 : vector<16xi32>
      %eq3A_588 = vector.broadcast %add3A : i32 to vector<16xi32>
      %eq3A_589 = arith.cmpi eq, %shift_right_logical3A_587, %eq3A_588 : vector<16xi32>
      %and3A_590 = arith.constant 32767 : i32
      %and3A_591 = vector.broadcast %and3A_590 : i32 to vector<16xi32>
      %and3A_592 = arith.andi %get3A_584, %and3A_591 : vector<16xi32>
      %shift_left3A_593 = arith.constant 4 : i32
      %shift_left3A_594 = vector.broadcast %shift_left3A_593 : i32 to vector<16xi32>
      %shift_left3A_595 = arith.shli %and3A_592, %shift_left3A_594 : vector<16xi32>
      %or3A_596 = arith.ori %shift_left3A_595, %iota3A : vector<16xi32>
      %jit3A_597 = arith.constant 2147483647 : i32
      %broadcast_in_dim3A_598 = vector.broadcast %jit3A_597 : i32 to vector<16xi32>
      %select_n3A_599 = arith.select %eq3A_589, %or3A_596, %broadcast_in_dim3A_598 : vector<16xi1>, vector<16xi32>
      %masked_sort3A_600 = arith.constant dense<true> : vector<16xi1>
      %masked_sort3A_601 = arith.constant -2147483648 : i32
      %masked_sort3A_602 = vector.broadcast %masked_sort3A_601 : i32 to vector<16xi32>
      %masked_sort3A_603 = arith.xori %select_n3A_599, %masked_sort3A_602 : vector<16xi32>
      %masked_sort3A_604, %masked_sort3A_605, %masked_sort3A_606 = tpu.sort %masked_sort3A_603, %select_n3A_599 masked %masked_sort3A_600 : (vector<16xi32>, vector<16xi32>, vector<16xi1>) -> (vector<16xi1>, vector<16xi32>, vector<16xi32>)
      %masked_sort3A_607 = arith.xori %masked_sort3A_605, %masked_sort3A_602 : vector<16xi32>
      %mul3A_608 = arith.constant 8 : i32
      %mul3A_609 = arith.muli %scan3A_364, %mul3A_608 : i32
      %add3A_610 = arith.constant 0 : i32
      %add3A_611 = arith.addi %mul3A_609, %add3A_610 : i32
      %shift_right_logical3A_612 = arith.constant 4 : i32
      %shift_right_logical3A_613 = vector.broadcast %shift_right_logical3A_612 : i32 to vector<16xi32>
      %shift_right_logical3A_614 = arith.shrui %masked_sort3A_390, %shift_right_logical3A_613 : vector<16xi32>
      %iota3A_615 = tpu.iota {dimensions = array<i32: 0>} : vector<16xi32>
      %add3A_616 = arith.constant 1 : i32
      %add3A_617 = vector.broadcast %add3A_616 : i32 to vector<16xi32>
      %add3A_618 = arith.addi %iota3A_615, %add3A_617 : vector<16xi32>
      %min3A = arith.constant 15 : i32
      %min3A_619 = vector.broadcast %min3A : i32 to vector<16xi32>
      %min3A_620 = arith.minsi %add3A_618, %min3A_619 : vector<16xi32>
      %broadcast_in_dim3A_621 = vector.shape_cast %min3A_620 : vector<16xi32> to vector<16x1xi32>
      %gather3A_622 = vector.shape_cast %broadcast_in_dim3A_621 : vector<16x1xi32> to vector<16xi32>
      %gather3A_623 = tpu.dynamic_gather %shift_right_logical3A_614[%gather3A_622] in [0] : vector<16xi32>, vector<16xi32> -> vector<16xi32>
      %ne3A = arith.cmpi ne, %shift_right_logical3A_614, %gather3A_623 : vector<16xi32>
      %eq3A_624 = arith.constant 15 : i32
      %eq3A_625 = vector.broadcast %eq3A_624 : i32 to vector<16xi32>
      %eq3A_626 = arith.cmpi eq, %iota3A, %eq3A_625 : vector<16xi32>
      %or3A_627 = arith.ori %ne3A, %eq3A_626 : vector<16xi1>
      %ne3A_628 = arith.constant 2147483647 : i32
      %ne3A_629 = vector.broadcast %ne3A_628 : i32 to vector<16xi32>
      %ne3A_630 = arith.cmpi ne, %masked_sort3A_390, %ne3A_629 : vector<16xi32>
      %and3A_631 = arith.andi %or3A_627, %ne3A_630 : vector<16xi1>
      %and3A_632 = arith.constant 32767 : i32
      %and3A_633 = vector.broadcast %and3A_632 : i32 to vector<16xi32>
      %and3A_634 = arith.andi %shift_right_logical3A_614, %and3A_633 : vector<16xi32>
      %mul3A_635 = arith.constant 16 : i32
      %mul3A_636 = arith.muli %add3A_611, %mul3A_635 : i32
      %and3A_637 = arith.constant 15 : i32
      %and3A_638 = vector.broadcast %and3A_637 : i32 to vector<16xi32>
      %and3A_639 = arith.andi %masked_sort3A_390, %and3A_638 : vector<16xi32>
      %add3A_640 = vector.broadcast %mul3A_636 : i32 to vector<16xi32>
      %add3A_641 = arith.addi %add3A_640, %and3A_639 : vector<16xi32>
      tpu.vector_store_idx %arg10[%and3A_634], %add3A_641 masked %and3A_631 : memref<32768xi32, #tpu.memory_space<vmem>>[vector<16xi32>], vector<16xi32>, vector<16xi1>
      %add3A_642 = arith.addi %scan3A_365, %iota3A : vector<16xi32>
      %shift_right_logical3A_643 = arith.constant 6 : i32
      %shift_right_logical3A_644 = vector.broadcast %shift_right_logical3A_643 : i32 to vector<16xi32>
      %shift_right_logical3A_645 = arith.shrui %add3A_642, %shift_right_logical3A_644 : vector<16xi32>
      %and3A_646 = arith.constant 63 : i32
      %and3A_647 = vector.broadcast %and3A_646 : i32 to vector<16xi32>
      %and3A_648 = arith.andi %add3A_642, %and3A_647 : vector<16xi32>
      tpu.vector_store_idx %arg11[%shift_right_logical3A_645, %and3A_648], %add3A_641 masked %ne3A_630 : memref<256x64xi32, #tpu.memory_space<vmem>>[vector<16xi32>, vector<16xi32>], vector<16xi32>, vector<16xi1>
      %all_reduce_population_count3A = tpu.all_reduce %eq3A_377 {dim = 0 : i64, kind = #tpu.reduction_kind<sum>} : vector<16xi1> -> vector<16xi32>
      %add3A_649 = arith.addi %scan3A_365, %all_reduce_population_count3A : vector<16xi32>
      %mul3A_650 = arith.constant 8 : i32
      %mul3A_651 = arith.muli %scan3A_364, %mul3A_650 : i32
      %add3A_652 = arith.constant 1 : i32
      %add3A_653 = arith.addi %mul3A_651, %add3A_652 : i32
      %shift_right_logical3A_654 = arith.constant 4 : i32
      %shift_right_logical3A_655 = vector.broadcast %shift_right_logical3A_654 : i32 to vector<16xi32>
      %shift_right_logical3A_656 = arith.shrui %masked_sort3A_421, %shift_right_logical3A_655 : vector<16xi32>
      %iota3A_657 = tpu.iota {dimensions = array<i32: 0>} : vector<16xi32>
      %add3A_658 = arith.constant 1 : i32
      %add3A_659 = vector.broadcast %add3A_658 : i32 to vector<16xi32>
      %add3A_660 = arith.addi %iota3A_657, %add3A_659 : vector<16xi32>
      %min3A_661 = arith.constant 15 : i32
      %min3A_662 = vector.broadcast %min3A_661 : i32 to vector<16xi32>
      %min3A_663 = arith.minsi %add3A_660, %min3A_662 : vector<16xi32>
      %broadcast_in_dim3A_664 = vector.shape_cast %min3A_663 : vector<16xi32> to vector<16x1xi32>
      %gather3A_665 = vector.shape_cast %broadcast_in_dim3A_664 : vector<16x1xi32> to vector<16xi32>
      %gather3A_666 = tpu.dynamic_gather %shift_right_logical3A_656[%gather3A_665] in [0] : vector<16xi32>, vector<16xi32> -> vector<16xi32>
      %ne3A_667 = arith.cmpi ne, %shift_right_logical3A_656, %gather3A_666 : vector<16xi32>
      %eq3A_668 = arith.constant 15 : i32
      %eq3A_669 = vector.broadcast %eq3A_668 : i32 to vector<16xi32>
      %eq3A_670 = arith.cmpi eq, %iota3A, %eq3A_669 : vector<16xi32>
      %or3A_671 = arith.ori %ne3A_667, %eq3A_670 : vector<16xi1>
      %ne3A_672 = arith.constant 2147483647 : i32
      %ne3A_673 = vector.broadcast %ne3A_672 : i32 to vector<16xi32>
      %ne3A_674 = arith.cmpi ne, %masked_sort3A_421, %ne3A_673 : vector<16xi32>
      %and3A_675 = arith.andi %or3A_671, %ne3A_674 : vector<16xi1>
      %and3A_676 = arith.constant 32767 : i32
      %and3A_677 = vector.broadcast %and3A_676 : i32 to vector<16xi32>
      %and3A_678 = arith.andi %shift_right_logical3A_656, %and3A_677 : vector<16xi32>
      %mul3A_679 = arith.constant 16 : i32
      %mul3A_680 = arith.muli %add3A_653, %mul3A_679 : i32
      %and3A_681 = arith.constant 15 : i32
      %and3A_682 = vector.broadcast %and3A_681 : i32 to vector<16xi32>
      %and3A_683 = arith.andi %masked_sort3A_421, %and3A_682 : vector<16xi32>
      %add3A_684 = vector.broadcast %mul3A_680 : i32 to vector<16xi32>
      %add3A_685 = arith.addi %add3A_684, %and3A_683 : vector<16xi32>
      tpu.vector_store_idx %arg10[%and3A_678], %add3A_685 masked %and3A_675 : memref<32768xi32, #tpu.memory_space<vmem>>[vector<16xi32>], vector<16xi32>, vector<16xi1>
      %add3A_686 = arith.addi %add3A_649, %iota3A : vector<16xi32>
      %shift_right_logical3A_687 = arith.constant 6 : i32
      %shift_right_logical3A_688 = vector.broadcast %shift_right_logical3A_687 : i32 to vector<16xi32>
      %shift_right_logical3A_689 = arith.shrui %add3A_686, %shift_right_logical3A_688 : vector<16xi32>
      %and3A_690 = arith.constant 63 : i32
      %and3A_691 = vector.broadcast %and3A_690 : i32 to vector<16xi32>
      %and3A_692 = arith.andi %add3A_686, %and3A_691 : vector<16xi32>
      tpu.vector_store_idx %arg11[%shift_right_logical3A_689, %and3A_692], %add3A_685 masked %ne3A_674 : memref<256x64xi32, #tpu.memory_space<vmem>>[vector<16xi32>, vector<16xi32>], vector<16xi32>, vector<16xi1>
      %all_reduce_population_count3A_693 = tpu.all_reduce %eq3A_403 {dim = 0 : i64, kind = #tpu.reduction_kind<sum>} : vector<16xi1> -> vector<16xi32>
      %add3A_694 = arith.addi %add3A_649, %all_reduce_population_count3A_693 : vector<16xi32>
      %mul3A_695 = arith.constant 8 : i32
      %mul3A_696 = arith.muli %scan3A_364, %mul3A_695 : i32
      %add3A_697 = arith.constant 2 : i32
      %add3A_698 = arith.addi %mul3A_696, %add3A_697 : i32
      %shift_right_logical3A_699 = arith.constant 4 : i32
      %shift_right_logical3A_700 = vector.broadcast %shift_right_logical3A_699 : i32 to vector<16xi32>
      %shift_right_logical3A_701 = arith.shrui %masked_sort3A_452, %shift_right_logical3A_700 : vector<16xi32>
      %iota3A_702 = tpu.iota {dimensions = array<i32: 0>} : vector<16xi32>
      %add3A_703 = arith.constant 1 : i32
      %add3A_704 = vector.broadcast %add3A_703 : i32 to vector<16xi32>
      %add3A_705 = arith.addi %iota3A_702, %add3A_704 : vector<16xi32>
      %min3A_706 = arith.constant 15 : i32
      %min3A_707 = vector.broadcast %min3A_706 : i32 to vector<16xi32>
      %min3A_708 = arith.minsi %add3A_705, %min3A_707 : vector<16xi32>
      %broadcast_in_dim3A_709 = vector.shape_cast %min3A_708 : vector<16xi32> to vector<16x1xi32>
      %gather3A_710 = vector.shape_cast %broadcast_in_dim3A_709 : vector<16x1xi32> to vector<16xi32>
      %gather3A_711 = tpu.dynamic_gather %shift_right_logical3A_701[%gather3A_710] in [0] : vector<16xi32>, vector<16xi32> -> vector<16xi32>
      %ne3A_712 = arith.cmpi ne, %shift_right_logical3A_701, %gather3A_711 : vector<16xi32>
      %eq3A_713 = arith.constant 15 : i32
      %eq3A_714 = vector.broadcast %eq3A_713 : i32 to vector<16xi32>
      %eq3A_715 = arith.cmpi eq, %iota3A, %eq3A_714 : vector<16xi32>
      %or3A_716 = arith.ori %ne3A_712, %eq3A_715 : vector<16xi1>
      %ne3A_717 = arith.constant 2147483647 : i32
      %ne3A_718 = vector.broadcast %ne3A_717 : i32 to vector<16xi32>
      %ne3A_719 = arith.cmpi ne, %masked_sort3A_452, %ne3A_718 : vector<16xi32>
      %and3A_720 = arith.andi %or3A_716, %ne3A_719 : vector<16xi1>
      %and3A_721 = arith.constant 32767 : i32
      %and3A_722 = vector.broadcast %and3A_721 : i32 to vector<16xi32>
      %and3A_723 = arith.andi %shift_right_logical3A_701, %and3A_722 : vector<16xi32>
      %mul3A_724 = arith.constant 16 : i32
      %mul3A_725 = arith.muli %add3A_698, %mul3A_724 : i32
      %and3A_726 = arith.constant 15 : i32
      %and3A_727 = vector.broadcast %and3A_726 : i32 to vector<16xi32>
      %and3A_728 = arith.andi %masked_sort3A_452, %and3A_727 : vector<16xi32>
      %add3A_729 = vector.broadcast %mul3A_725 : i32 to vector<16xi32>
      %add3A_730 = arith.addi %add3A_729, %and3A_728 : vector<16xi32>
      tpu.vector_store_idx %arg10[%and3A_723], %add3A_730 masked %and3A_720 : memref<32768xi32, #tpu.memory_space<vmem>>[vector<16xi32>], vector<16xi32>, vector<16xi1>
      %add3A_731 = arith.addi %add3A_694, %iota3A : vector<16xi32>
      %shift_right_logical3A_732 = arith.constant 6 : i32
      %shift_right_logical3A_733 = vector.broadcast %shift_right_logical3A_732 : i32 to vector<16xi32>
      %shift_right_logical3A_734 = arith.shrui %add3A_731, %shift_right_logical3A_733 : vector<16xi32>
      %and3A_735 = arith.constant 63 : i32
      %and3A_736 = vector.broadcast %and3A_735 : i32 to vector<16xi32>
      %and3A_737 = arith.andi %add3A_731, %and3A_736 : vector<16xi32>
      tpu.vector_store_idx %arg11[%shift_right_logical3A_734, %and3A_737], %add3A_730 masked %ne3A_719 : memref<256x64xi32, #tpu.memory_space<vmem>>[vector<16xi32>, vector<16xi32>], vector<16xi32>, vector<16xi1>
      %all_reduce_population_count3A_738 = tpu.all_reduce %eq3A_434 {dim = 0 : i64, kind = #tpu.reduction_kind<sum>} : vector<16xi1> -> vector<16xi32>
      %add3A_739 = arith.addi %add3A_694, %all_reduce_population_count3A_738 : vector<16xi32>
      %mul3A_740 = arith.constant 8 : i32
      %mul3A_741 = arith.muli %scan3A_364, %mul3A_740 : i32
      %add3A_742 = arith.constant 3 : i32
      %add3A_743 = arith.addi %mul3A_741, %add3A_742 : i32
      %shift_right_logical3A_744 = arith.constant 4 : i32
      %shift_right_logical3A_745 = vector.broadcast %shift_right_logical3A_744 : i32 to vector<16xi32>
      %shift_right_logical3A_746 = arith.shrui %masked_sort3A_483, %shift_right_logical3A_745 : vector<16xi32>
      %iota3A_747 = tpu.iota {dimensions = array<i32: 0>} : vector<16xi32>
      %add3A_748 = arith.constant 1 : i32
      %add3A_749 = vector.broadcast %add3A_748 : i32 to vector<16xi32>
      %add3A_750 = arith.addi %iota3A_747, %add3A_749 : vector<16xi32>
      %min3A_751 = arith.constant 15 : i32
      %min3A_752 = vector.broadcast %min3A_751 : i32 to vector<16xi32>
      %min3A_753 = arith.minsi %add3A_750, %min3A_752 : vector<16xi32>
      %broadcast_in_dim3A_754 = vector.shape_cast %min3A_753 : vector<16xi32> to vector<16x1xi32>
      %gather3A_755 = vector.shape_cast %broadcast_in_dim3A_754 : vector<16x1xi32> to vector<16xi32>
      %gather3A_756 = tpu.dynamic_gather %shift_right_logical3A_746[%gather3A_755] in [0] : vector<16xi32>, vector<16xi32> -> vector<16xi32>
      %ne3A_757 = arith.cmpi ne, %shift_right_logical3A_746, %gather3A_756 : vector<16xi32>
      %eq3A_758 = arith.constant 15 : i32
      %eq3A_759 = vector.broadcast %eq3A_758 : i32 to vector<16xi32>
      %eq3A_760 = arith.cmpi eq, %iota3A, %eq3A_759 : vector<16xi32>
      %or3A_761 = arith.ori %ne3A_757, %eq3A_760 : vector<16xi1>
      %ne3A_762 = arith.constant 2147483647 : i32
      %ne3A_763 = vector.broadcast %ne3A_762 : i32 to vector<16xi32>
      %ne3A_764 = arith.cmpi ne, %masked_sort3A_483, %ne3A_763 : vector<16xi32>
      %and3A_765 = arith.andi %or3A_761, %ne3A_764 : vector<16xi1>
      %and3A_766 = arith.constant 32767 : i32
      %and3A_767 = vector.broadcast %and3A_766 : i32 to vector<16xi32>
      %and3A_768 = arith.andi %shift_right_logical3A_746, %and3A_767 : vector<16xi32>
      %mul3A_769 = arith.constant 16 : i32
      %mul3A_770 = arith.muli %add3A_743, %mul3A_769 : i32
      %and3A_771 = arith.constant 15 : i32
      %and3A_772 = vector.broadcast %and3A_771 : i32 to vector<16xi32>
      %and3A_773 = arith.andi %masked_sort3A_483, %and3A_772 : vector<16xi32>
      %add3A_774 = vector.broadcast %mul3A_770 : i32 to vector<16xi32>
      %add3A_775 = arith.addi %add3A_774, %and3A_773 : vector<16xi32>
      tpu.vector_store_idx %arg10[%and3A_768], %add3A_775 masked %and3A_765 : memref<32768xi32, #tpu.memory_space<vmem>>[vector<16xi32>], vector<16xi32>, vector<16xi1>
      %add3A_776 = arith.addi %add3A_739, %iota3A : vector<16xi32>
      %shift_right_logical3A_777 = arith.constant 6 : i32
      %shift_right_logical3A_778 = vector.broadcast %shift_right_logical3A_777 : i32 to vector<16xi32>
      %shift_right_logical3A_779 = arith.shrui %add3A_776, %shift_right_logical3A_778 : vector<16xi32>
      %and3A_780 = arith.constant 63 : i32
      %and3A_781 = vector.broadcast %and3A_780 : i32 to vector<16xi32>
      %and3A_782 = arith.andi %add3A_776, %and3A_781 : vector<16xi32>
      tpu.vector_store_idx %arg11[%shift_right_logical3A_779, %and3A_782], %add3A_775 masked %ne3A_764 : memref<256x64xi32, #tpu.memory_space<vmem>>[vector<16xi32>, vector<16xi32>], vector<16xi32>, vector<16xi1>
      %all_reduce_population_count3A_783 = tpu.all_reduce %eq3A_465 {dim = 0 : i64, kind = #tpu.reduction_kind<sum>} : vector<16xi1> -> vector<16xi32>
      %add3A_784 = arith.addi %add3A_739, %all_reduce_population_count3A_783 : vector<16xi32>
      %mul3A_785 = arith.constant 8 : i32
      %mul3A_786 = arith.muli %scan3A_364, %mul3A_785 : i32
      %add3A_787 = arith.constant 4 : i32
      %add3A_788 = arith.addi %mul3A_786, %add3A_787 : i32
      %shift_right_logical3A_789 = arith.constant 4 : i32
      %shift_right_logical3A_790 = vector.broadcast %shift_right_logical3A_789 : i32 to vector<16xi32>
      %shift_right_logical3A_791 = arith.shrui %masked_sort3A_514, %shift_right_logical3A_790 : vector<16xi32>
      %iota3A_792 = tpu.iota {dimensions = array<i32: 0>} : vector<16xi32>
      %add3A_793 = arith.constant 1 : i32
      %add3A_794 = vector.broadcast %add3A_793 : i32 to vector<16xi32>
      %add3A_795 = arith.addi %iota3A_792, %add3A_794 : vector<16xi32>
      %min3A_796 = arith.constant 15 : i32
      %min3A_797 = vector.broadcast %min3A_796 : i32 to vector<16xi32>
      %min3A_798 = arith.minsi %add3A_795, %min3A_797 : vector<16xi32>
      %broadcast_in_dim3A_799 = vector.shape_cast %min3A_798 : vector<16xi32> to vector<16x1xi32>
      %gather3A_800 = vector.shape_cast %broadcast_in_dim3A_799 : vector<16x1xi32> to vector<16xi32>
      %gather3A_801 = tpu.dynamic_gather %shift_right_logical3A_791[%gather3A_800] in [0] : vector<16xi32>, vector<16xi32> -> vector<16xi32>
      %ne3A_802 = arith.cmpi ne, %shift_right_logical3A_791, %gather3A_801 : vector<16xi32>
      %eq3A_803 = arith.constant 15 : i32
      %eq3A_804 = vector.broadcast %eq3A_803 : i32 to vector<16xi32>
      %eq3A_805 = arith.cmpi eq, %iota3A, %eq3A_804 : vector<16xi32>
      %or3A_806 = arith.ori %ne3A_802, %eq3A_805 : vector<16xi1>
      %ne3A_807 = arith.constant 2147483647 : i32
      %ne3A_808 = vector.broadcast %ne3A_807 : i32 to vector<16xi32>
      %ne3A_809 = arith.cmpi ne, %masked_sort3A_514, %ne3A_808 : vector<16xi32>
      %and3A_810 = arith.andi %or3A_806, %ne3A_809 : vector<16xi1>
      %and3A_811 = arith.constant 32767 : i32
      %and3A_812 = vector.broadcast %and3A_811 : i32 to vector<16xi32>
      %and3A_813 = arith.andi %shift_right_logical3A_791, %and3A_812 : vector<16xi32>
      %mul3A_814 = arith.constant 16 : i32
      %mul3A_815 = arith.muli %add3A_788, %mul3A_814 : i32
      %and3A_816 = arith.constant 15 : i32
      %and3A_817 = vector.broadcast %and3A_816 : i32 to vector<16xi32>
      %and3A_818 = arith.andi %masked_sort3A_514, %and3A_817 : vector<16xi32>
      %add3A_819 = vector.broadcast %mul3A_815 : i32 to vector<16xi32>
      %add3A_820 = arith.addi %add3A_819, %and3A_818 : vector<16xi32>
      tpu.vector_store_idx %arg10[%and3A_813], %add3A_820 masked %and3A_810 : memref<32768xi32, #tpu.memory_space<vmem>>[vector<16xi32>], vector<16xi32>, vector<16xi1>
      %add3A_821 = arith.addi %add3A_784, %iota3A : vector<16xi32>
      %shift_right_logical3A_822 = arith.constant 6 : i32
      %shift_right_logical3A_823 = vector.broadcast %shift_right_logical3A_822 : i32 to vector<16xi32>
      %shift_right_logical3A_824 = arith.shrui %add3A_821, %shift_right_logical3A_823 : vector<16xi32>
      %and3A_825 = arith.constant 63 : i32
      %and3A_826 = vector.broadcast %and3A_825 : i32 to vector<16xi32>
      %and3A_827 = arith.andi %add3A_821, %and3A_826 : vector<16xi32>
      tpu.vector_store_idx %arg11[%shift_right_logical3A_824, %and3A_827], %add3A_820 masked %ne3A_809 : memref<256x64xi32, #tpu.memory_space<vmem>>[vector<16xi32>, vector<16xi32>], vector<16xi32>, vector<16xi1>
      %all_reduce_population_count3A_828 = tpu.all_reduce %eq3A_496 {dim = 0 : i64, kind = #tpu.reduction_kind<sum>} : vector<16xi1> -> vector<16xi32>
      %add3A_829 = arith.addi %add3A_784, %all_reduce_population_count3A_828 : vector<16xi32>
      %mul3A_830 = arith.constant 8 : i32
      %mul3A_831 = arith.muli %scan3A_364, %mul3A_830 : i32
      %add3A_832 = arith.constant 5 : i32
      %add3A_833 = arith.addi %mul3A_831, %add3A_832 : i32
      %shift_right_logical3A_834 = arith.constant 4 : i32
      %shift_right_logical3A_835 = vector.broadcast %shift_right_logical3A_834 : i32 to vector<16xi32>
      %shift_right_logical3A_836 = arith.shrui %masked_sort3A_545, %shift_right_logical3A_835 : vector<16xi32>
      %iota3A_837 = tpu.iota {dimensions = array<i32: 0>} : vector<16xi32>
      %add3A_838 = arith.constant 1 : i32
      %add3A_839 = vector.broadcast %add3A_838 : i32 to vector<16xi32>
      %add3A_840 = arith.addi %iota3A_837, %add3A_839 : vector<16xi32>
      %min3A_841 = arith.constant 15 : i32
      %min3A_842 = vector.broadcast %min3A_841 : i32 to vector<16xi32>
      %min3A_843 = arith.minsi %add3A_840, %min3A_842 : vector<16xi32>
      %broadcast_in_dim3A_844 = vector.shape_cast %min3A_843 : vector<16xi32> to vector<16x1xi32>
      %gather3A_845 = vector.shape_cast %broadcast_in_dim3A_844 : vector<16x1xi32> to vector<16xi32>
      %gather3A_846 = tpu.dynamic_gather %shift_right_logical3A_836[%gather3A_845] in [0] : vector<16xi32>, vector<16xi32> -> vector<16xi32>
      %ne3A_847 = arith.cmpi ne, %shift_right_logical3A_836, %gather3A_846 : vector<16xi32>
      %eq3A_848 = arith.constant 15 : i32
      %eq3A_849 = vector.broadcast %eq3A_848 : i32 to vector<16xi32>
      %eq3A_850 = arith.cmpi eq, %iota3A, %eq3A_849 : vector<16xi32>
      %or3A_851 = arith.ori %ne3A_847, %eq3A_850 : vector<16xi1>
      %ne3A_852 = arith.constant 2147483647 : i32
      %ne3A_853 = vector.broadcast %ne3A_852 : i32 to vector<16xi32>
      %ne3A_854 = arith.cmpi ne, %masked_sort3A_545, %ne3A_853 : vector<16xi32>
      %and3A_855 = arith.andi %or3A_851, %ne3A_854 : vector<16xi1>
      %and3A_856 = arith.constant 32767 : i32
      %and3A_857 = vector.broadcast %and3A_856 : i32 to vector<16xi32>
      %and3A_858 = arith.andi %shift_right_logical3A_836, %and3A_857 : vector<16xi32>
      %mul3A_859 = arith.constant 16 : i32
      %mul3A_860 = arith.muli %add3A_833, %mul3A_859 : i32
      %and3A_861 = arith.constant 15 : i32
      %and3A_862 = vector.broadcast %and3A_861 : i32 to vector<16xi32>
      %and3A_863 = arith.andi %masked_sort3A_545, %and3A_862 : vector<16xi32>
      %add3A_864 = vector.broadcast %mul3A_860 : i32 to vector<16xi32>
      %add3A_865 = arith.addi %add3A_864, %and3A_863 : vector<16xi32>
      tpu.vector_store_idx %arg10[%and3A_858], %add3A_865 masked %and3A_855 : memref<32768xi32, #tpu.memory_space<vmem>>[vector<16xi32>], vector<16xi32>, vector<16xi1>
      %add3A_866 = arith.addi %add3A_829, %iota3A : vector<16xi32>
      %shift_right_logical3A_867 = arith.constant 6 : i32
      %shift_right_logical3A_868 = vector.broadcast %shift_right_logical3A_867 : i32 to vector<16xi32>
      %shift_right_logical3A_869 = arith.shrui %add3A_866, %shift_right_logical3A_868 : vector<16xi32>
      %and3A_870 = arith.constant 63 : i32
      %and3A_871 = vector.broadcast %and3A_870 : i32 to vector<16xi32>
      %and3A_872 = arith.andi %add3A_866, %and3A_871 : vector<16xi32>
      tpu.vector_store_idx %arg11[%shift_right_logical3A_869, %and3A_872], %add3A_865 masked %ne3A_854 : memref<256x64xi32, #tpu.memory_space<vmem>>[vector<16xi32>, vector<16xi32>], vector<16xi32>, vector<16xi1>
      %all_reduce_population_count3A_873 = tpu.all_reduce %eq3A_527 {dim = 0 : i64, kind = #tpu.reduction_kind<sum>} : vector<16xi1> -> vector<16xi32>
      %add3A_874 = arith.addi %add3A_829, %all_reduce_population_count3A_873 : vector<16xi32>
      %mul3A_875 = arith.constant 8 : i32
      %mul3A_876 = arith.muli %scan3A_364, %mul3A_875 : i32
      %add3A_877 = arith.constant 6 : i32
      %add3A_878 = arith.addi %mul3A_876, %add3A_877 : i32
      %shift_right_logical3A_879 = arith.constant 4 : i32
      %shift_right_logical3A_880 = vector.broadcast %shift_right_logical3A_879 : i32 to vector<16xi32>
      %shift_right_logical3A_881 = arith.shrui %masked_sort3A_576, %shift_right_logical3A_880 : vector<16xi32>
      %iota3A_882 = tpu.iota {dimensions = array<i32: 0>} : vector<16xi32>
      %add3A_883 = arith.constant 1 : i32
      %add3A_884 = vector.broadcast %add3A_883 : i32 to vector<16xi32>
      %add3A_885 = arith.addi %iota3A_882, %add3A_884 : vector<16xi32>
      %min3A_886 = arith.constant 15 : i32
      %min3A_887 = vector.broadcast %min3A_886 : i32 to vector<16xi32>
      %min3A_888 = arith.minsi %add3A_885, %min3A_887 : vector<16xi32>
      %broadcast_in_dim3A_889 = vector.shape_cast %min3A_888 : vector<16xi32> to vector<16x1xi32>
      %gather3A_890 = vector.shape_cast %broadcast_in_dim3A_889 : vector<16x1xi32> to vector<16xi32>
      %gather3A_891 = tpu.dynamic_gather %shift_right_logical3A_881[%gather3A_890] in [0] : vector<16xi32>, vector<16xi32> -> vector<16xi32>
      %ne3A_892 = arith.cmpi ne, %shift_right_logical3A_881, %gather3A_891 : vector<16xi32>
      %eq3A_893 = arith.constant 15 : i32
      %eq3A_894 = vector.broadcast %eq3A_893 : i32 to vector<16xi32>
      %eq3A_895 = arith.cmpi eq, %iota3A, %eq3A_894 : vector<16xi32>
      %or3A_896 = arith.ori %ne3A_892, %eq3A_895 : vector<16xi1>
      %ne3A_897 = arith.constant 2147483647 : i32
      %ne3A_898 = vector.broadcast %ne3A_897 : i32 to vector<16xi32>
      %ne3A_899 = arith.cmpi ne, %masked_sort3A_576, %ne3A_898 : vector<16xi32>
      %and3A_900 = arith.andi %or3A_896, %ne3A_899 : vector<16xi1>
      %and3A_901 = arith.constant 32767 : i32
      %and3A_902 = vector.broadcast %and3A_901 : i32 to vector<16xi32>
      %and3A_903 = arith.andi %shift_right_logical3A_881, %and3A_902 : vector<16xi32>
      %mul3A_904 = arith.constant 16 : i32
      %mul3A_905 = arith.muli %add3A_878, %mul3A_904 : i32
      %and3A_906 = arith.constant 15 : i32
      %and3A_907 = vector.broadcast %and3A_906 : i32 to vector<16xi32>
      %and3A_908 = arith.andi %masked_sort3A_576, %and3A_907 : vector<16xi32>
      %add3A_909 = vector.broadcast %mul3A_905 : i32 to vector<16xi32>
      %add3A_910 = arith.addi %add3A_909, %and3A_908 : vector<16xi32>
      tpu.vector_store_idx %arg10[%and3A_903], %add3A_910 masked %and3A_900 : memref<32768xi32, #tpu.memory_space<vmem>>[vector<16xi32>], vector<16xi32>, vector<16xi1>
      %add3A_911 = arith.addi %add3A_874, %iota3A : vector<16xi32>
      %shift_right_logical3A_912 = arith.constant 6 : i32
      %shift_right_logical3A_913 = vector.broadcast %shift_right_logical3A_912 : i32 to vector<16xi32>
      %shift_right_logical3A_914 = arith.shrui %add3A_911, %shift_right_logical3A_913 : vector<16xi32>
      %and3A_915 = arith.constant 63 : i32
      %and3A_916 = vector.broadcast %and3A_915 : i32 to vector<16xi32>
      %and3A_917 = arith.andi %add3A_911, %and3A_916 : vector<16xi32>
      tpu.vector_store_idx %arg11[%shift_right_logical3A_914, %and3A_917], %add3A_910 masked %ne3A_899 : memref<256x64xi32, #tpu.memory_space<vmem>>[vector<16xi32>, vector<16xi32>], vector<16xi32>, vector<16xi1>
      %all_reduce_population_count3A_918 = tpu.all_reduce %eq3A_558 {dim = 0 : i64, kind = #tpu.reduction_kind<sum>} : vector<16xi1> -> vector<16xi32>
      %add3A_919 = arith.addi %add3A_874, %all_reduce_population_count3A_918 : vector<16xi32>
      %mul3A_920 = arith.constant 8 : i32
      %mul3A_921 = arith.muli %scan3A_364, %mul3A_920 : i32
      %add3A_922 = arith.constant 7 : i32
      %add3A_923 = arith.addi %mul3A_921, %add3A_922 : i32
      %shift_right_logical3A_924 = arith.constant 4 : i32
      %shift_right_logical3A_925 = vector.broadcast %shift_right_logical3A_924 : i32 to vector<16xi32>
      %shift_right_logical3A_926 = arith.shrui %masked_sort3A_607, %shift_right_logical3A_925 : vector<16xi32>
      %iota3A_927 = tpu.iota {dimensions = array<i32: 0>} : vector<16xi32>
      %add3A_928 = arith.constant 1 : i32
      %add3A_929 = vector.broadcast %add3A_928 : i32 to vector<16xi32>
      %add3A_930 = arith.addi %iota3A_927, %add3A_929 : vector<16xi32>
      %min3A_931 = arith.constant 15 : i32
      %min3A_932 = vector.broadcast %min3A_931 : i32 to vector<16xi32>
      %min3A_933 = arith.minsi %add3A_930, %min3A_932 : vector<16xi32>
      %broadcast_in_dim3A_934 = vector.shape_cast %min3A_933 : vector<16xi32> to vector<16x1xi32>
      %gather3A_935 = vector.shape_cast %broadcast_in_dim3A_934 : vector<16x1xi32> to vector<16xi32>
      %gather3A_936 = tpu.dynamic_gather %shift_right_logical3A_926[%gather3A_935] in [0] : vector<16xi32>, vector<16xi32> -> vector<16xi32>
      %ne3A_937 = arith.cmpi ne, %shift_right_logical3A_926, %gather3A_936 : vector<16xi32>
      %eq3A_938 = arith.constant 15 : i32
      %eq3A_939 = vector.broadcast %eq3A_938 : i32 to vector<16xi32>
      %eq3A_940 = arith.cmpi eq, %iota3A, %eq3A_939 : vector<16xi32>
      %or3A_941 = arith.ori %ne3A_937, %eq3A_940 : vector<16xi1>
      %ne3A_942 = arith.constant 2147483647 : i32
      %ne3A_943 = vector.broadcast %ne3A_942 : i32 to vector<16xi32>
      %ne3A_944 = arith.cmpi ne, %masked_sort3A_607, %ne3A_943 : vector<16xi32>
      %and3A_945 = arith.andi %or3A_941, %ne3A_944 : vector<16xi1>
      %and3A_946 = arith.constant 32767 : i32
      %and3A_947 = vector.broadcast %and3A_946 : i32 to vector<16xi32>
      %and3A_948 = arith.andi %shift_right_logical3A_926, %and3A_947 : vector<16xi32>
      %mul3A_949 = arith.constant 16 : i32
      %mul3A_950 = arith.muli %add3A_923, %mul3A_949 : i32
      %and3A_951 = arith.constant 15 : i32
      %and3A_952 = vector.broadcast %and3A_951 : i32 to vector<16xi32>
      %and3A_953 = arith.andi %masked_sort3A_607, %and3A_952 : vector<16xi32>
      %add3A_954 = vector.broadcast %mul3A_950 : i32 to vector<16xi32>
      %add3A_955 = arith.addi %add3A_954, %and3A_953 : vector<16xi32>
      tpu.vector_store_idx %arg10[%and3A_948], %add3A_955 masked %and3A_945 : memref<32768xi32, #tpu.memory_space<vmem>>[vector<16xi32>], vector<16xi32>, vector<16xi1>
      %add3A_956 = arith.addi %add3A_919, %iota3A : vector<16xi32>
      %shift_right_logical3A_957 = arith.constant 6 : i32
      %shift_right_logical3A_958 = vector.broadcast %shift_right_logical3A_957 : i32 to vector<16xi32>
      %shift_right_logical3A_959 = arith.shrui %add3A_956, %shift_right_logical3A_958 : vector<16xi32>
      %and3A_960 = arith.constant 63 : i32
      %and3A_961 = vector.broadcast %and3A_960 : i32 to vector<16xi32>
      %and3A_962 = arith.andi %add3A_956, %and3A_961 : vector<16xi32>
      tpu.vector_store_idx %arg11[%shift_right_logical3A_959, %and3A_962], %add3A_955 masked %ne3A_944 : memref<256x64xi32, #tpu.memory_space<vmem>>[vector<16xi32>, vector<16xi32>], vector<16xi32>, vector<16xi1>
      %all_reduce_population_count3A_963 = tpu.all_reduce %eq3A_589 {dim = 0 : i64, kind = #tpu.reduction_kind<sum>} : vector<16xi1> -> vector<16xi32>
      %add3A_964 = arith.addi %add3A_919, %all_reduce_population_count3A_963 : vector<16xi32>
      scf.yield %add3A_964 : vector<16xi32>
    }
    %scan3A_299 = arith.constant 64 : i32
    %reduce_max3A = arith.constant true
    %reduce_max3A_300 = vector.broadcast %reduce_max3A : i1 to vector<16xi1>
    %reduce_max3A_301 = arith.constant -2147483648 : i32
    %reduce_max3A_302 = vector.broadcast %reduce_max3A_301 : i32 to vector<16xi32>
    %reduce_max3A_303 = arith.xori %scan3A_298, %reduce_max3A_302 : vector<16xi32>
    %reduce_max3A_304 = tpu.scan <max>, %reduce_max3A_303 masked %reduce_max3A_300 : vector<16xi32>, vector<16xi1> -> vector<16xi32>
    %reduce_max3A_305 = arith.xori %reduce_max3A_304, %reduce_max3A_302 : vector<16xi32>
    %reduce_max3A_306 = vector.extract %reduce_max3A_305[15] : i32 from vector<16xi32>
    "tpu.trace_stop"() : () -> ()
    %add3A_307 = arith.constant 64 : i32
    %add3A_308 = arith.addi %reduce_max3A_306, %add3A_307 : i32
    %sub3A = arith.constant 1 : i32
    %sub3A_309 = arith.subi %add3A_308, %sub3A : i32
    %shift_right_logical3A = arith.constant 6 : i32
    %shift_right_logical3A_310 = arith.shrui %sub3A_309, %shift_right_logical3A : i32
    %broadcast_in_dim3A_311 = arith.constant 0 : i32
    %broadcast_in_dim3A_312 = vector.broadcast %broadcast_in_dim3A_311 : i32 to vector<16xi32>
    %gather3A = tpu.vector_load_idx %arg11[%broadcast_in_dim3A_312, %broadcast_in_dim3A_312] : memref<256x64xi32, #tpu.memory_space<vmem>>[vector<16xi32>, vector<16xi32>], vector<16xi32>,
    %and3A = arith.constant 16383 : i32
    %and3A_313 = vector.broadcast %and3A : i32 to vector<16xi32>
    %and3A_314 = arith.andi %gather3A, %and3A_313 : vector<16xi32>
    %gather3A_315 = tpu.vector_load_idx %arg8[%and3A_314] : memref<16384xi32, #tpu.memory_space<vmem>>[vector<16xi32>], vector<16xi32>,
    %and3A_316 = arith.constant 32767 : i32
    %and3A_317 = vector.broadcast %and3A_316 : i32 to vector<16xi32>
    %and3A_318 = arith.andi %gather3A_315, %and3A_317 : vector<16xi32>
    %gather3A_319 = tpu.vector_load_idx %arg10[%and3A_318] : memref<32768xi32, #tpu.memory_space<vmem>>[vector<16xi32>], vector<16xi32>,
    "tpu.trace_start"() <{level = 10 : i32, message = "p2a_resolve"}> : () -> ()
    %mul3A_320 = arith.constant 4 : i32
    %mul3A_321 = arith.muli %shift_right_logical3A_310, %mul3A_320 : i32
    %while3A = arith.constant 0 : i32
    %while3A_322 = arith.constant 0 : i32
    %while3A_323 = arith.subi %mul3A_321, %while3A : i32
    %while3A_324 = arith.addi %while3A, %while3A_323 : i32
    %while3A_325 = arith.constant 1 : i32
    %while3A_326 = arith.divsi %while3A_323, %while3A_325 : i32
    %while3A_327 = arith.muli %while3A_326, %while3A_325 : i32
    %while3A_328 = arith.addi %while3A, %while3A_327 : i32
    %while3A_329 = arith.constant 1 : i32
    %while3A_330 = scf.for %while3A_364 = %while3A to %while3A_328 step %while3A_329 iter_args(%while3A_365 = %while3A_322) -> (i32)  : i32 {
      %mul3A_366 = arith.constant 16 : i32
      %mul3A_367 = arith.muli %while3A_364, %mul3A_366 : i32
      %add3A_368 = vector.broadcast %mul3A_367 : i32 to vector<16xi32>
      %add3A_369 = arith.addi %add3A_368, %iota3A : vector<16xi32>
      %shift_right_logical3A_370 = arith.constant 6 : i32
      %shift_right_logical3A_371 = vector.broadcast %shift_right_logical3A_370 : i32 to vector<16xi32>
      %shift_right_logical3A_372 = arith.shrui %add3A_369, %shift_right_logical3A_371 : vector<16xi32>
      %and3A_373 = arith.constant 63 : i32
      %and3A_374 = vector.broadcast %and3A_373 : i32 to vector<16xi32>
      %and3A_375 = arith.andi %add3A_369, %and3A_374 : vector<16xi32>
      %lt3A = vector.broadcast %reduce_max3A_306 : i32 to vector<16xi32>
      %lt3A_376 = arith.cmpi slt, %add3A_369, %lt3A : vector<16xi32>
      %gather3A_377 = tpu.vector_load_idx %arg11[%shift_right_logical3A_372, %and3A_375] : memref<256x64xi32, #tpu.memory_space<vmem>>[vector<16xi32>, vector<16xi32>], vector<16xi32>,
      %and3A_378 = arith.constant 16383 : i32
      %and3A_379 = vector.broadcast %and3A_378 : i32 to vector<16xi32>
      %and3A_380 = arith.andi %gather3A_377, %and3A_379 : vector<16xi32>
      %gather3A_381 = tpu.vector_load_idx %arg8[%and3A_380] : memref<16384xi32, #tpu.memory_space<vmem>>[vector<16xi32>], vector<16xi32>,
      %and3A_382 = arith.constant 32767 : i32
      %and3A_383 = vector.broadcast %and3A_382 : i32 to vector<16xi32>
      %and3A_384 = arith.andi %gather3A_381, %and3A_383 : vector<16xi32>
      %gather3A_385 = tpu.vector_load_idx %arg10[%and3A_384] : memref<32768xi32, #tpu.memory_space<vmem>>[vector<16xi32>], vector<16xi32>,
      %select_n3A = arith.select %lt3A_376, %gather3A_385, %gather3A_319 : vector<16xi1>, vector<16xi32>
      %select_n3A_386 = arith.select %lt3A_376, %gather3A_377, %gather3A : vector<16xi1>, vector<16xi32>
      tpu.vector_store_idx %arg12[%shift_right_logical3A_372, %and3A_375], %select_n3A : memref<256x64xi32, #tpu.memory_space<vmem>>[vector<16xi32>, vector<16xi32>], vector<16xi32>,
      tpu.vector_store_idx %arg11[%shift_right_logical3A_372, %and3A_375], %select_n3A_386 : memref<256x64xi32, #tpu.memory_space<vmem>>[vector<16xi32>, vector<16xi32>], vector<16xi32>,
      %while3A_387 = arith.constant 0 : i32
      scf.yield %while3A_387 : i32
    }
    %while3A_331 = arith.constant 1 : i32
    %while3A_332 = scf.for %while3A_364 = %while3A_328 to %while3A_324 step %while3A_331 iter_args(%while3A_365 = %while3A_330) -> (i32)  : i32 {
      %mul3A_366 = arith.constant 16 : i32
      %mul3A_367 = arith.muli %while3A_364, %mul3A_366 : i32
      %add3A_368 = vector.broadcast %mul3A_367 : i32 to vector<16xi32>
      %add3A_369 = arith.addi %add3A_368, %iota3A : vector<16xi32>
      %shift_right_logical3A_370 = arith.constant 6 : i32
      %shift_right_logical3A_371 = vector.broadcast %shift_right_logical3A_370 : i32 to vector<16xi32>
      %shift_right_logical3A_372 = arith.shrui %add3A_369, %shift_right_logical3A_371 : vector<16xi32>
      %and3A_373 = arith.constant 63 : i32
      %and3A_374 = vector.broadcast %and3A_373 : i32 to vector<16xi32>
      %and3A_375 = arith.andi %add3A_369, %and3A_374 : vector<16xi32>
      %lt3A = vector.broadcast %reduce_max3A_306 : i32 to vector<16xi32>
      %lt3A_376 = arith.cmpi slt, %add3A_369, %lt3A : vector<16xi32>
      %gather3A_377 = tpu.vector_load_idx %arg11[%shift_right_logical3A_372, %and3A_375] : memref<256x64xi32, #tpu.memory_space<vmem>>[vector<16xi32>, vector<16xi32>], vector<16xi32>,
      %and3A_378 = arith.constant 16383 : i32
      %and3A_379 = vector.broadcast %and3A_378 : i32 to vector<16xi32>
      %and3A_380 = arith.andi %gather3A_377, %and3A_379 : vector<16xi32>
      %gather3A_381 = tpu.vector_load_idx %arg8[%and3A_380] : memref<16384xi32, #tpu.memory_space<vmem>>[vector<16xi32>], vector<16xi32>,
      %and3A_382 = arith.constant 32767 : i32
      %and3A_383 = vector.broadcast %and3A_382 : i32 to vector<16xi32>
      %and3A_384 = arith.andi %gather3A_381, %and3A_383 : vector<16xi32>
      %gather3A_385 = tpu.vector_load_idx %arg10[%and3A_384] : memref<32768xi32, #tpu.memory_space<vmem>>[vector<16xi32>], vector<16xi32>,
      %select_n3A = arith.select %lt3A_376, %gather3A_385, %gather3A_319 : vector<16xi1>, vector<16xi32>
      %select_n3A_386 = arith.select %lt3A_376, %gather3A_377, %gather3A : vector<16xi1>, vector<16xi32>
      tpu.vector_store_idx %arg12[%shift_right_logical3A_372, %and3A_375], %select_n3A : memref<256x64xi32, #tpu.memory_space<vmem>>[vector<16xi32>, vector<16xi32>], vector<16xi32>,
      tpu.vector_store_idx %arg11[%shift_right_logical3A_372, %and3A_375], %select_n3A_386 : memref<256x64xi32, #tpu.memory_space<vmem>>[vector<16xi32>, vector<16xi32>], vector<16xi32>,
      %while3A_387 = arith.constant 0 : i32
      scf.yield %while3A_387 : i32
    }
    tpu.wait_dma2 semaphore(%arg19 : memref<!tpu.dma_semaphore, #tpu.memory_space<semaphore_mem>>) src(%arg4 : memref<16384xi32, #tpu.memory_space<hbm>>) dst(%arg9 : memref<16384xi32, #tpu.memory_space<vmem>>)
    %gt3A = arith.constant 0 : i32
    "tpu.trace_stop"() : () -> ()
    "tpu.trace_start"() <{level = 10 : i32, message = "p2b_dma"}> : () -> ()
    %gt3A_333 = arith.cmpi sgt, %shift_right_logical3A_310, %gt3A : i32
    %convert_element_type3A = arith.extui %gt3A_333 : i1 to i32
    %cond3A = arith.constant 0 : i32
    %cond3A_334 = arith.cmpi ne, %convert_element_type3A, %cond3A : i32
    scf.if %cond3A_334 {
      %dma_start3A_364 = arith.constant 0 : i32
      %dma_start3A_365 = arith.constant 0 : i32
      %dma_start3A_366 = arith.constant 0 : i32
      %dma_start3A_367 = arith.constant 0 : i32
      %dma_start3A_368 = tpu.memref_slice %arg13[%dma_start3A_365, %dma_start3A_366, %dma_start3A_367] : memref<2x64x128xf32, #tpu.memory_space<vmem>> -> memref<1x64x128xf32, #tpu.memory_space<vmem>>
      %dma_start3A_369 = tpu.memref_squeeze %dma_start3A_368 : memref<1x64x128xf32, #tpu.memory_space<vmem>> -> memref<64x128xf32, #tpu.memory_space<vmem>>
      %dma_start3A_370 = arith.constant 0 : i32
      %dma_start3A_371 = tpu.memref_slice %arg12[%dma_start3A_364, %dma_start3A_370] : memref<256x64xi32, #tpu.memory_space<vmem>> -> memref<1x64xi32, #tpu.memory_space<vmem>>
      %dma_start3A_372 = tpu.memref_squeeze %dma_start3A_371 : memref<1x64xi32, #tpu.memory_space<vmem>> -> memref<64xi32, #tpu.memory_space<vmem>>
      %dma_start3A_373 = arith.constant 0 : i32
      %dma_start3A_374 = arith.constant 0 : i32
      %dma_start3A_375 = tpu.memref_slice %arg3[%dma_start3A_373, %dma_start3A_374] : memref<16384x128xf32, #tpu.memory_space<hbm>> -> memref<16384x128xf32, #tpu.memory_space<hbm>>
      tpu.enqueue_indirect_dma source(%dma_start3A_375 : memref<16384x128xf32, #tpu.memory_space<hbm>>) target(%dma_start3A_369 : memref<64x128xf32, #tpu.memory_space<vmem>>) offsets(%dma_start3A_372 : memref<64xi32, #tpu.memory_space<vmem>>) semaphore(%arg17 : memref<!tpu.dma_semaphore, #tpu.memory_space<semaphore_mem>>)
    } else {
    }
    %while3A_335 = arith.constant 0 : i32
    %while3A_336 = arith.constant 0 : i32
    %while3A_337 = arith.subi %shift_right_logical3A_310, %while3A_335 : i32
    %while3A_338 = arith.addi %while3A_335, %while3A_337 : i32
    %while3A_339 = arith.constant 1 : i32
    %while3A_340 = arith.divsi %while3A_337, %while3A_339 : i32
    %while3A_341 = arith.muli %while3A_340, %while3A_339 : i32
    %while3A_342 = arith.addi %while3A_335, %while3A_341 : i32
    %while3A_343 = arith.constant 1 : i32
    %while3A_344 = scf.for %while3A_364 = %while3A_335 to %while3A_342 step %while3A_343 iter_args(%while3A_365 = %while3A_336) -> (i32)  : i32 {
      %and3A_366 = arith.constant 1 : i32
      %and3A_367 = arith.andi %while3A_364, %and3A_366 : i32
      %add3A_368 = arith.constant 1 : i32
      %add3A_369 = arith.addi %while3A_364, %add3A_368 : i32
      %and3A_370 = arith.constant 1 : i32
      %and3A_371 = arith.andi %add3A_369, %and3A_370 : i32
      %ge3A = arith.constant 1 : i32
      %ge3A_372 = arith.cmpi sge, %while3A_364, %ge3A : i32
      %convert_element_type3A_373 = arith.extui %ge3A_372 : i1 to i32
      %cond3A_374 = arith.constant 0 : i32
      %cond3A_375 = arith.cmpi ne, %convert_element_type3A_373, %cond3A_374 : i32
      scf.if %cond3A_375 {
        %dma_wait3A_487 = arith.constant 0 : i32
        %dma_wait3A_488 = arith.constant 0 : i32
        %dma_wait3A_489 = arith.constant 0 : i32
        %dma_wait3A_490 = tpu.memref_slice %arg13[%dma_wait3A_487, %dma_wait3A_488, %dma_wait3A_489] : memref<2x64x128xf32, #tpu.memory_space<vmem>> -> memref<1x64x128xf32, #tpu.memory_space<vmem>>
        %dma_wait3A_491 = tpu.memref_squeeze %dma_wait3A_490 : memref<1x64x128xf32, #tpu.memory_space<vmem>> -> memref<64x128xf32, #tpu.memory_space<vmem>>
        %dma_wait3A_492 = arith.constant 0 : i32
        %dma_wait3A_493 = arith.constant 0 : i32
        %dma_wait3A_494 = tpu.memref_slice %arg5[%dma_wait3A_492, %dma_wait3A_493] : memref<16384x128xf32, #tpu.memory_space<hbm>> -> memref<64x128xf32, #tpu.memory_space<hbm>>
        %dma_wait3A_495 = arith.constant 0 : i32
        %dma_wait3A_496 = arith.constant 0 : i32
        %dma_wait3A_497 = tpu.memref_slice %arg5[%dma_wait3A_495, %dma_wait3A_496] : memref<16384x128xf32, #tpu.memory_space<hbm>> -> memref<64x128xf32, #tpu.memory_space<hbm>>
        %dma_wait3A_498 = arith.constant 0 : i32
        %dma_wait3A_499 = arith.constant 0 : i32
        %dma_wait3A_500 = tpu.memref_slice %arg13[%dma_wait3A_487, %dma_wait3A_498, %dma_wait3A_499] : memref<2x64x128xf32, #tpu.memory_space<vmem>> -> memref<1x64x128xf32, #tpu.memory_space<vmem>>
        %dma_wait3A_501 = tpu.memref_squeeze %dma_wait3A_500 : memref<1x64x128xf32, #tpu.memory_space<vmem>> -> memref<64x128xf32, #tpu.memory_space<vmem>>
        tpu.wait_dma2 semaphore(%arg18 : memref<!tpu.dma_semaphore, #tpu.memory_space<semaphore_mem>>) src(%dma_wait3A_501 : memref<64x128xf32, #tpu.memory_space<vmem>>) dst(%dma_wait3A_497 : memref<64x128xf32, #tpu.memory_space<hbm>>)
        %dma_wait3A_502 = arith.constant 0 : i32
        %dma_wait3A_503 = arith.constant 0 : i32
        %dma_wait3A_504 = tpu.memref_slice %arg14[%dma_wait3A_502, %dma_wait3A_503] : memref<2x64xi32, #tpu.memory_space<vmem>> -> memref<1x64xi32, #tpu.memory_space<vmem>>
        %dma_wait3A_505 = tpu.memref_squeeze %dma_wait3A_504 : memref<1x64xi32, #tpu.memory_space<vmem>> -> memref<64xi32, #tpu.memory_space<vmem>>
        %dma_wait3A_506 = arith.constant 0 : i32
        %dma_wait3A_507 = tpu.memref_slice %arg16[%dma_wait3A_506] : memref<16384xi32, #tpu.memory_space<vmem_shared>> -> memref<64xi32, #tpu.memory_space<vmem_shared>>
        %dma_wait3A_508 = arith.constant 0 : i32
        %dma_wait3A_509 = tpu.memref_slice %arg16[%dma_wait3A_508] : memref<16384xi32, #tpu.memory_space<vmem_shared>> -> memref<64xi32, #tpu.memory_space<vmem_shared>>
        %dma_wait3A_510 = arith.constant 0 : i32
        %dma_wait3A_511 = tpu.memref_slice %arg14[%dma_wait3A_502, %dma_wait3A_510] : memref<2x64xi32, #tpu.memory_space<vmem>> -> memref<1x64xi32, #tpu.memory_space<vmem>>
        %dma_wait3A_512 = tpu.memref_squeeze %dma_wait3A_511 : memref<1x64xi32, #tpu.memory_space<vmem>> -> memref<64xi32, #tpu.memory_space<vmem>>
        tpu.wait_dma2 semaphore(%arg19 : memref<!tpu.dma_semaphore, #tpu.memory_space<semaphore_mem>>) src(%dma_wait3A_512 : memref<64xi32, #tpu.memory_space<vmem>>) dst(%dma_wait3A_509 : memref<64xi32, #tpu.memory_space<vmem_shared>>)
      } else {
      }
      %add3A_376 = arith.constant 1 : i32
      %add3A_377 = arith.addi %while3A_364, %add3A_376 : i32
      %lt3A = arith.cmpi slt, %add3A_377, %shift_right_logical3A_310 : i32
      %convert_element_type3A_378 = arith.extui %lt3A : i1 to i32
      %cond3A_379 = arith.constant 0 : i32
      %cond3A_380 = arith.cmpi ne, %convert_element_type3A_378, %cond3A_379 : i32
      scf.if %cond3A_380 {
        %add3A_487 = arith.constant 1 : i32
        %add3A_488 = arith.addi %while3A_364, %add3A_487 : i32
        %dma_start3A_489 = arith.constant 0 : i32
        %dma_start3A_490 = arith.constant 0 : i32
        %dma_start3A_491 = tpu.memref_slice %arg13[%and3A_371, %dma_start3A_489, %dma_start3A_490] : memref<2x64x128xf32, #tpu.memory_space<vmem>> -> memref<1x64x128xf32, #tpu.memory_space<vmem>>
        %dma_start3A_492 = tpu.memref_squeeze %dma_start3A_491 : memref<1x64x128xf32, #tpu.memory_space<vmem>> -> memref<64x128xf32, #tpu.memory_space<vmem>>
        %dma_start3A_493 = arith.constant 0 : i32
        %dma_start3A_494 = tpu.memref_slice %arg12[%add3A_488, %dma_start3A_493] : memref<256x64xi32, #tpu.memory_space<vmem>> -> memref<1x64xi32, #tpu.memory_space<vmem>>
        %dma_start3A_495 = tpu.memref_squeeze %dma_start3A_494 : memref<1x64xi32, #tpu.memory_space<vmem>> -> memref<64xi32, #tpu.memory_space<vmem>>
        %dma_start3A_496 = arith.constant 0 : i32
        %dma_start3A_497 = arith.constant 0 : i32
        %dma_start3A_498 = tpu.memref_slice %arg3[%dma_start3A_496, %dma_start3A_497] : memref<16384x128xf32, #tpu.memory_space<hbm>> -> memref<16384x128xf32, #tpu.memory_space<hbm>>
        tpu.enqueue_indirect_dma source(%dma_start3A_498 : memref<16384x128xf32, #tpu.memory_space<hbm>>) target(%dma_start3A_492 : memref<64x128xf32, #tpu.memory_space<vmem>>) offsets(%dma_start3A_495 : memref<64xi32, #tpu.memory_space<vmem>>) semaphore(%arg17 : memref<!tpu.dma_semaphore, #tpu.memory_space<semaphore_mem>>)
      } else {
      }
      %add3A_381 = arith.constant 0 : i32
      %add3A_382 = vector.broadcast %add3A_381 : i32 to vector<16xi32>
      %add3A_383 = arith.addi %add3A_382, %iota3A : vector<16xi32>
      %get3A = arith.index_cast %while3A_364 : i32 to index
      %get3A_384 = arith.constant 0 : index
      %get3A_385 = tpu.vector_load %arg12[%get3A, %get3A_384] {strides = array<i32>} : memref<256x64xi32, #tpu.memory_space<vmem>>, vector<16xi32>,
      %gather3A_386 = tpu.vector_load_idx %arg9[%get3A_385] : memref<16384xi32, #tpu.memory_space<vmem>>[vector<16xi32>], vector<16xi32>,
      %mul3A_387 = arith.constant 64 : i32
      %mul3A_388 = arith.muli %while3A_364, %mul3A_387 : i32
      %add3A_389 = vector.broadcast %mul3A_388 : i32 to vector<16xi32>
      %add3A_390 = arith.addi %add3A_389, %add3A_383 : vector<16xi32>
      %lt3A_391 = vector.broadcast %reduce_max3A_306 : i32 to vector<16xi32>
      %lt3A_392 = arith.cmpi slt, %add3A_390, %lt3A_391 : vector<16xi32>
      %jit3A = arith.constant 0 : i32
      %broadcast_in_dim3A_393 = vector.broadcast %jit3A : i32 to vector<16xi32>
      %select_n3A = arith.select %lt3A_392, %gather3A_386, %broadcast_in_dim3A_393 : vector<16xi1>, vector<16xi32>
      %scatter3A = arith.constant 0 : i32
      %scatter3A_394 = tpu.memref_slice %arg14[%and3A_367, %scatter3A] : memref<2x64xi32, #tpu.memory_space<vmem>> -> memref<1x64xi32, #tpu.memory_space<vmem>>
      %scatter3A_395 = tpu.memref_squeeze %scatter3A_394 : memref<1x64xi32, #tpu.memory_space<vmem>> -> memref<64xi32, #tpu.memory_space<vmem>>
      tpu.vector_store_idx %scatter3A_395[%add3A_383], %select_n3A : memref<64xi32, #tpu.memory_space<vmem>>[vector<16xi32>], vector<16xi32>,
      %add3A_396 = arith.constant 16 : i32
      %add3A_397 = vector.broadcast %add3A_396 : i32 to vector<16xi32>
      %add3A_398 = arith.addi %add3A_397, %iota3A : vector<16xi32>
      %get3A_399 = arith.index_cast %while3A_364 : i32 to index
      %get3A_400 = arith.constant 16 : index
      %get3A_401 = tpu.vector_load %arg12[%get3A_399, %get3A_400] {strides = array<i32>} : memref<256x64xi32, #tpu.memory_space<vmem>>, vector<16xi32>,
      %gather3A_402 = tpu.vector_load_idx %arg9[%get3A_401] : memref<16384xi32, #tpu.memory_space<vmem>>[vector<16xi32>], vector<16xi32>,
      %mul3A_403 = arith.constant 64 : i32
      %mul3A_404 = arith.muli %while3A_364, %mul3A_403 : i32
      %add3A_405 = vector.broadcast %mul3A_404 : i32 to vector<16xi32>
      %add3A_406 = arith.addi %add3A_405, %add3A_398 : vector<16xi32>
      %lt3A_407 = vector.broadcast %reduce_max3A_306 : i32 to vector<16xi32>
      %lt3A_408 = arith.cmpi slt, %add3A_406, %lt3A_407 : vector<16xi32>
      %jit3A_409 = arith.constant 0 : i32
      %broadcast_in_dim3A_410 = vector.broadcast %jit3A_409 : i32 to vector<16xi32>
      %select_n3A_411 = arith.select %lt3A_408, %gather3A_402, %broadcast_in_dim3A_410 : vector<16xi1>, vector<16xi32>
      %scatter3A_412 = arith.constant 0 : i32
      %scatter3A_413 = tpu.memref_slice %arg14[%and3A_367, %scatter3A_412] : memref<2x64xi32, #tpu.memory_space<vmem>> -> memref<1x64xi32, #tpu.memory_space<vmem>>
      %scatter3A_414 = tpu.memref_squeeze %scatter3A_413 : memref<1x64xi32, #tpu.memory_space<vmem>> -> memref<64xi32, #tpu.memory_space<vmem>>
      tpu.vector_store_idx %scatter3A_414[%add3A_398], %select_n3A_411 : memref<64xi32, #tpu.memory_space<vmem>>[vector<16xi32>], vector<16xi32>,
      %add3A_415 = arith.constant 32 : i32
      %add3A_416 = vector.broadcast %add3A_415 : i32 to vector<16xi32>
      %add3A_417 = arith.addi %add3A_416, %iota3A : vector<16xi32>
      %get3A_418 = arith.index_cast %while3A_364 : i32 to index
      %get3A_419 = arith.constant 32 : index
      %get3A_420 = tpu.vector_load %arg12[%get3A_418, %get3A_419] {strides = array<i32>} : memref<256x64xi32, #tpu.memory_space<vmem>>, vector<16xi32>,
      %gather3A_421 = tpu.vector_load_idx %arg9[%get3A_420] : memref<16384xi32, #tpu.memory_space<vmem>>[vector<16xi32>], vector<16xi32>,
      %mul3A_422 = arith.constant 64 : i32
      %mul3A_423 = arith.muli %while3A_364, %mul3A_422 : i32
      %add3A_424 = vector.broadcast %mul3A_423 : i32 to vector<16xi32>
      %add3A_425 = arith.addi %add3A_424, %add3A_417 : vector<16xi32>
      %lt3A_426 = vector.broadcast %reduce_max3A_306 : i32 to vector<16xi32>
      %lt3A_427 = arith.cmpi slt, %add3A_425, %lt3A_426 : vector<16xi32>
      %jit3A_428 = arith.constant 0 : i32
      %broadcast_in_dim3A_429 = vector.broadcast %jit3A_428 : i32 to vector<16xi32>
      %select_n3A_430 = arith.select %lt3A_427, %gather3A_421, %broadcast_in_dim3A_429 : vector<16xi1>, vector<16xi32>
      %scatter3A_431 = arith.constant 0 : i32
      %scatter3A_432 = tpu.memref_slice %arg14[%and3A_367, %scatter3A_431] : memref<2x64xi32, #tpu.memory_space<vmem>> -> memref<1x64xi32, #tpu.memory_space<vmem>>
      %scatter3A_433 = tpu.memref_squeeze %scatter3A_432 : memref<1x64xi32, #tpu.memory_space<vmem>> -> memref<64xi32, #tpu.memory_space<vmem>>
      tpu.vector_store_idx %scatter3A_433[%add3A_417], %select_n3A_430 : memref<64xi32, #tpu.memory_space<vmem>>[vector<16xi32>], vector<16xi32>,
      %add3A_434 = arith.constant 48 : i32
      %add3A_435 = vector.broadcast %add3A_434 : i32 to vector<16xi32>
      %add3A_436 = arith.addi %add3A_435, %iota3A : vector<16xi32>
      %get3A_437 = arith.index_cast %while3A_364 : i32 to index
      %get3A_438 = arith.constant 48 : index
      %get3A_439 = tpu.vector_load %arg12[%get3A_437, %get3A_438] {strides = array<i32>} : memref<256x64xi32, #tpu.memory_space<vmem>>, vector<16xi32>,
      %gather3A_440 = tpu.vector_load_idx %arg9[%get3A_439] : memref<16384xi32, #tpu.memory_space<vmem>>[vector<16xi32>], vector<16xi32>,
      %mul3A_441 = arith.constant 64 : i32
      %mul3A_442 = arith.muli %while3A_364, %mul3A_441 : i32
      %add3A_443 = vector.broadcast %mul3A_442 : i32 to vector<16xi32>
      %add3A_444 = arith.addi %add3A_443, %add3A_436 : vector<16xi32>
      %lt3A_445 = vector.broadcast %reduce_max3A_306 : i32 to vector<16xi32>
      %lt3A_446 = arith.cmpi slt, %add3A_444, %lt3A_445 : vector<16xi32>
      %jit3A_447 = arith.constant 0 : i32
      %broadcast_in_dim3A_448 = vector.broadcast %jit3A_447 : i32 to vector<16xi32>
      %select_n3A_449 = arith.select %lt3A_446, %gather3A_440, %broadcast_in_dim3A_448 : vector<16xi1>, vector<16xi32>
      %scatter3A_450 = arith.constant 0 : i32
      %scatter3A_451 = tpu.memref_slice %arg14[%and3A_367, %scatter3A_450] : memref<2x64xi32, #tpu.memory_space<vmem>> -> memref<1x64xi32, #tpu.memory_space<vmem>>
      %scatter3A_452 = tpu.memref_squeeze %scatter3A_451 : memref<1x64xi32, #tpu.memory_space<vmem>> -> memref<64xi32, #tpu.memory_space<vmem>>
      tpu.vector_store_idx %scatter3A_452[%add3A_436], %select_n3A_449 : memref<64xi32, #tpu.memory_space<vmem>>[vector<16xi32>], vector<16xi32>,
      %dma_wait3A_453 = arith.constant 0 : i32
      %dma_wait3A_454 = arith.constant 0 : i32
      %dma_wait3A_455 = arith.constant 0 : i32
      %dma_wait3A_456 = tpu.memref_slice %arg13[%dma_wait3A_453, %dma_wait3A_454, %dma_wait3A_455] : memref<2x64x128xf32, #tpu.memory_space<vmem>> -> memref<1x64x128xf32, #tpu.memory_space<vmem>>
      %dma_wait3A_457 = tpu.memref_squeeze %dma_wait3A_456 : memref<1x64x128xf32, #tpu.memory_space<vmem>> -> memref<64x128xf32, #tpu.memory_space<vmem>>
      %dma_wait3A_458 = arith.constant 0 : i32
      %dma_wait3A_459 = arith.constant 0 : i32
      %dma_wait3A_460 = tpu.memref_slice %arg3[%dma_wait3A_458, %dma_wait3A_459] : memref<16384x128xf32, #tpu.memory_space<hbm>> -> memref<64x128xf32, #tpu.memory_space<hbm>>
      %dma_wait3A_461 = arith.constant 0 : i32
      %dma_wait3A_462 = arith.constant 0 : i32
      %dma_wait3A_463 = tpu.memref_slice %arg13[%dma_wait3A_453, %dma_wait3A_461, %dma_wait3A_462] : memref<2x64x128xf32, #tpu.memory_space<vmem>> -> memref<1x64x128xf32, #tpu.memory_space<vmem>>
      %dma_wait3A_464 = tpu.memref_squeeze %dma_wait3A_463 : memref<1x64x128xf32, #tpu.memory_space<vmem>> -> memref<64x128xf32, #tpu.memory_space<vmem>>
      %dma_wait3A_465 = arith.constant 0 : i32
      %dma_wait3A_466 = arith.constant 0 : i32
      %dma_wait3A_467 = tpu.memref_slice %arg3[%dma_wait3A_465, %dma_wait3A_466] : memref<16384x128xf32, #tpu.memory_space<hbm>> -> memref<64x128xf32, #tpu.memory_space<hbm>>
      tpu.wait_dma2 semaphore(%arg17 : memref<!tpu.dma_semaphore, #tpu.memory_space<semaphore_mem>>) src(%dma_wait3A_467 : memref<64x128xf32, #tpu.memory_space<hbm>>) dst(%dma_wait3A_464 : memref<64x128xf32, #tpu.memory_space<vmem>>)
      %dma_start3A_468 = arith.constant 0 : i32
      %dma_start3A_469 = arith.constant 0 : i32
      %dma_start3A_470 = tpu.memref_slice %arg13[%and3A_367, %dma_start3A_468, %dma_start3A_469] : memref<2x64x128xf32, #tpu.memory_space<vmem>> -> memref<1x64x128xf32, #tpu.memory_space<vmem>>
      %dma_start3A_471 = tpu.memref_squeeze %dma_start3A_470 : memref<1x64x128xf32, #tpu.memory_space<vmem>> -> memref<64x128xf32, #tpu.memory_space<vmem>>
      %dma_start3A_472 = arith.constant 0 : i32
      %dma_start3A_473 = tpu.memref_slice %arg11[%while3A_364, %dma_start3A_472] : memref<256x64xi32, #tpu.memory_space<vmem>> -> memref<1x64xi32, #tpu.memory_space<vmem>>
      %dma_start3A_474 = tpu.memref_squeeze %dma_start3A_473 : memref<1x64xi32, #tpu.memory_space<vmem>> -> memref<64xi32, #tpu.memory_space<vmem>>
      %dma_start3A_475 = arith.constant 0 : i32
      %dma_start3A_476 = arith.constant 0 : i32
      %dma_start3A_477 = tpu.memref_slice %arg5[%dma_start3A_475, %dma_start3A_476] : memref<16384x128xf32, #tpu.memory_space<hbm>> -> memref<16384x128xf32, #tpu.memory_space<hbm>>
      tpu.enqueue_indirect_dma source(%dma_start3A_471 : memref<64x128xf32, #tpu.memory_space<vmem>>) target(%dma_start3A_477 : memref<16384x128xf32, #tpu.memory_space<hbm>>) offsets(%dma_start3A_474 : memref<64xi32, #tpu.memory_space<vmem>>) semaphore(%arg18 : memref<!tpu.dma_semaphore, #tpu.memory_space<semaphore_mem>>)
      %dma_start3A_478 = arith.constant 0 : i32
      %dma_start3A_479 = tpu.memref_slice %arg14[%and3A_367, %dma_start3A_478] : memref<2x64xi32, #tpu.memory_space<vmem>> -> memref<1x64xi32, #tpu.memory_space<vmem>>
      %dma_start3A_480 = tpu.memref_squeeze %dma_start3A_479 : memref<1x64xi32, #tpu.memory_space<vmem>> -> memref<64xi32, #tpu.memory_space<vmem>>
      %dma_start3A_481 = arith.constant 0 : i32
      %dma_start3A_482 = tpu.memref_slice %arg11[%while3A_364, %dma_start3A_481] : memref<256x64xi32, #tpu.memory_space<vmem>> -> memref<1x64xi32, #tpu.memory_space<vmem>>
      %dma_start3A_483 = tpu.memref_squeeze %dma_start3A_482 : memref<1x64xi32, #tpu.memory_space<vmem>> -> memref<64xi32, #tpu.memory_space<vmem>>
      %dma_start3A_484 = arith.constant 0 : i32
      %dma_start3A_485 = tpu.memref_slice %arg16[%dma_start3A_484] : memref<16384xi32, #tpu.memory_space<vmem_shared>> -> memref<16384xi32, #tpu.memory_space<vmem_shared>>
      tpu.enqueue_indirect_dma source(%dma_start3A_480 : memref<64xi32, #tpu.memory_space<vmem>>) target(%dma_start3A_485 : memref<16384xi32, #tpu.memory_space<vmem_shared>>) offsets(%dma_start3A_483 : memref<64xi32, #tpu.memory_space<vmem>>) semaphore(%arg19 : memref<!tpu.dma_semaphore, #tpu.memory_space<semaphore_mem>>) {add = true}
      %while3A_486 = arith.constant 0 : i32
      scf.yield %while3A_486 : i32
    }
    %while3A_345 = arith.constant 1 : i32
    %while3A_346 = scf.for %while3A_364 = %while3A_342 to %while3A_338 step %while3A_345 iter_args(%while3A_365 = %while3A_344) -> (i32)  : i32 {
      %and3A_366 = arith.constant 1 : i32
      %and3A_367 = arith.andi %while3A_364, %and3A_366 : i32
      %add3A_368 = arith.constant 1 : i32
      %add3A_369 = arith.addi %while3A_364, %add3A_368 : i32
      %and3A_370 = arith.constant 1 : i32
      %and3A_371 = arith.andi %add3A_369, %and3A_370 : i32
      %ge3A = arith.constant 1 : i32
      %ge3A_372 = arith.cmpi sge, %while3A_364, %ge3A : i32
      %convert_element_type3A_373 = arith.extui %ge3A_372 : i1 to i32
      %cond3A_374 = arith.constant 0 : i32
      %cond3A_375 = arith.cmpi ne, %convert_element_type3A_373, %cond3A_374 : i32
      scf.if %cond3A_375 {
        %dma_wait3A_487 = arith.constant 0 : i32
        %dma_wait3A_488 = arith.constant 0 : i32
        %dma_wait3A_489 = arith.constant 0 : i32
        %dma_wait3A_490 = tpu.memref_slice %arg13[%dma_wait3A_487, %dma_wait3A_488, %dma_wait3A_489] : memref<2x64x128xf32, #tpu.memory_space<vmem>> -> memref<1x64x128xf32, #tpu.memory_space<vmem>>
        %dma_wait3A_491 = tpu.memref_squeeze %dma_wait3A_490 : memref<1x64x128xf32, #tpu.memory_space<vmem>> -> memref<64x128xf32, #tpu.memory_space<vmem>>
        %dma_wait3A_492 = arith.constant 0 : i32
        %dma_wait3A_493 = arith.constant 0 : i32
        %dma_wait3A_494 = tpu.memref_slice %arg5[%dma_wait3A_492, %dma_wait3A_493] : memref<16384x128xf32, #tpu.memory_space<hbm>> -> memref<64x128xf32, #tpu.memory_space<hbm>>
        %dma_wait3A_495 = arith.constant 0 : i32
        %dma_wait3A_496 = arith.constant 0 : i32
        %dma_wait3A_497 = tpu.memref_slice %arg5[%dma_wait3A_495, %dma_wait3A_496] : memref<16384x128xf32, #tpu.memory_space<hbm>> -> memref<64x128xf32, #tpu.memory_space<hbm>>
        %dma_wait3A_498 = arith.constant 0 : i32
        %dma_wait3A_499 = arith.constant 0 : i32
        %dma_wait3A_500 = tpu.memref_slice %arg13[%dma_wait3A_487, %dma_wait3A_498, %dma_wait3A_499] : memref<2x64x128xf32, #tpu.memory_space<vmem>> -> memref<1x64x128xf32, #tpu.memory_space<vmem>>
        %dma_wait3A_501 = tpu.memref_squeeze %dma_wait3A_500 : memref<1x64x128xf32, #tpu.memory_space<vmem>> -> memref<64x128xf32, #tpu.memory_space<vmem>>
        tpu.wait_dma2 semaphore(%arg18 : memref<!tpu.dma_semaphore, #tpu.memory_space<semaphore_mem>>) src(%dma_wait3A_501 : memref<64x128xf32, #tpu.memory_space<vmem>>) dst(%dma_wait3A_497 : memref<64x128xf32, #tpu.memory_space<hbm>>)
        %dma_wait3A_502 = arith.constant 0 : i32
        %dma_wait3A_503 = arith.constant 0 : i32
        %dma_wait3A_504 = tpu.memref_slice %arg14[%dma_wait3A_502, %dma_wait3A_503] : memref<2x64xi32, #tpu.memory_space<vmem>> -> memref<1x64xi32, #tpu.memory_space<vmem>>
        %dma_wait3A_505 = tpu.memref_squeeze %dma_wait3A_504 : memref<1x64xi32, #tpu.memory_space<vmem>> -> memref<64xi32, #tpu.memory_space<vmem>>
        %dma_wait3A_506 = arith.constant 0 : i32
        %dma_wait3A_507 = tpu.memref_slice %arg16[%dma_wait3A_506] : memref<16384xi32, #tpu.memory_space<vmem_shared>> -> memref<64xi32, #tpu.memory_space<vmem_shared>>
        %dma_wait3A_508 = arith.constant 0 : i32
        %dma_wait3A_509 = tpu.memref_slice %arg16[%dma_wait3A_508] : memref<16384xi32, #tpu.memory_space<vmem_shared>> -> memref<64xi32, #tpu.memory_space<vmem_shared>>
        %dma_wait3A_510 = arith.constant 0 : i32
        %dma_wait3A_511 = tpu.memref_slice %arg14[%dma_wait3A_502, %dma_wait3A_510] : memref<2x64xi32, #tpu.memory_space<vmem>> -> memref<1x64xi32, #tpu.memory_space<vmem>>
        %dma_wait3A_512 = tpu.memref_squeeze %dma_wait3A_511 : memref<1x64xi32, #tpu.memory_space<vmem>> -> memref<64xi32, #tpu.memory_space<vmem>>
        tpu.wait_dma2 semaphore(%arg19 : memref<!tpu.dma_semaphore, #tpu.memory_space<semaphore_mem>>) src(%dma_wait3A_512 : memref<64xi32, #tpu.memory_space<vmem>>) dst(%dma_wait3A_509 : memref<64xi32, #tpu.memory_space<vmem_shared>>)
      } else {
      }
      %add3A_376 = arith.constant 1 : i32
      %add3A_377 = arith.addi %while3A_364, %add3A_376 : i32
      %lt3A = arith.cmpi slt, %add3A_377, %shift_right_logical3A_310 : i32
      %convert_element_type3A_378 = arith.extui %lt3A : i1 to i32
      %cond3A_379 = arith.constant 0 : i32
      %cond3A_380 = arith.cmpi ne, %convert_element_type3A_378, %cond3A_379 : i32
      scf.if %cond3A_380 {
        %add3A_487 = arith.constant 1 : i32
        %add3A_488 = arith.addi %while3A_364, %add3A_487 : i32
        %dma_start3A_489 = arith.constant 0 : i32
        %dma_start3A_490 = arith.constant 0 : i32
        %dma_start3A_491 = tpu.memref_slice %arg13[%and3A_371, %dma_start3A_489, %dma_start3A_490] : memref<2x64x128xf32, #tpu.memory_space<vmem>> -> memref<1x64x128xf32, #tpu.memory_space<vmem>>
        %dma_start3A_492 = tpu.memref_squeeze %dma_start3A_491 : memref<1x64x128xf32, #tpu.memory_space<vmem>> -> memref<64x128xf32, #tpu.memory_space<vmem>>
        %dma_start3A_493 = arith.constant 0 : i32
        %dma_start3A_494 = tpu.memref_slice %arg12[%add3A_488, %dma_start3A_493] : memref<256x64xi32, #tpu.memory_space<vmem>> -> memref<1x64xi32, #tpu.memory_space<vmem>>
        %dma_start3A_495 = tpu.memref_squeeze %dma_start3A_494 : memref<1x64xi32, #tpu.memory_space<vmem>> -> memref<64xi32, #tpu.memory_space<vmem>>
        %dma_start3A_496 = arith.constant 0 : i32
        %dma_start3A_497 = arith.constant 0 : i32
        %dma_start3A_498 = tpu.memref_slice %arg3[%dma_start3A_496, %dma_start3A_497] : memref<16384x128xf32, #tpu.memory_space<hbm>> -> memref<16384x128xf32, #tpu.memory_space<hbm>>
        tpu.enqueue_indirect_dma source(%dma_start3A_498 : memref<16384x128xf32, #tpu.memory_space<hbm>>) target(%dma_start3A_492 : memref<64x128xf32, #tpu.memory_space<vmem>>) offsets(%dma_start3A_495 : memref<64xi32, #tpu.memory_space<vmem>>) semaphore(%arg17 : memref<!tpu.dma_semaphore, #tpu.memory_space<semaphore_mem>>)
      } else {
      }
      %add3A_381 = arith.constant 0 : i32
      %add3A_382 = vector.broadcast %add3A_381 : i32 to vector<16xi32>
      %add3A_383 = arith.addi %add3A_382, %iota3A : vector<16xi32>
      %get3A = arith.index_cast %while3A_364 : i32 to index
      %get3A_384 = arith.constant 0 : index
      %get3A_385 = tpu.vector_load %arg12[%get3A, %get3A_384] {strides = array<i32>} : memref<256x64xi32, #tpu.memory_space<vmem>>, vector<16xi32>,
      %gather3A_386 = tpu.vector_load_idx %arg9[%get3A_385] : memref<16384xi32, #tpu.memory_space<vmem>>[vector<16xi32>], vector<16xi32>,
      %mul3A_387 = arith.constant 64 : i32
      %mul3A_388 = arith.muli %while3A_364, %mul3A_387 : i32
      %add3A_389 = vector.broadcast %mul3A_388 : i32 to vector<16xi32>
      %add3A_390 = arith.addi %add3A_389, %add3A_383 : vector<16xi32>
      %lt3A_391 = vector.broadcast %reduce_max3A_306 : i32 to vector<16xi32>
      %lt3A_392 = arith.cmpi slt, %add3A_390, %lt3A_391 : vector<16xi32>
      %jit3A = arith.constant 0 : i32
      %broadcast_in_dim3A_393 = vector.broadcast %jit3A : i32 to vector<16xi32>
      %select_n3A = arith.select %lt3A_392, %gather3A_386, %broadcast_in_dim3A_393 : vector<16xi1>, vector<16xi32>
      %scatter3A = arith.constant 0 : i32
      %scatter3A_394 = tpu.memref_slice %arg14[%and3A_367, %scatter3A] : memref<2x64xi32, #tpu.memory_space<vmem>> -> memref<1x64xi32, #tpu.memory_space<vmem>>
      %scatter3A_395 = tpu.memref_squeeze %scatter3A_394 : memref<1x64xi32, #tpu.memory_space<vmem>> -> memref<64xi32, #tpu.memory_space<vmem>>
      tpu.vector_store_idx %scatter3A_395[%add3A_383], %select_n3A : memref<64xi32, #tpu.memory_space<vmem>>[vector<16xi32>], vector<16xi32>,
      %add3A_396 = arith.constant 16 : i32
      %add3A_397 = vector.broadcast %add3A_396 : i32 to vector<16xi32>
      %add3A_398 = arith.addi %add3A_397, %iota3A : vector<16xi32>
      %get3A_399 = arith.index_cast %while3A_364 : i32 to index
      %get3A_400 = arith.constant 16 : index
      %get3A_401 = tpu.vector_load %arg12[%get3A_399, %get3A_400] {strides = array<i32>} : memref<256x64xi32, #tpu.memory_space<vmem>>, vector<16xi32>,
      %gather3A_402 = tpu.vector_load_idx %arg9[%get3A_401] : memref<16384xi32, #tpu.memory_space<vmem>>[vector<16xi32>], vector<16xi32>,
      %mul3A_403 = arith.constant 64 : i32
      %mul3A_404 = arith.muli %while3A_364, %mul3A_403 : i32
      %add3A_405 = vector.broadcast %mul3A_404 : i32 to vector<16xi32>
      %add3A_406 = arith.addi %add3A_405, %add3A_398 : vector<16xi32>
      %lt3A_407 = vector.broadcast %reduce_max3A_306 : i32 to vector<16xi32>
      %lt3A_408 = arith.cmpi slt, %add3A_406, %lt3A_407 : vector<16xi32>
      %jit3A_409 = arith.constant 0 : i32
      %broadcast_in_dim3A_410 = vector.broadcast %jit3A_409 : i32 to vector<16xi32>
      %select_n3A_411 = arith.select %lt3A_408, %gather3A_402, %broadcast_in_dim3A_410 : vector<16xi1>, vector<16xi32>
      %scatter3A_412 = arith.constant 0 : i32
      %scatter3A_413 = tpu.memref_slice %arg14[%and3A_367, %scatter3A_412] : memref<2x64xi32, #tpu.memory_space<vmem>> -> memref<1x64xi32, #tpu.memory_space<vmem>>
      %scatter3A_414 = tpu.memref_squeeze %scatter3A_413 : memref<1x64xi32, #tpu.memory_space<vmem>> -> memref<64xi32, #tpu.memory_space<vmem>>
      tpu.vector_store_idx %scatter3A_414[%add3A_398], %select_n3A_411 : memref<64xi32, #tpu.memory_space<vmem>>[vector<16xi32>], vector<16xi32>,
      %add3A_415 = arith.constant 32 : i32
      %add3A_416 = vector.broadcast %add3A_415 : i32 to vector<16xi32>
      %add3A_417 = arith.addi %add3A_416, %iota3A : vector<16xi32>
      %get3A_418 = arith.index_cast %while3A_364 : i32 to index
      %get3A_419 = arith.constant 32 : index
      %get3A_420 = tpu.vector_load %arg12[%get3A_418, %get3A_419] {strides = array<i32>} : memref<256x64xi32, #tpu.memory_space<vmem>>, vector<16xi32>,
      %gather3A_421 = tpu.vector_load_idx %arg9[%get3A_420] : memref<16384xi32, #tpu.memory_space<vmem>>[vector<16xi32>], vector<16xi32>,
      %mul3A_422 = arith.constant 64 : i32
      %mul3A_423 = arith.muli %while3A_364, %mul3A_422 : i32
      %add3A_424 = vector.broadcast %mul3A_423 : i32 to vector<16xi32>
      %add3A_425 = arith.addi %add3A_424, %add3A_417 : vector<16xi32>
      %lt3A_426 = vector.broadcast %reduce_max3A_306 : i32 to vector<16xi32>
      %lt3A_427 = arith.cmpi slt, %add3A_425, %lt3A_426 : vector<16xi32>
      %jit3A_428 = arith.constant 0 : i32
      %broadcast_in_dim3A_429 = vector.broadcast %jit3A_428 : i32 to vector<16xi32>
      %select_n3A_430 = arith.select %lt3A_427, %gather3A_421, %broadcast_in_dim3A_429 : vector<16xi1>, vector<16xi32>
      %scatter3A_431 = arith.constant 0 : i32
      %scatter3A_432 = tpu.memref_slice %arg14[%and3A_367, %scatter3A_431] : memref<2x64xi32, #tpu.memory_space<vmem>> -> memref<1x64xi32, #tpu.memory_space<vmem>>
      %scatter3A_433 = tpu.memref_squeeze %scatter3A_432 : memref<1x64xi32, #tpu.memory_space<vmem>> -> memref<64xi32, #tpu.memory_space<vmem>>
      tpu.vector_store_idx %scatter3A_433[%add3A_417], %select_n3A_430 : memref<64xi32, #tpu.memory_space<vmem>>[vector<16xi32>], vector<16xi32>,
      %add3A_434 = arith.constant 48 : i32
      %add3A_435 = vector.broadcast %add3A_434 : i32 to vector<16xi32>
      %add3A_436 = arith.addi %add3A_435, %iota3A : vector<16xi32>
      %get3A_437 = arith.index_cast %while3A_364 : i32 to index
      %get3A_438 = arith.constant 48 : index
      %get3A_439 = tpu.vector_load %arg12[%get3A_437, %get3A_438] {strides = array<i32>} : memref<256x64xi32, #tpu.memory_space<vmem>>, vector<16xi32>,
      %gather3A_440 = tpu.vector_load_idx %arg9[%get3A_439] : memref<16384xi32, #tpu.memory_space<vmem>>[vector<16xi32>], vector<16xi32>,
      %mul3A_441 = arith.constant 64 : i32
      %mul3A_442 = arith.muli %while3A_364, %mul3A_441 : i32
      %add3A_443 = vector.broadcast %mul3A_442 : i32 to vector<16xi32>
      %add3A_444 = arith.addi %add3A_443, %add3A_436 : vector<16xi32>
      %lt3A_445 = vector.broadcast %reduce_max3A_306 : i32 to vector<16xi32>
      %lt3A_446 = arith.cmpi slt, %add3A_444, %lt3A_445 : vector<16xi32>
      %jit3A_447 = arith.constant 0 : i32
      %broadcast_in_dim3A_448 = vector.broadcast %jit3A_447 : i32 to vector<16xi32>
      %select_n3A_449 = arith.select %lt3A_446, %gather3A_440, %broadcast_in_dim3A_448 : vector<16xi1>, vector<16xi32>
      %scatter3A_450 = arith.constant 0 : i32
      %scatter3A_451 = tpu.memref_slice %arg14[%and3A_367, %scatter3A_450] : memref<2x64xi32, #tpu.memory_space<vmem>> -> memref<1x64xi32, #tpu.memory_space<vmem>>
      %scatter3A_452 = tpu.memref_squeeze %scatter3A_451 : memref<1x64xi32, #tpu.memory_space<vmem>> -> memref<64xi32, #tpu.memory_space<vmem>>
      tpu.vector_store_idx %scatter3A_452[%add3A_436], %select_n3A_449 : memref<64xi32, #tpu.memory_space<vmem>>[vector<16xi32>], vector<16xi32>,
      %dma_wait3A_453 = arith.constant 0 : i32
      %dma_wait3A_454 = arith.constant 0 : i32
      %dma_wait3A_455 = arith.constant 0 : i32
      %dma_wait3A_456 = tpu.memref_slice %arg13[%dma_wait3A_453, %dma_wait3A_454, %dma_wait3A_455] : memref<2x64x128xf32, #tpu.memory_space<vmem>> -> memref<1x64x128xf32, #tpu.memory_space<vmem>>
      %dma_wait3A_457 = tpu.memref_squeeze %dma_wait3A_456 : memref<1x64x128xf32, #tpu.memory_space<vmem>> -> memref<64x128xf32, #tpu.memory_space<vmem>>
      %dma_wait3A_458 = arith.constant 0 : i32
      %dma_wait3A_459 = arith.constant 0 : i32
      %dma_wait3A_460 = tpu.memref_slice %arg3[%dma_wait3A_458, %dma_wait3A_459] : memref<16384x128xf32, #tpu.memory_space<hbm>> -> memref<64x128xf32, #tpu.memory_space<hbm>>
      %dma_wait3A_461 = arith.constant 0 : i32
      %dma_wait3A_462 = arith.constant 0 : i32
      %dma_wait3A_463 = tpu.memref_slice %arg13[%dma_wait3A_453, %dma_wait3A_461, %dma_wait3A_462] : memref<2x64x128xf32, #tpu.memory_space<vmem>> -> memref<1x64x128xf32, #tpu.memory_space<vmem>>
      %dma_wait3A_464 = tpu.memref_squeeze %dma_wait3A_463 : memref<1x64x128xf32, #tpu.memory_space<vmem>> -> memref<64x128xf32, #tpu.memory_space<vmem>>
      %dma_wait3A_465 = arith.constant 0 : i32
      %dma_wait3A_466 = arith.constant 0 : i32
      %dma_wait3A_467 = tpu.memref_slice %arg3[%dma_wait3A_465, %dma_wait3A_466] : memref<16384x128xf32, #tpu.memory_space<hbm>> -> memref<64x128xf32, #tpu.memory_space<hbm>>
      tpu.wait_dma2 semaphore(%arg17 : memref<!tpu.dma_semaphore, #tpu.memory_space<semaphore_mem>>) src(%dma_wait3A_467 : memref<64x128xf32, #tpu.memory_space<hbm>>) dst(%dma_wait3A_464 : memref<64x128xf32, #tpu.memory_space<vmem>>)
      %dma_start3A_468 = arith.constant 0 : i32
      %dma_start3A_469 = arith.constant 0 : i32
      %dma_start3A_470 = tpu.memref_slice %arg13[%and3A_367, %dma_start3A_468, %dma_start3A_469] : memref<2x64x128xf32, #tpu.memory_space<vmem>> -> memref<1x64x128xf32, #tpu.memory_space<vmem>>
      %dma_start3A_471 = tpu.memref_squeeze %dma_start3A_470 : memref<1x64x128xf32, #tpu.memory_space<vmem>> -> memref<64x128xf32, #tpu.memory_space<vmem>>
      %dma_start3A_472 = arith.constant 0 : i32
      %dma_start3A_473 = tpu.memref_slice %arg11[%while3A_364, %dma_start3A_472] : memref<256x64xi32, #tpu.memory_space<vmem>> -> memref<1x64xi32, #tpu.memory_space<vmem>>
      %dma_start3A_474 = tpu.memref_squeeze %dma_start3A_473 : memref<1x64xi32, #tpu.memory_space<vmem>> -> memref<64xi32, #tpu.memory_space<vmem>>
      %dma_start3A_475 = arith.constant 0 : i32
      %dma_start3A_476 = arith.constant 0 : i32
      %dma_start3A_477 = tpu.memref_slice %arg5[%dma_start3A_475, %dma_start3A_476] : memref<16384x128xf32, #tpu.memory_space<hbm>> -> memref<16384x128xf32, #tpu.memory_space<hbm>>
      tpu.enqueue_indirect_dma source(%dma_start3A_471 : memref<64x128xf32, #tpu.memory_space<vmem>>) target(%dma_start3A_477 : memref<16384x128xf32, #tpu.memory_space<hbm>>) offsets(%dma_start3A_474 : memref<64xi32, #tpu.memory_space<vmem>>) semaphore(%arg18 : memref<!tpu.dma_semaphore, #tpu.memory_space<semaphore_mem>>)
      %dma_start3A_478 = arith.constant 0 : i32
      %dma_start3A_479 = tpu.memref_slice %arg14[%and3A_367, %dma_start3A_478] : memref<2x64xi32, #tpu.memory_space<vmem>> -> memref<1x64xi32, #tpu.memory_space<vmem>>
      %dma_start3A_480 = tpu.memref_squeeze %dma_start3A_479 : memref<1x64xi32, #tpu.memory_space<vmem>> -> memref<64xi32, #tpu.memory_space<vmem>>
      %dma_start3A_481 = arith.constant 0 : i32
      %dma_start3A_482 = tpu.memref_slice %arg11[%while3A_364, %dma_start3A_481] : memref<256x64xi32, #tpu.memory_space<vmem>> -> memref<1x64xi32, #tpu.memory_space<vmem>>
      %dma_start3A_483 = tpu.memref_squeeze %dma_start3A_482 : memref<1x64xi32, #tpu.memory_space<vmem>> -> memref<64xi32, #tpu.memory_space<vmem>>
      %dma_start3A_484 = arith.constant 0 : i32
      %dma_start3A_485 = tpu.memref_slice %arg16[%dma_start3A_484] : memref<16384xi32, #tpu.memory_space<vmem_shared>> -> memref<16384xi32, #tpu.memory_space<vmem_shared>>
      tpu.enqueue_indirect_dma source(%dma_start3A_480 : memref<64xi32, #tpu.memory_space<vmem>>) target(%dma_start3A_485 : memref<16384xi32, #tpu.memory_space<vmem_shared>>) offsets(%dma_start3A_483 : memref<64xi32, #tpu.memory_space<vmem>>) semaphore(%arg19 : memref<!tpu.dma_semaphore, #tpu.memory_space<semaphore_mem>>) {add = true}
      %while3A_486 = arith.constant 0 : i32
      scf.yield %while3A_486 : i32
    }
    %gt3A_347 = arith.constant 0 : i32
    %gt3A_348 = arith.cmpi sgt, %shift_right_logical3A_310, %gt3A_347 : i32
    %convert_element_type3A_349 = arith.extui %gt3A_348 : i1 to i32
    %cond3A_350 = arith.constant 0 : i32
    %cond3A_351 = arith.cmpi ne, %convert_element_type3A_349, %cond3A_350 : i32
    scf.if %cond3A_351 {
      %dma_wait3A_364 = arith.constant 0 : i32
      %dma_wait3A_365 = arith.constant 0 : i32
      %dma_wait3A_366 = arith.constant 0 : i32
      %dma_wait3A_367 = tpu.memref_slice %arg13[%dma_wait3A_364, %dma_wait3A_365, %dma_wait3A_366] : memref<2x64x128xf32, #tpu.memory_space<vmem>> -> memref<1x64x128xf32, #tpu.memory_space<vmem>>
      %dma_wait3A_368 = tpu.memref_squeeze %dma_wait3A_367 : memref<1x64x128xf32, #tpu.memory_space<vmem>> -> memref<64x128xf32, #tpu.memory_space<vmem>>
      %dma_wait3A_369 = arith.constant 0 : i32
      %dma_wait3A_370 = arith.constant 0 : i32
      %dma_wait3A_371 = tpu.memref_slice %arg5[%dma_wait3A_369, %dma_wait3A_370] : memref<16384x128xf32, #tpu.memory_space<hbm>> -> memref<64x128xf32, #tpu.memory_space<hbm>>
      %dma_wait3A_372 = arith.constant 0 : i32
      %dma_wait3A_373 = arith.constant 0 : i32
      %dma_wait3A_374 = tpu.memref_slice %arg5[%dma_wait3A_372, %dma_wait3A_373] : memref<16384x128xf32, #tpu.memory_space<hbm>> -> memref<64x128xf32, #tpu.memory_space<hbm>>
      %dma_wait3A_375 = arith.constant 0 : i32
      %dma_wait3A_376 = arith.constant 0 : i32
      %dma_wait3A_377 = tpu.memref_slice %arg13[%dma_wait3A_364, %dma_wait3A_375, %dma_wait3A_376] : memref<2x64x128xf32, #tpu.memory_space<vmem>> -> memref<1x64x128xf32, #tpu.memory_space<vmem>>
      %dma_wait3A_378 = tpu.memref_squeeze %dma_wait3A_377 : memref<1x64x128xf32, #tpu.memory_space<vmem>> -> memref<64x128xf32, #tpu.memory_space<vmem>>
      tpu.wait_dma2 semaphore(%arg18 : memref<!tpu.dma_semaphore, #tpu.memory_space<semaphore_mem>>) src(%dma_wait3A_378 : memref<64x128xf32, #tpu.memory_space<vmem>>) dst(%dma_wait3A_374 : memref<64x128xf32, #tpu.memory_space<hbm>>)
      %dma_wait3A_379 = arith.constant 0 : i32
      %dma_wait3A_380 = arith.constant 0 : i32
      %dma_wait3A_381 = tpu.memref_slice %arg14[%dma_wait3A_379, %dma_wait3A_380] : memref<2x64xi32, #tpu.memory_space<vmem>> -> memref<1x64xi32, #tpu.memory_space<vmem>>
      %dma_wait3A_382 = tpu.memref_squeeze %dma_wait3A_381 : memref<1x64xi32, #tpu.memory_space<vmem>> -> memref<64xi32, #tpu.memory_space<vmem>>
      %dma_wait3A_383 = arith.constant 0 : i32
      %dma_wait3A_384 = tpu.memref_slice %arg16[%dma_wait3A_383] : memref<16384xi32, #tpu.memory_space<vmem_shared>> -> memref<64xi32, #tpu.memory_space<vmem_shared>>
      %dma_wait3A_385 = arith.constant 0 : i32
      %dma_wait3A_386 = tpu.memref_slice %arg16[%dma_wait3A_385] : memref<16384xi32, #tpu.memory_space<vmem_shared>> -> memref<64xi32, #tpu.memory_space<vmem_shared>>
      %dma_wait3A_387 = arith.constant 0 : i32
      %dma_wait3A_388 = tpu.memref_slice %arg14[%dma_wait3A_379, %dma_wait3A_387] : memref<2x64xi32, #tpu.memory_space<vmem>> -> memref<1x64xi32, #tpu.memory_space<vmem>>
      %dma_wait3A_389 = tpu.memref_squeeze %dma_wait3A_388 : memref<1x64xi32, #tpu.memory_space<vmem>> -> memref<64xi32, #tpu.memory_space<vmem>>
      tpu.wait_dma2 semaphore(%arg19 : memref<!tpu.dma_semaphore, #tpu.memory_space<semaphore_mem>>) src(%dma_wait3A_389 : memref<64xi32, #tpu.memory_space<vmem>>) dst(%dma_wait3A_386 : memref<64xi32, #tpu.memory_space<vmem_shared>>)
    } else {
    }
    "tpu.trace_stop"() : () -> ()
    "tpu.trace_start"() <{level = 10 : i32, message = "p2c_labels_out"}> : () -> ()
    %barrier3A_352 = arith.constant 0 : index
    tpu.barrier barrier_id(%barrier3A_352)
    %mul3A_353 = arith.constant 1024 : i32
    %mul3A_354 = arith.muli %arg1, %mul3A_353 : i32
    %eq3A = arith.constant 0 : i32
    %eq3A_355 = arith.cmpi eq, %arg0, %eq3A : i32
    %convert_element_type3A_356 = arith.extui %eq3A_355 : i1 to i32
    %cond3A_357 = arith.constant 0 : i32
    %cond3A_358 = arith.cmpi ne, %convert_element_type3A_356, %cond3A_357 : i32
    scf.if %cond3A_358 {
      "tpu.region"() ({
        %run_scoped3A = tpu.sem_alloc : memref<!tpu.dma_semaphore, #tpu.memory_space<semaphore_mem>>
        %dma_start3A_364 = tpu.memref_slice %arg6[%mul3A_354] : memref<16384xi32, #tpu.memory_space<hbm>> -> memref<1024xi32, #tpu.memory_space<hbm>>
        %dma_start3A_365 = tpu.memref_slice %arg16[%mul3A_354] : memref<16384xi32, #tpu.memory_space<vmem_shared>> -> memref<1024xi32, #tpu.memory_space<vmem_shared>>
        tpu.enqueue_dma source(%dma_start3A_365 : memref<1024xi32, #tpu.memory_space<vmem_shared>>) target(%dma_start3A_364 : memref<1024xi32, #tpu.memory_space<hbm>>) target_semaphore(%run_scoped3A : memref<!tpu.dma_semaphore, #tpu.memory_space<semaphore_mem>>)
        %dma_wait3A_366 = tpu.memref_slice %arg6[%mul3A_354] : memref<16384xi32, #tpu.memory_space<hbm>> -> memref<1024xi32, #tpu.memory_space<hbm>>
        %dma_wait3A_367 = tpu.memref_slice %arg16[%mul3A_354] : memref<16384xi32, #tpu.memory_space<vmem_shared>> -> memref<1024xi32, #tpu.memory_space<vmem_shared>>
        tpu.wait_dma2 semaphore(%run_scoped3A : memref<!tpu.dma_semaphore, #tpu.memory_space<semaphore_mem>>) src(%dma_wait3A_367 : memref<1024xi32, #tpu.memory_space<vmem_shared>>) dst(%dma_wait3A_366 : memref<1024xi32, #tpu.memory_space<hbm>>)
        tpu.yield
      }) : () -> ()
    } else {
    }
    %eq3A_359 = arith.constant 1 : i32
    %eq3A_360 = arith.cmpi eq, %arg0, %eq3A_359 : i32
    %convert_element_type3A_361 = arith.extui %eq3A_360 : i1 to i32
    %cond3A_362 = arith.constant 0 : i32
    %cond3A_363 = arith.cmpi ne, %convert_element_type3A_361, %cond3A_362 : i32
    scf.if %cond3A_363 {
      "tpu.region"() ({
        %run_scoped3A = tpu.sem_alloc : memref<!tpu.dma_semaphore, #tpu.memory_space<semaphore_mem>>
        %dma_start3A_364 = tpu.memref_slice %arg7[%mul3A_354] : memref<16384xi32, #tpu.memory_space<hbm>> -> memref<1024xi32, #tpu.memory_space<hbm>>
        %dma_start3A_365 = tpu.memref_slice %arg16[%mul3A_354] : memref<16384xi32, #tpu.memory_space<vmem_shared>> -> memref<1024xi32, #tpu.memory_space<vmem_shared>>
        tpu.enqueue_dma source(%dma_start3A_365 : memref<1024xi32, #tpu.memory_space<vmem_shared>>) target(%dma_start3A_364 : memref<1024xi32, #tpu.memory_space<hbm>>) target_semaphore(%run_scoped3A : memref<!tpu.dma_semaphore, #tpu.memory_space<semaphore_mem>>)
        %dma_wait3A_366 = tpu.memref_slice %arg7[%mul3A_354] : memref<16384xi32, #tpu.memory_space<hbm>> -> memref<1024xi32, #tpu.memory_space<hbm>>
        %dma_wait3A_367 = tpu.memref_slice %arg16[%mul3A_354] : memref<16384xi32, #tpu.memory_space<vmem_shared>> -> memref<1024xi32, #tpu.memory_space<vmem_shared>>
        tpu.wait_dma2 semaphore(%run_scoped3A : memref<!tpu.dma_semaphore, #tpu.memory_space<semaphore_mem>>) src(%dma_wait3A_367 : memref<1024xi32, #tpu.memory_space<vmem_shared>>) dst(%dma_wait3A_366 : memref<1024xi32, #tpu.memory_space<hbm>>)
        tpu.yield
      }) : () -> ()
    } else {
    }
    "tpu.trace_stop"() : () -> ()
    return
  }
}

</mosaic_0001>

<sc_bundles>
// kernel: kernel.3.cloned.1.call-start
scs
__scs_entry_jumppad:
0x0: {  	(pc) =	sbr.rel $0x88, $3  }
0x1: {  	(tag) =	ssettag $0x0;
	lr =	simm.s32 $0x1  }
0x2: {  	[smem:$0x3F9E] =	sst lr;
	_ =	strace $0xD0000000  }
0x3: {  	_ = 	snop  }
0x4: {  	_ = 	snop  }
0x5: {  	_ = 	snop  }
0x6: {  	_ = 	snop  }
0x7: {  	_ = 	snop  }
__scs_overlays_trampoline_lowered:
0x8: {  	[smem:$0x3FAD] =	sst s0  }
0x9: {  	[smem:$0x3FAE] =	sst s1  }
0xa: {  	[smem:$0x3FAF] =	sst s2  }
0xb: {  	[smem:$0x3FB0] =	sst s3  }
0xc: {  	[smem:$0x3FB1] =	sst s4  }
0xd: {  	[smem:$0x3FB2] =	sst s5  }
0xe: {  	[smem:$0x3FB3] =	sst s6  }
0xf: {  	[smem:$0x3FB4] =	sst s7  }
0x10: {  	[smem:$0x3FB5] =	sst s8  }
0x11: {  	[smem:$0x3FB6] =	sst s9;
	s0 =	simm.s32 @!p0 $0x0  }
0x12: {  	s1 =	sld [smem:$0x3F9C];
	s0 =	simm.s32 @p0 $0x1  }
0x13: {  	[smem:$0x3FB7] =	sst s0;
	s0 =	simm.s32 @!p1 $0x0  }
0x14: {  	s2 =	sld [smem:$0x3F9B];
	s0 =	simm.s32 @p1 $0x1  }
0x15: {  	[smem:$0x3FB8] =	sst s0;
	s0 =	simm.s32 @!p2 $0x0  }
0x16: {  	s3 =	sld [smem:$0x3FDB];
	s0 =	simm.s32 @p2 $0x1  }
0x17: {  	s4 =	simm.s32 $0x1BF5;
	[smem:$0x3FBA] =	sst s0  }
0x18: {  	s0 =	sld [smem:$0x3F9D];
	_ =	swait.ge [sflag:s4], $0x0  }
0x19: {  	s7 =	sld [smem:$0x3F9E]  }
0x1a: {  	s8 =	sadd.s32 $0xFFFFE003, lr  }
0x1b: {  	s9 =	sadd.s32 $0xFFFFFEF7, lr;
	s5 =	simm.s32 $0xFFFFFFFF;
	p2 =	slt.u32 s8, $0xFFFFF086  }
0x1c: {  	p1 =	slt.u32 s9, $0xF7A;
	s5 =	simm.s32 @!p2 $0x0  }
0x1d: {  	s5 =	simm.s32 @p1 $0x1;
	p0 =	seq.s32 s7, s2  }
0x1e: {  	s7 =	smul.u32 @!p0 $0xF7A, s2;
	p2 =	seq.s32 @!p0 s5, $0x0  }
0x1f: {  	s9 =	smul.u32 $0xF7A, s1;
	s8 =	simm.s32 @!p0 $0x1BF5;
	p2 =	por !p2, p0  }
0x20: {  	[sflag:s8] =	ssyncset.s32 @!p0 $0xFFFFF086;
	s6 =	sadd.s32 @!p0 s3, s7;
	s7 =	simm.s32 @!p0 $0x108  }
0x21: {  	s3 =	sadd.s32 s3, s9;
	s6 =	sadd.s32 @!p0 $0x88, s6;
	s7 =	simm.s32 @p2 $0x1082  }
0x22: {  	[simem:s7], [sflag:s8] =	dma.local @!p0 [hbm:s6], $0xF7A  }
0x23: {  	s9 =	sor.u32 $0xD0000000, s2;
	s6 =	simm.s32 $0x108;
	_ =	swait.ge @!p0 [sflag:s8], $0x0  }
0x24: {  	s3 =	sadd.s32 $0x88, s3;
	s6 =	simm.s32 @!p1 $0x1082;
	[sflag:s4] =	ssyncset.s32 $0xFFFFF086  }
0x25: {  	[simem:s6], [sflag:s4] =	dma.local [hbm:s3], $0xF7A  }
0x26: {  	[smem:$0x3F9E] =	sst s1;
	(tag) =	ssettag s2;
	_ =	strace s9  }
0x27: {  	s1 =	sld [smem:$0x3FAE]  }
0x28: {  	s2 =	sld [smem:$0x3FAF]  }
0x29: {  	s4 =	sld [smem:$0x3FB1]  }
0x2a: {  	p0 =	seq.s32 s5, $0x0;
	s5 =	sld [smem:$0x3FB2]  }
0x2b: {  	s6 =	sld [smem:$0x3FB3]  }
0x2c: {  	s7 =	sld [smem:$0x3FB4]  }
0x2d: {  	s3 =	simm.s32 $0x108;
	s8 =	sld [smem:$0x3FB5]  }
0x2e: {  	s3 =	simm.s32 @!p0 $0x1082;
	s9 =	sld [smem:$0x3FB6]  }
0x2f: {  	lr =	sadd.s32 s0, s3;
	s0 =	sld [smem:$0x3FAD]  }
0x30: {  	s3 =	sld [smem:$0x3FB0]  }
0x31: {  	[smem:$0x3FB9] =	sst s10  }
0x32: {  	s10 =	sld [smem:$0x3FB7];
	_ =	sdelay $0x3  }
0x33: {  	p0 =	seq.s32 s10, $0x1;
	s10 =	sld [smem:$0x3FB9];
	_ =	sdelay $0x3  }
0x34: {  	[smem:$0x3FB9] =	sst s10  }
0x35: {  	s10 =	sld [smem:$0x3FB8];
	_ =	sdelay $0x3  }
0x36: {  	p1 =	seq.s32 s10, $0x1;
	s10 =	sld [smem:$0x3FB9];
	_ =	sdelay $0x3  }
0x37: {  	[smem:$0x3FB9] =	sst s10  }
0x38: {  	s10 =	sld [smem:$0x3FBA]  }
0x39: {  	_ = 	snop;
	(pc) =	sbr.ind lr, $3  }
0x3a: {  	_ = 	snop  }
0x3b: {  	_ = 	snop  }
0x3c: {  	p2 =	seq.s32 s10, $0x1;
	s10 =	sld [smem:$0x3FB9]  }
0x3d: {  	_ =	shalt  }
0x3e: {  	_ =	shalt  }
0x3f: {  	_ =	shalt  }
0x40: {  	_ =	shalt  }
0x41: {  	_ =	shalt  }
0x42: {  	_ =	shalt  }
0x43: {  	_ =	shalt  }
0x44: {  	_ =	shalt  }
0x45: {  	_ =	shalt  }
0x46: {  	_ =	shalt  }
0x47: {  	_ =	shalt  }
0x48: {  	_ =	shalt  }
0x49: {  	_ =	shalt  }
0x4a: {  	_ =	shalt  }
0x4b: {  	_ =	shalt  }
0x4c: {  	_ =	shalt  }
0x4d: {  	_ =	shalt  }
0x4e: {  	_ =	shalt  }
0x4f: {  	_ =	shalt  }
0x50: {  	_ =	shalt  }
0x51: {  	_ =	shalt  }
0x52: {  	_ =	shalt  }
0x53: {  	_ =	shalt  }
0x54: {  	_ =	shalt  }
0x55: {  	_ =	shalt  }
0x56: {  	_ =	shalt  }
0x57: {  	_ =	shalt  }
0x58: {  	_ =	shalt  }
0x59: {  	_ =	shalt  }
0x5a: {  	_ =	shalt  }
0x5b: {  	_ =	shalt  }
0x5c: {  	_ =	shalt  }
0x5d: {  	_ =	shalt  }
0x5e: {  	_ =	shalt  }
0x5f: {  	_ =	shalt  }
0x60: {  	_ =	shalt  }
0x61: {  	_ =	shalt  }
0x62: {  	_ =	shalt  }
0x63: {  	_ =	shalt  }
0x64: {  	_ =	shalt  }
0x65: {  	_ =	shalt  }
0x66: {  	_ =	shalt  }
0x67: {  	_ =	shalt  }
0x68: {  	_ =	shalt  }
0x69: {  	_ =	shalt  }
0x6a: {  	_ =	shalt  }
0x6b: {  	_ =	shalt  }
0x6c: {  	_ =	shalt  }
0x6d: {  	_ =	shalt  }
0x6e: {  	_ =	shalt  }
0x6f: {  	_ =	shalt  }
0x70: {  	_ =	shalt  }
0x71: {  	_ =	shalt  }
0x72: {  	_ =	shalt  }
0x73: {  	_ =	shalt  }
0x74: {  	_ =	shalt  }
0x75: {  	_ =	shalt  }
0x76: {  	_ =	shalt  }
0x77: {  	_ =	shalt  }
0x78: {  	_ =	shalt  }
0x79: {  	_ =	shalt  }
0x7a: {  	_ =	shalt  }
0x7b: {  	_ =	shalt  }
0x7c: {  	_ =	shalt  }
0x7d: {  	_ =	shalt  }
0x7e: {  	_ =	shalt  }
0x7f: {  	_ =	shalt  }
0x80: {  	_ =	shalt  }
0x81: {  	_ =	shalt  }
0x82: {  	_ =	shalt  }
0x83: {  	_ =	shalt  }
0x84: {  	_ =	shalt  }
0x85: {  	_ =	shalt  }
0x86: {  	_ =	shalt  }
0x87: {  	_ =	shalt  }
.Lfunc_end0:
.L_simem_size_0:
called_computation_lowered:
.L_overlay_start_0:
0x88: {  	s2 =	sld [smem:$0x3FD9]  }
0x89: {  	s3 =	sld [smem:$0x3FFE];
	_ =	sdelay $0x1  }
0x8a: {  	s1 =	srdreg.scid  }
0x8b: {  	s0 =	sand.u32 $0x1, s1  }
0x8c: {  	s14 =	sshll.u32 s0, $0xA;
	s2 =	sadd.s32 s3, s2  }
0x8d: {  	s2 =	sadd.s32 s2, s14  }
0x8e: {  	[smem:$0x3FC5] =	sst s2  }
0x8f: {  	_ = 	snop  }
0x90: {  	s2 =	sld [smem:$0x3FD0];
	_ =	sdelay $0x1  }
0x91: {  	s15 =	sld [smem:$0x3FC9]  }
0x92: {  	s5 =	simm.s32 $0xA;
	s6 =	simm.s32 $0x10;
	s4 =	sld [smem:$0x3FC7]  }
0x93: {  	[smem:s6], [sflag:s5] =	dma.local [hbm:s2], $0x1  }
0x94: {  	_ =	swait.eq [sflag:s5], $0x1  }
0x95: {  	[sflag:s5] =	ssyncset.done $0x0  }
0x96: {  	[sflag:s5] =	ssyncadd.s32 $0xFFFFFFFF  }
0x97: {  	s16 =	sld [smem:$0x11];
	(tm) =	ssettm $0x1  }
0x98: {  	s17 =	sld [smem:$0x3FFB];
	_ =	sdelay $0x3  }
0x99: {  	_ =	strace s17  }
0x9a: {  	s5 =	sld [smem:$0x3FFC];
	_ =	sdelay $0x3  }
0x9b: {  	_ =	strace s5  }
0x9c: {  	s5 =	sld [smem:$0x3FFD];
	_ =	sdelay $0x3  }
0x9d: {  	_ =	strace s5  }
0x9e: {  	_ =	strace $0x8FFFFFFF  }
0x9f: {  	s18 =	sld [smem:$0x3FDB];
	_ =	sdelay $0x1  }
0xa0: {  	s19 =	simm.s32 $_scs_section_size  }
0xa1: {  	s7 =	simm.s32 $_size__tile_overlayer_lowered;
	s8 =	simm.s32 $_tile_overlayer_lowered  }
0xa2: {  	s22 =	simm.s32 $0x1BFF;
	s21 =	sshll.u32 s8, $0x1;
	s5 =	sadd.s32 s19, s18  }
0xa3: {  	s9 =	simm.s32 $0x0;
	s20 =	sshll.u32 s7, $0x1;
	s7 =	sadd.s32 s21, s5  }
0xa4: {  	[timem:s9], [sflag:s22] =	dma.local [hbm:s7], s20  }
0xa5: {  	_ =	swait.ge [sflag:s22], s20  }
0xa6: {  	s6 =	ssub.s32 $0x0, s20;
	[sflag:s22] =	ssyncset.done $0x0  }
0xa7: {  	[sflag:s22] =	ssyncadd.s32 s6;
	_ =	sdelay $0x1  }
0xa8: {  	s23 =	simm.s32 $0x1B8B  }
0xa9: {  	_ =	swait.ge [sflag:s23], $0x1  }
0xaa: {  	[sflag:s23] =	ssyncset.done $0x0  }
0xab: {  	s25 =	simm.s32 $0x1B8E;
	s24 =	sld [smem:$0x3FFE];
	[sflag:s23] =	ssyncadd.s32 $0xFFFFFFFF  }
0xac: {  	s26 =	simm.s32 $execute0_lowered;
	[smem:$0x3FD2] =	sst s25  }
0xad: {  	s7 =	sshll.u32 s26, $0x1;
	_ =	strace $0x80000046;
	[dreg:$0x1] =	wrdreg $0xFFFFFFFF  }
0xae: {  	s28 =	simm.s32 $_size_execute0_lowered;
	s5 =	sadd.s32 s5, s7;
	[dreg:$0x0] =	wrdreg $0x0  }
0xaf: {  	s7 =	sshll.u32 s28, $0x1;
	[dreg:$0x2] =	wrdreg s5  }
0xb0: {  	[dreg:$0x3] =	wrdreg s7  }
0xb1: {  	[dreg:$0x4] =	wrdreg $0xC0  }
0xb2: {  	_ =	task [dreg:s9], $0x5FFFF  }
0xb3: {  	[dreg:$0x1] =	wrdreg $0xFFFFFFFF  }
0xb4: {  	[dreg:$0x0] =	wrdreg $0x60  }
0xb5: {  	[dreg:$0x2] =	wrdreg s15  }
0xb6: {  	[dreg:$0x3] =	wrdreg s24  }
0xb7: {  	[dreg:$0x4] =	wrdreg s4  }
0xb8: {  	[dreg:$0x5] =	wrdreg s16  }
0xb9: {  	[dreg:$0x6] =	wrdreg $0x1C4800  }
0xba: {  	[dreg:$0x7] =	wrdreg $0x9  }
0xbb: {  	_ =	task.clear_ibuf [dreg:s9], $0x8FFFF;
	_ =	strace $0x90000046  }
0xbc: {  	s29 =	simm.s32 $0x9;
	_ =	strace $0x8000004D  }
0xbd: {  	_ =	swait.ge [sflag:s29], $0x1  }
0xbe: {  	[sflag:s29] =	ssyncadd.s32 $0xFFFFFFFF  }
0xbf: {  	_ =	strace $0x9000004D  }
0xc0: {  	_ =	sfence  }
0xc1: {  	s30 =	sld [smem:$0x0];
	_ =	sdelay $0x2  }
0xc2: {  	s31 =	sshll.u32 s1, $0xD;
	s1 =	sshrl.u32 s1, $0x2  }
0xc3: {  	s3 =	sand.u32 $0x4000, s31;
	s1 =	sadd.s32 s1, s30  }
0xc4: {  	s0 =	sor.u32 s3, s0;
	s1 =	sshll.u32 s1, $0x11  }
0xc5: {  	s0 =	sor.u32 s1, s0  }
0xc6: {  	s0 =	sadd.s32 $0x8F2B, s0  }
0xc7: {  	[sflag:s0] =	ssyncadd.remote.s32 $0x1  }
0xc8: {  	_ =	sfence.sel $0xFFFF  }
0xc9: {  	[dreg:$0x0] =	wrdreg $0xFFFFFFFF;
	(pc) =	sbr.abs _section_cstart, $3  }
0xca: {  	[dreg:$0x1] =	wrdreg $0xFFFFFFFF  }
0xcb: {  	_ =	task.clear_ibuf [dreg:s9], $0x2FFFF;
	_ =	strace $0x9FFFFFFF  }
0xcc: {  	(tm) =	ssettm $0x7FFFFFFF  }
0xcd: {  	_ =	shalt  }
tec
execute0_lowered:
.L_overlay_start_1:
0x0: {  	(tag) =	ssettag $0x1  }
0x1: {  	s1 =	rddreg [dreg:$0x0]  }
0x2: {  	s0 =	rddreg [dreg:$0x1]  }
0x3: {  	s2 =	rddreg [dreg:$0x3]  }
0x4: {  	s3 =	rddreg [dreg:$0x4]  }
0x5: {  	s4 =	simm.s32 $0x0;
	s5 =	srdreg.scid;
	s13 =	simm.s32 $0x4000  }
0x6: {  	s15 =	simm.s32 $0x5;
	s16 =	simm.s32 $0x4;
	s17 =	simm.s32 $0x8000  }
0x7: {  	s18 =	simm.s32 $0x10000;
	s19 =	simm.s32 $0x1;
	s20 =	simm.s32 $0x3  }
0x8: {  	s22 =	simm.s32 $0x40;
	s23 =	simm.s32 $0x18000;
	s24 =	simm.s32 $0x1C000  }
0x9: {  	v0 =	vimm.s32 $0xFFEDCBA9;
	v1 =	vimm.s32 $0x87654321;
	s25 =	simm.s32 $0x2;
	s26 =	simm.s32 $0x0;
	[smem:$0x7FF] =	sst s4  }
0xa: {  	s9 =	sand.u32 $0x1, s5;
	s6 =	sadd.s32 $0xC00, s0;
	s7 =	sadd.s32 $0x40C00, s0;
	v0 =	vunpack.c.l.s4.s8 v0;
	v1 =	vunpack.c.l.s4.s8 v1  }
0xb: {  	s5 =	stileid.u32;
	s0 =	sadd.s32 $0x80C00, s0;
	_ =	strace $0x80000047  }
.Ltmp0:
0xc: {  	s8 =	ssub.s32 $0x2, s9;
	s30 =	sshll.u32 s5, $0x1;
	v0 =	vunpack.c.0.s8.s32 v0;
	v1 =	vunpack.c.0.s8.s32 v1;
	(pc) =	sbr.rel .LBB2_1-.Ltmp0, $4  }
0xd: {  	p0 =	seq.s32 s9, $0x1;
	s31 =	sshll.u32 s5, $0xA;
	s11 =	sshll.u32 s5, $0x7  }
0xe: {  	s10 =	sshrl.u32 s8, $0x1;
	s21 =	sor.u32 s9, s30;
	s2 =	smov.u32 @p0 s0;
	v2 =	vcombine.low v1, v0  }
0xf: {  	vm0 =	vcmask $0x3F3C;
	s9 =	sadd.s32 s31, s3;
	s10 =	ssub.s32 s8, s10;
	s8 =	sadd.s32 $0x400, s1  }
0x10: {  	s11 =	sadd.s32 s2, s11;
	s10 =	smax.u32 s10, $0x1;
	v0 =	vmov s21;
	s21 =	simm.s32 $0x14000;
	v1 =	vlaneseq.u32;
	v2 =	vand.u32 $0xF, v2  }
.LBB2_14:
0x11: {  	_ =	swait.ge [sflag:s20], $0x4000  }
0x12: {  	[sflag:s20] =	ssyncset.done $0x0  }
0x13: {  	[sflag:s20] =	ssyncadd.s32 $0xFFFFC000  }
0x14: {  	_ =	strace $0x9000004A  }
0x15: {  	_ =	strace $0x8000004B  }
.LBB2_15:
0x16: {  	_ =	strace $0x9000004B;
	s0 =	sshll.u32 s5, $0x6  }
0x17: {  	s1 =	sshrl.u32 s9, $0x3;
	s26 =	sadd.s32 $0x1, s26;
	_ =	strace $0x8000004C  }
0x18: {  	s0 =	sor.u32 $0x1C05, s0;
	p0 =	sne.s32 s26, s10;
	[bflag:$0x0] =	sbarrier.arrive $0xFFFF  }
0x19: {  	[hbm:s11], [sflag:s0] =	dma.local [spmem:s1], $0x80  }
.Ltmp1:
0x1a: {  	_ = 	snop;
	(pc) =	sbr.rel @!p0 .LBB2_16-.Ltmp1, $4  }
0x1b: {  	_ =	swait.ge [sflag:s15], $0x80  }
0x1c: {  	[sflag:s15] =	ssyncset.done $0x0  }
0x1d: {  	[sflag:s15] =	ssyncadd.s32 $0xFFFFFF80  }
0x1e: {  	_ =	strace $0x9000004C  }
.LBB2_1:
0x1f: {  	_ =	strace $0x80000048  }
0x20: {  	s0 =	rddreg [dreg:$0x0]  }
0x21: {  	[tilespmem:s4], [sflag:$0x4] =	stream.linear.gather [hbm4b:s0+s4], $0x2000, $0x200038;
	[tilespmem:$0x1C880] =	vst v63  }
0x22: {  	s1 =	simm.s32 $0x2000  }
0x23: {  	[tilespmem:s1], [sflag:$0x1] =	stream.linear.gather [hbm4b:s8+s4], $0x2000, $0x200038;
	[tilespmem:$0x1C880] =	vst v63  }
0x24: {  	s2 =	rddreg [dreg:$0x2]  }
0x25: {  	v4 =	vimm.s32 $0x0;
	[tilespmem:s13], [sflag:$0x3] =	stream.linear.gather [hbm4b:s2+s4], $0x4000, $0x200038;
	[tilespmem:$0x1C880] =	vst v63  }
0x26: {  	[tilespmem:$0x1C080] =	vst v4  }
0x27: {  	[tilespmem:$0x1C090] =	vst v4  }
0x28: {  	[tilespmem:$0x1C0A0] =	vst v4  }
0x29: {  	[tilespmem:$0x1C0B0] =	vst v4  }
0x2a: {  	[tilespmem:$0x1C0C0] =	vst v4  }
0x2b: {  	[tilespmem:$0x1C0D0] =	vst v4  }
0x2c: {  	[tilespmem:$0x1C0E0] =	vst v4  }
0x2d: {  	[tilespmem:$0x1C0F0] =	vst v4  }
0x2e: {  	[tilespmem:$0x1C100] =	vst v4  }
0x2f: {  	[tilespmem:$0x1C110] =	vst v4  }
0x30: {  	[tilespmem:$0x1C120] =	vst v4  }
0x31: {  	[tilespmem:$0x1C130] =	vst v4  }
0x32: {  	[tilespmem:$0x1C140] =	vst v4  }
0x33: {  	[tilespmem:$0x1C150] =	vst v4  }
0x34: {  	[tilespmem:$0x1C160] =	vst v4  }
0x35: {  	[tilespmem:$0x1C170] =	vst v4  }
0x36: {  	[tilespmem:$0x1C180] =	vst v4  }
0x37: {  	[tilespmem:$0x1C190] =	vst v4  }
0x38: {  	[tilespmem:$0x1C1A0] =	vst v4  }
0x39: {  	[tilespmem:$0x1C1B0] =	vst v4  }
0x3a: {  	[tilespmem:$0x1C1C0] =	vst v4  }
0x3b: {  	[tilespmem:$0x1C1D0] =	vst v4  }
0x3c: {  	[tilespmem:$0x1C1E0] =	vst v4  }
0x3d: {  	[tilespmem:$0x1C1F0] =	vst v4  }
0x3e: {  	[tilespmem:$0x1C200] =	vst v4  }
0x3f: {  	[tilespmem:$0x1C210] =	vst v4  }
0x40: {  	[tilespmem:$0x1C220] =	vst v4  }
0x41: {  	[tilespmem:$0x1C230] =	vst v4  }
0x42: {  	[tilespmem:$0x1C240] =	vst v4  }
0x43: {  	[tilespmem:$0x1C250] =	vst v4  }
0x44: {  	[tilespmem:$0x1C260] =	vst v4  }
0x45: {  	[tilespmem:$0x1C270] =	vst v4  }
0x46: {  	[tilespmem:$0x1C280] =	vst v4  }
0x47: {  	[tilespmem:$0x1C290] =	vst v4  }
0x48: {  	[tilespmem:$0x1C2A0] =	vst v4  }
0x49: {  	[tilespmem:$0x1C2B0] =	vst v4  }
0x4a: {  	[tilespmem:$0x1C2C0] =	vst v4  }
0x4b: {  	[tilespmem:$0x1C2D0] =	vst v4  }
0x4c: {  	[tilespmem:$0x1C2E0] =	vst v4  }
0x4d: {  	[tilespmem:$0x1C2F0] =	vst v4  }
0x4e: {  	[tilespmem:$0x1C300] =	vst v4  }
0x4f: {  	[tilespmem:$0x1C310] =	vst v4  }
0x50: {  	[tilespmem:$0x1C320] =	vst v4  }
0x51: {  	[tilespmem:$0x1C330] =	vst v4  }
0x52: {  	[tilespmem:$0x1C340] =	vst v4  }
0x53: {  	[tilespmem:$0x1C350] =	vst v4  }
0x54: {  	[tilespmem:$0x1C360] =	vst v4  }
0x55: {  	[tilespmem:$0x1C370] =	vst v4  }
0x56: {  	[tilespmem:$0x1C380] =	vst v4  }
0x57: {  	[tilespmem:$0x1C390] =	vst v4  }
0x58: {  	[tilespmem:$0x1C3A0] =	vst v4  }
0x59: {  	[tilespmem:$0x1C3B0] =	vst v4  }
0x5a: {  	[tilespmem:$0x1C3C0] =	vst v4  }
0x5b: {  	[tilespmem:$0x1C3D0] =	vst v4  }
0x5c: {  	[tilespmem:$0x1C3E0] =	vst v4  }
0x5d: {  	[tilespmem:$0x1C3F0] =	vst v4  }
0x5e: {  	[tilespmem:$0x1C400] =	vst v4  }
0x5f: {  	[tilespmem:$0x1C410] =	vst v4  }
0x60: {  	[tilespmem:$0x1C420] =	vst v4  }
0x61: {  	[tilespmem:$0x1C430] =	vst v4  }
0x62: {  	[tilespmem:$0x1C440] =	vst v4  }
0x63: {  	[tilespmem:$0x1C450] =	vst v4  }
0x64: {  	[tilespmem:$0x1C460] =	vst v4  }
0x65: {  	s12 =	simm.s32 $0x1C080;
	[tilespmem:$0x1C470] =	vst v4  }
0x66: {  	[spmem:s9] =	stream.linear.scatter [tilespmem:s12], [sflag:$0x5], $0x400, $0x200038;
	[tilespmem:$0x1C880] =	vst v63  }
0x67: {  	_ =	swait.ge [sflag:s15], $0x400  }
0x68: {  	[sflag:s15] =	ssyncset.done $0x0  }
0x69: {  	[sflag:s15] =	ssyncadd.s32 $0xFFFFFC00  }
0x6a: {  	[bflag:$0x0] =	sbarrier.arrive $0xFFFF  }
0x6b: {  	_ =	swait.ge [sflag:s16], $0x2000  }
0x6c: {  	[sflag:s16] =	ssyncset.done $0x0  }
0x6d: {  	[sflag:s16] =	ssyncadd.s32 $0xFFFFE000  }
0x6e: {  	_ =	strace $0x90000048  }
0x6f: {  	_ =	strace $0x80000049  }
0x70: {  	v3 =	vld [tilespmem:s22+$0x10]  }
0x71: {  	v5 =	vld [tilespmem:s22+$0xFFFFFFD0]  }
0x72: {  	v6 =	vld [tilespmem:s22+$0xFFFFFFC0]  }
0x73: {  	v7 =	vld [tilespmem:s22+$0x20];
	_ =	sdelay $0x1  }
0x74: {  	v8 =	vshrl.u32 v3, $0xF;
	v3 =	vshll.u32 v3, $0x4  }
0x75: {  	v9 =	vshll.u32 v5, $0x4;
	v5 =	vshrl.u32 v5, $0xF;
	v3 =	vand.u32 $0x7FFF0, v3  }
0x76: {  	v10 =	vshll.u32 v6, $0x4;
	vm1 =	veq.s32 v8, v0;
	v3 =	vor.u32 v1, v3  }
0x77: {  	v11 =	vshll.u32 v7, $0x4;
	v9 =	vand.u32 $0x7FFF0, v9;
	v3 =	vnsel vm1, $0x7FFFFFFF, v3  }
0x78: {  	v8 =	vld [tilespmem:s22+$0x30];
	vm2 =	veq.s32 v5, v0;
	v5 =	vor.u32 v1, v9;
	v9 =	vor.u32 $0x80000000, v3  }
0x79: {  	v17 =	vadd.s32 v1, v4;
	v10 =	vand.u32 $0x7FFF0, v10;
	v11 =	vand.u32 $0x7FFF0, v11;
	(xrf1) =	vsort.ascd.msk.u32 $0xffff, v9, v3  }
0x7a: {  	v13 =	vmpcnt.ones.xlane vm1;
	v3 =	vshrl.u32 v6, $0xF;
	v6 =	vshrl.u32 v7, $0xF  }
0x7b: {  	v5 =	vnsel vm2, $0x7FFFFFFF, v5;
	v7 =	vor.u32 v1, v11;
	vm1 =	veq.s32 v6, v0  }
0x7c: {  	v10 =	vor.u32 v1, v10;
	v14 =	vor.u32 $0x80000000, v5;
	v9 =	vld [tilespmem:s22+$0xFFFFFFF0];
	v7 =	vnsel vm1, $0x7FFFFFFF, v7  }
0x7d: {  	vm3 =	veq.s32 v3, v0;
	v3 =	vshrl.u32 v8, $0xF;
	v6 =	vld [tilespmem:s22+$0xFFFFFFE0];
	v12 =	vor.u32 $0x80000000, v7  }
0x7e: {  	v8 =	vshll.u32 v8, $0x4;
	vm4 =	veq.s32 v3, v0;
	v11 =	vmpcnt.ones.xlane vm3;
	(xrf1) =	vsort.ascd.msk.u32 $0xffff, v12, v7  }
0x7f: {  	v8 =	vand.u32 $0x7FFF0, v8;
	v10 =	vnsel vm3, $0x7FFFFFFF, v10;
	v3 =	vmpcnt.ones.xlane vm4;
	(xrf1) =	vsort.ascd.msk.u32 $0xffff, v14, v5  }
0x80: {  	v8 =	vor.u32 v1, v8;
	v11 =	vadd.s32 v4, v11;
	v7 =	vor.u32 $0x80000000, v10  }
0x81: {  	v8 =	vnsel vm4, $0x7FFFFFFF, v8;
	v12 =	vshrl.u32 v9, $0xF;
	v5 =	vshll.u32 v9, $0x4;
	v9 =	vld [tilespmem:s22+$0x0]  }
0x82: {  	v14 =	vmpcnt.ones.xlane vm2;
	v15 =	vshll.u32 v6, $0x4;
	v5 =	vand.u32 $0x7FFF0, v5;
	(xrf1) =	vsort.ascd.msk.u32 $0xffff, v7, v10  }
0x83: {  	vm2 =	veq.s32 v12, v0;
	v10 =	vor.u32 $0x80000000, v8;
	v5 =	vor.u32 v1, v5  }
0x84: {  	v6 =	vshrl.u32 v6, $0xF;
	v7 =	vand.u32 $0x7FFF0, v15;
	(xrf1) =	vsort.ascd.msk.u32 $0xffff, v10, v8;
	v5 =	vnsel vm2, $0x7FFFFFFF, v5  }
0x85: {  	vm3 =	veq.s32 v6, v0;
	v7 =	vor.u32 v1, v7;
	v6 =	vor.u32 $0x80000000, v5  }
0x86: {  	v7 =	vnsel vm3, $0x7FFFFFFF, v7;
	v10 =	vshrl.u32 v9, $0xF;
	v9 =	vshll.u32 v9, $0x4;
	(xrf1) =	vsort.ascd.msk.u32 $0xffff, v6, v5  }
0x87: {  	v8 =	vadd.s32 v11, v14;
	v5 =	vor.u32 $0x80000000, v7;
	v6 =	vand.u32 $0x7FFF0, v9;
	v16, _, _ =	vpop (xrf1)  }
0x88: {  	v9 =	vmpcnt.ones.xlane vm2;
	vm2 =	veq.s32 v10, v0;
	(xrf1) =	vsort.ascd.msk.u32 $0xffff, v5, v7;
	v10 =	vshrl.u32 v16, $0x4  }
0x89: {  	v12 =	vmpcnt.ones.xlane vm3;
	v6 =	vor.u32 v1, v6;
	v7 =	vxor.u32 $0x8000000, v10  }
0x8a: {  	v15 =	vadd.s32 v1, v11;
	v21 =	vnsel vm2, $0x7FFFFFFF, v6;
	v14 =	vperm.xlane v7, v2  }
0x8b: {  	v11 =	vadd.s32 v8, v12;
	v12 =	vadd.s32 v1, v8;
	v23 =	vor.u32 $0x80000000, v21  }
0x8c: {  	v5 =	vmpcnt.ones.xlane vm2;
	v6 =	vmpcnt.ones.xlane vm1;
	(xrf1) =	vsort.ascd.msk.u32 $0xffff, v23, v21;
	vm1 =	vne.s32 v7, v14;
	v7, _, _ =	vpop (xrf1)  }
0x8d: {  	v4 =	vand.u32 $0xF, v16;
	v14 =	vadd.s32 v11, v9;
	vm2 =	vmor vm1, vm0;
	v22, _, _ =	vpop (xrf1)  }
0x8e: {  	v9 =	vadd.s32 v14, v5;
	vm1 =	vne.s32 v16, $0xFFFFFFFF;
	v27 =	vshrl.u32 v22, $0x4  }
0x8f: {  	v5 =	vand.u32 $0x7FFF, v10;
	v10 =	vadd.s32 v1, v11;
	v16 =	vxor.u32 $0x8000000, v27  }
0x90: {  	v11 =	vshrl.u32 v7, $0x4;
	v8 =	vadd.s32 v9, v13;
	v28, _, _ =	vpop (xrf1);
	v25 =	vperm.xlane v16, v2  }
0x91: {  	v20 =	vand.u32 $0xF, v22;
	v18 =	vxor.u32 $0x8000000, v11;
	v24 =	vshrl.u32 v28, $0x4  }
0x92: {  	vm3 =	vne.s32 v22, $0xFFFFFFFF;
	v29 =	vand.u32 $0xF, v28;
	v13, _, _ =	vpop (xrf1);
	v30 =	vxor.u32 $0x8000000, v24  }
0x93: {  	s14 =	simm.s32 $0x10;
	v31 =	vperm.xlane v30, v2;
	vm4 =	vne.s32 v16, v25;
	v16 =	vshrl.u32 v13, $0x4  }
0x94: {  	v19 =	vperm.xlane v18, v2;
	v20 =	vor.u32 s14, v20;
	v26 =	vxor.u32 $0x8000000, v16;
	v25, _, _ =	vpop (xrf1)  }
0x95: {  	s28 =	simm.s32 $0x70;
	vm5 =	vne.s32 v30, v31;
	vm4 =	vmor vm4, vm0;
	v22 =	vshrl.u32 v25, $0x4  }
0x96: {  	s30 =	simm.s32 $0xF0;
	s29 =	simm.s32 $0x0;
	s31 =	simm.s32 $0x40;
	vm6 =	vmor vm5, vm0;
	v21 =	vand.u32 $0xF, v25;
	v23, _, _ =	vpop (xrf1);
	v30 =	vxor.u32 $0x8000000, v22  }
.LBB2_2:
0x97: {  	p0 =	sne.s32 s30, $0x1FF0  }
0x98: {  	v27 =	vand.u32 $0x7FFF, v27;
	v31 =	vshrl.u32 v23, $0x4;
	v32 =	vperm.xlane v26, v2;
	s31 =	sadd.s32 $0x80, s31;
	s0 =	smov.u32 s30;
	s30 =	sadd.s32 $0x80, s30  }
0x99: {  	vm5 =	vne.s32 v28, $0xFFFFFFFF;
	v28 =	vor.u32 s29, v29;
	s29 =	sadd.s32 $0xFFFFFF90, s0;
	v29 =	vxor.u32 $0x8000000, v31  }
0x9a: {  	vm7 =	vmand vm5, vm6;
	v33 =	vperm.xlane v29, v2;
	vm8 =	vne.s32 v26, v32;
	v26, _, _ =	vpop (xrf1)  }
0x9b: {  	v24 =	vand.u32 $0x7FFF, v24;
	vm9 =	vmand vm3, vm4;
	v32 =	vshrl.u32 v26, $0x4  }
0x9c: {  	vm4 =	vne.s32 v29, v33;
	v29 =	vperm.xlane v30, v2;
	v33 =	vxor.u32 $0x8000000, v32  }
0x9d: {  	vm6 =	vne.s32 v23, $0xFFFFFFFF;
	vm4 =	vmor vm4, vm0;
	v34 =	vperm.xlane v33, v2  }
0x9e: {  	vm10 =	vmand vm6, vm4;
	vm11 =	vne.s32 v30, v29;
	vm4 =	vne.s32 v25, $0xFFFFFFFF  }
0x9f: {  	v25 =	vand.u32 $0x7FFF, v31;
	vm11 =	vmor vm11, vm0;
	vm12 =	vne.s32 v33, v34  }
0xa0: {  	[tilespmem:v24+s17+$0x0] =	vst.idx.msk vm7, v28;
	vm11 =	vmand vm4, vm11;
	vm12 =	vmor vm12, vm0;
	v24 =	vand.u32 $0xF, v26  }
0xa1: {  	vm7 =	vmor vm8, vm0;
	[tilespmem:v17+s18+$0x0] =	vst.idx.msk vm5, v28;
	v17 =	vand.u32 $0x7FFF, v22;
	vm5 =	vne.s32 v26, $0xFFFFFFFF  }
0xa2: {  	s2 =	sadd.s32 $0xFFFFFFB0, s28;
	v22 =	vand.u32 $0xF, v23;
	[tilespmem:v27+s17+$0x0] =	vst.idx.msk vm9, v20;
	vm8 =	vmand vm5, vm12;
	vm9 =	vne.s32 v18, v19  }
0xa3: {  	v18 =	vand.u32 $0x7FFF, v32;
	[tilespmem:v15+s18+$0x0] =	vst.idx.msk vm3, v20;
	v15 =	vor.u32 s2, v22;
	vm3 =	vmor vm9, vm0  }
0xa4: {  	v14 =	vadd.s32 v1, v14;
	v19 =	vadd.s32 v8, v6;
	s2 =	sadd.s32 $0xFFFFFFC0, s28;
	vm9 =	vmand vm1, vm2;
	[tilespmem:v25+s17+$0x0] =	vst.idx.msk vm10, v15  }
0xa5: {  	vm2 =	vne.s32 v7, $0xFFFFFFFF;
	v6 =	vor.u32 s2, v21;
	[tilespmem:v12+s18+$0x0] =	vst.idx.msk vm6, v15;
	v12 =	vand.u32 $0xF, v13  }
0xa6: {  	v9 =	vadd.s32 v1, v9;
	v7 =	vand.u32 $0xF, v7;
	s2 =	sadd.s32 $0xFFFFFFD0, s28;
	vm3 =	vmand vm2, vm3;
	[tilespmem:v17+s17+$0x0] =	vst.idx.msk vm11, v6  }
0xa7: {  	v11 =	vand.u32 $0x7FFF, v11;
	[tilespmem:v10+s18+$0x0] =	vst.idx.msk vm4, v6;
	v10 =	vor.u32 s2, v24;
	vm4 =	vne.s32 v13, $0xFFFFFFFF  }
0xa8: {  	v8 =	vadd.s32 v1, v8;
	s2 =	sadd.s32 $0xFFFFFFE0, s28;
	v6 =	vadd.s32 v19, v3;
	[tilespmem:v18+s17+$0x0] =	vst.idx.msk vm8, v10;
	vm6 =	vmand vm4, vm7  }
0xa9: {  	v3 =	vor.u32 s2, v4;
	v4 =	vand.u32 $0x7FFF, v16;
	[tilespmem:v14+s18+$0x0] =	vst.idx.msk vm5, v10  }
0xaa: {  	s2 =	sadd.s32 $0xFFFFFFF0, s28;
	[tilespmem:v5+s17+$0x0] =	vst.idx.msk vm9, v3;
	v5 =	vadd.s32 v1, v19  }
0xab: {  	[tilespmem:v9+s18+$0x0] =	vst.idx.msk vm1, v3;
	v3 =	vor.u32 s2, v7  }
0xac: {  	[tilespmem:v11+s17+$0x0] =	vst.idx.msk vm3, v3  }
0xad: {  	[tilespmem:v8+s18+$0x0] =	vst.idx.msk vm2, v3;
	v3 =	vor.u32 s28, v12;
	s28 =	smov.u32 s0  }
0xae: {  	[tilespmem:v4+s17+$0x0] =	vst.idx.msk vm6, v3  }
0xaf: {  	[tilespmem:v5+s18+$0x0] =	vst.idx.msk vm4, v3  }
0xb0: {  	v3 =	vld [tilespmem:s31+$0x10]  }
0xb1: {  	v4 =	vld [tilespmem:s31+$0xFFFFFFD0];
	_ =	sdelay $0x1  }
0xb2: {  	v5 =	vld [tilespmem:s31+$0xFFFFFFC0]  }
0xb3: {  	v7 =	vld [tilespmem:s31+$0x20]  }
0xb4: {  	v8 =	vshrl.u32 v3, $0xF;
	v3 =	vshll.u32 v3, $0x4  }
0xb5: {  	v9 =	vshll.u32 v4, $0x4;
	vm1 =	veq.s32 v8, v0;
	v3 =	vand.u32 $0x7FFF0, v3;
	v8 =	vld [tilespmem:s31+$0x30]  }
0xb6: {  	v4 =	vshrl.u32 v4, $0xF;
	v9 =	vand.u32 $0x7FFF0, v9;
	v3 =	vor.u32 v1, v3  }
0xb7: {  	vm2 =	veq.s32 v4, v0;
	v10 =	vshll.u32 v5, $0x4;
	v3 =	vnsel vm1, $0x7FFFFFFF, v3  }
0xb8: {  	v4 =	vor.u32 v1, v9;
	v9 =	vor.u32 $0x80000000, v3;
	v11 =	vshll.u32 v7, $0x4  }
0xb9: {  	v13 =	vmpcnt.ones.xlane vm1;
	v10 =	vand.u32 $0x7FFF0, v10;
	v11 =	vand.u32 $0x7FFF0, v11;
	(xrf1) =	vsort.ascd.msk.u32 $0xffff, v9, v3  }
0xba: {  	v3 =	vshrl.u32 v5, $0xF;
	v5 =	vshrl.u32 v7, $0xF;
	v7 =	vor.u32 v1, v11  }
0xbb: {  	vm3 =	veq.s32 v3, v0;
	v3 =	vshrl.u32 v8, $0xF;
	v8 =	vshll.u32 v8, $0x4;
	v9 =	vld [tilespmem:s31+$0xFFFFFFF0]  }
0xbc: {  	vm4 =	veq.s32 v3, v0;
	v8 =	vand.u32 $0x7FFF0, v8;
	v12 =	vmpcnt.ones.xlane vm3;
	v11 =	vld [tilespmem:s31+$0xFFFFFFE0]  }
0xbd: {  	v10 =	vor.u32 v1, v10;
	vm1 =	veq.s32 v5, v0;
	v3 =	vmpcnt.ones.xlane vm4  }
0xbe: {  	v4 =	vnsel vm2, $0x7FFFFFFF, v4;
	v5 =	vnsel vm3, $0x7FFFFFFF, v10;
	v7 =	vnsel vm1, $0x7FFFFFFF, v7  }
0xbf: {  	v10 =	vor.u32 $0x80000000, v4;
	v14 =	vor.u32 $0x80000000, v7;
	v12 =	vadd.s32 v6, v12  }
0xc0: {  	v15 =	vor.u32 $0x80000000, v5;
	v8 =	vor.u32 v1, v8;
	v16 =	vshrl.u32 v9, $0xF;
	(xrf1) =	vsort.ascd.msk.u32 $0xffff, v14, v7  }
0xc1: {  	v8 =	vnsel vm4, $0x7FFFFFFF, v8;
	v7 =	vshll.u32 v9, $0x4;
	v14 =	vmpcnt.ones.xlane vm2;
	v9 =	vld [tilespmem:s31+$0x0];
	(xrf1) =	vsort.ascd.msk.u32 $0xffff, v10, v4  }
0xc2: {  	v4 =	vshll.u32 v11, $0x4;
	vm2 =	veq.s32 v16, v0;
	v7 =	vand.u32 $0x7FFF0, v7;
	(xrf1) =	vsort.ascd.msk.u32 $0xffff, v15, v5  }
0xc3: {  	v4 =	vand.u32 $0x7FFF0, v4;
	v5 =	vor.u32 v1, v7;
	v7 =	vor.u32 $0x80000000, v8  }
0xc4: {  	v10 =	vshrl.u32 v11, $0xF;
	v4 =	vor.u32 v1, v4;
	v5 =	vnsel vm2, $0x7FFFFFFF, v5;
	(xrf1) =	vsort.ascd.msk.u32 $0xffff, v7, v8  }
0xc5: {  	vm3 =	veq.s32 v10, v0;
	v7 =	vor.u32 $0x80000000, v5;
	v8 =	vadd.s32 v12, v14  }
0xc6: {  	v4 =	vnsel vm3, $0x7FFFFFFF, v4;
	v10 =	vshrl.u32 v9, $0xF;
	v9 =	vshll.u32 v9, $0x4;
	(xrf1) =	vsort.ascd.msk.u32 $0xffff, v7, v5  }
0xc7: {  	v5 =	vor.u32 $0x80000000, v4;
	v7 =	vand.u32 $0x7FFF0, v9;
	v9 =	vmpcnt.ones.xlane vm2;
	v11, _, _ =	vpop (xrf1)  }
0xc8: {  	vm2 =	veq.s32 v10, v0;
	v7 =	vor.u32 v1, v7;
	v10 =	vshrl.u32 v11, $0x4;
	(xrf1) =	vsort.ascd.msk.u32 $0xffff, v5, v4  }
0xc9: {  	v5 =	vnsel vm2, $0x7FFFFFFF, v7;
	v7 =	vmpcnt.ones.xlane vm2;
	v14 =	vxor.u32 $0x8000000, v10  }
0xca: {  	v16 =	vmpcnt.ones.xlane vm3;
	v15 =	vor.u32 $0x80000000, v5;
	v18 =	vperm.xlane v14, v2  }
0xcb: {  	v17 =	vadd.s32 v1, v6;
	v6 =	vmpcnt.ones.xlane vm1;
	v4 =	vand.u32 $0xF, v11;
	(xrf1) =	vsort.ascd.msk.u32 $0xffff, v15, v5  }
0xcc: {  	v16 =	vadd.s32 v8, v16;
	v15 =	vadd.s32 v1, v12;
	vm1 =	vne.s32 v14, v18  }
0xcd: {  	v12 =	vadd.s32 v1, v8;
	v14 =	vadd.s32 v16, v9;
	vm2 =	vmor vm1, vm0  }
0xce: {  	v5 =	vand.u32 $0x7FFF, v10;
	v9 =	vadd.s32 v14, v7;
	vm1 =	vne.s32 v11, $0xFFFFFFFF;
	v7, _, _ =	vpop (xrf1)  }
0xcf: {  	v10 =	vadd.s32 v1, v16;
	v8 =	vadd.s32 v9, v13;
	v11 =	vshrl.u32 v7, $0x4;
	v21, _, _ =	vpop (xrf1)  }
0xd0: {  	v27 =	vshrl.u32 v21, $0x4;
	v16 =	vand.u32 $0xF, v21;
	v18 =	vxor.u32 $0x8000000, v11;
	v28, _, _ =	vpop (xrf1)  }
0xd1: {  	v24 =	vshrl.u32 v28, $0x4;
	v29 =	vand.u32 $0xF, v28;
	v22 =	vxor.u32 $0x8000000, v27  }
.Ltmp2:
0xd2: {  	s0 =	sadd.s32 $0xFFFFFFA0, s28;
	v19 =	vperm.xlane v18, v2;
	v23 =	vxor.u32 $0x8000000, v24;
	v31 =	vperm.xlane v22, v2;
	v13, _, _ =	vpop (xrf1);
	(pc) =	sbr.rel @p0 .LBB2_2-.Ltmp2, $4  }
0xd3: {  	v20 =	vor.u32 s0, v16;
	v30 =	vperm.xlane v23, v2;
	v16 =	vshrl.u32 v13, $0x4  }
0xd4: {  	vm3 =	vne.s32 v21, $0xFFFFFFFF;
	vm4 =	vne.s32 v22, v31;
	v26 =	vxor.u32 $0x8000000, v16;
	v25, _, _ =	vpop (xrf1)  }
0xd5: {  	vm5 =	vne.s32 v23, v30;
	vm4 =	vmor vm4, vm0;
	v22 =	vshrl.u32 v25, $0x4  }
0xd6: {  	v21 =	vand.u32 $0xF, v25;
	vm6 =	vmor vm5, vm0;
	v30 =	vxor.u32 $0x8000000, v22;
	v23, _, _ =	vpop (xrf1)  }
0xd7: {  	v31 =	vshrl.u32 v23, $0x4  }
0xd8: {  	vm5 =	vne.s32 v28, $0xFFFFFFFF;
	v28 =	vxor.u32 $0x8000000, v31  }
0xd9: {  	v27 =	vand.u32 $0x7FFF, v27;
	vm6 =	vmand vm5, vm6;
	v32 =	vperm.xlane v28, v2  }
0xda: {  	v29 =	vor.u32 s29, v29;
	v24 =	vand.u32 $0x7FFF, v24;
	vm7 =	vmand vm3, vm4;
	v33, _, _ =	vpop (xrf1)  }
0xdb: {  	v34 =	vshrl.u32 v33, $0x4;
	vm4 =	vne.s32 v28, v32;
	v28 =	vperm.xlane v30, v2  }
0xdc: {  	vm8 =	vne.s32 v23, $0xFFFFFFFF;
	v63 =	vxor.u32 $0x8000000, v34;
	vm4 =	vmor vm4, vm0  }
0xdd: {  	vm9 =	vne.s32 v30, v28;
	v28 =	vperm.xlane v63, v2;
	vm10 =	vmand vm8, vm4  }
0xde: {  	vm4 =	vne.s32 v25, $0xFFFFFFFF;
	v25 =	vand.u32 $0x7FFF, v31;
	vm9 =	vmor vm9, vm0  }
0xdf: {  	v14 =	vadd.s32 v1, v14;
	[tilespmem:v24+s17+$0x0] =	vst.idx.msk vm6, v29;
	vm11 =	vne.s32 v63, v28;
	vm6 =	vmand vm4, vm9  }
0xe0: {  	[tilespmem:v17+s18+$0x0] =	vst.idx.msk vm5, v29;
	v17 =	vand.u32 $0x7FFF, v22;
	vm5 =	vne.s32 v33, $0xFFFFFFFF;
	vm12 =	vmor vm11, vm0  }
0xe1: {  	s0 =	sadd.s32 $0xFFFFFFB0, s28;
	vm2 =	vmand vm1, vm2;
	v22 =	vand.u32 $0xF, v23;
	[tilespmem:v27+s17+$0x0] =	vst.idx.msk vm7, v20;
	vm7 =	vmand vm5, vm12  }
0xe2: {  	v9 =	vadd.s32 v1, v9;
	[tilespmem:v15+s18+$0x0] =	vst.idx.msk vm3, v20;
	v15 =	vor.u32 s0, v22;
	v20 =	vand.u32 $0x7FFF, v34  }
0xe3: {  	s14 =	sadd.s32 $0xFFFFFFC0, s28;
	vm14 =	vne.s32 v7, $0xFFFFFFFF;
	v30 =	vperm.xlane v26, v2;
	vm3 =	vne.s32 v18, v19;
	[tilespmem:v25+s17+$0x0] =	vst.idx.msk vm10, v15  }
0xe4: {  	v11 =	vand.u32 $0x7FFF, v11;
	vm3 =	vmor vm3, vm0;
	[tilespmem:v12+s18+$0x0] =	vst.idx.msk vm8, v15;
	v12 =	vor.u32 s14, v21  }
0xe5: {  	s1 =	sadd.s32 $0xFFFFFFD0, s28;
	vm13 =	vne.s32 v26, v30;
	v23 =	vand.u32 $0xF, v33;
	vm3 =	vmand vm14, vm3;
	[tilespmem:v17+s17+$0x0] =	vst.idx.msk vm6, v12  }
0xe6: {  	vm15 =	vmor vm13, vm0;
	[tilespmem:v10+s18+$0x0] =	vst.idx.msk vm4, v12;
	v10 =	vor.u32 s1, v23;
	vm4 =	vne.s32 v13, $0xFFFFFFFF  }
0xe7: {  	s2 =	sadd.s32 $0xFFFFFFE0, s28;
	v12 =	vadd.s32 v1, v8;
	[tilespmem:v20+s17+$0x0] =	vst.idx.msk vm7, v10;
	vm6 =	vmand vm4, vm15  }
0xe8: {  	v6 =	vadd.s32 v8, v6;
	v4 =	vor.u32 s2, v4;
	v8 =	vand.u32 $0x7FFF, v16;
	[tilespmem:v14+s18+$0x0] =	vst.idx.msk vm5, v10  }
0xe9: {  	v7 =	vand.u32 $0xF, v7;
	s12 =	sadd.s32 $0xFFFFFFF0, s28;
	[tilespmem:v5+s17+$0x0] =	vst.idx.msk vm2, v4;
	v5 =	vadd.s32 v1, v6  }
0xea: {  	[tilespmem:v9+s18+$0x0] =	vst.idx.msk vm1, v4;
	v4 =	vor.u32 s12, v7  }
0xeb: {  	v7 =	vand.u32 $0xF, v13;
	[tilespmem:v11+s17+$0x0] =	vst.idx.msk vm3, v4  }
0xec: {  	[tilespmem:v12+s18+$0x0] =	vst.idx.msk vm14, v4;
	v4 =	vor.u32 s28, v7  }
0xed: {  	[tilespmem:v8+s17+$0x0] =	vst.idx.msk vm6, v4  }
0xee: {  	[tilespmem:v5+s18+$0x0] =	vst.idx.msk vm4, v4  }
0xef: {  	_ =	swait.ge [sflag:s19], $0x2000  }
0xf0: {  	[sflag:s19] =	ssyncset.done $0x0  }
0xf1: {  	s28 =	simm.s32 $0x2070;
	[sflag:s19] =	ssyncadd.s32 $0xFFFFE000  }
0xf2: {  	v4 =	vld [tilespmem:s28+$0xFFFFFFE0]  }
0xf3: {  	v5 =	vld [tilespmem:s28+$0xFFFFFFA0]  }
0xf4: {  	v7 =	vld [tilespmem:s28+$0xFFFFFF90]  }
0xf5: {  	v8 =	vld [tilespmem:s28+$0xFFFFFFF0];
	_ =	sdelay $0x2  }
0xf6: {  	v6 =	vadd.s32 v6, v3;
	v3 =	vshrl.u32 v4, $0xF;
	v4 =	vshll.u32 v4, $0x4  }
0xf7: {  	v9 =	vshll.u32 v5, $0x4;
	v5 =	vshrl.u32 v5, $0xF;
	v10 =	vshll.u32 v7, $0x4  }
0xf8: {  	v11 =	vshll.u32 v8, $0x4;
	vm1 =	veq.s32 v3, v0;
	v3 =	vand.u32 $0x7FFF0, v4  }
0xf9: {  	v4 =	vld [tilespmem:s28+$0x0];
	v9 =	vand.u32 $0x7FFF0, v9;
	vm2 =	veq.s32 v5, v0;
	v3 =	vor.u32 v1, v3  }
0xfa: {  	v10 =	vand.u32 $0x7FFF0, v10;
	v11 =	vand.u32 $0x7FFF0, v11;
	v3 =	vnsel vm1, $0x7FFFFFFF, v3  }
0xfb: {  	v5 =	vor.u32 v1, v9;
	v13 =	vmpcnt.ones.xlane vm1;
	v9 =	vor.u32 $0x80000000, v3  }
0xfc: {  	v10 =	vor.u32 v1, v10;
	v5 =	vnsel vm2, $0x7FFFFFFF, v5;
	(xrf1) =	vsort.ascd.msk.u32 $0xffff, v9, v3;
	v3 =	vshrl.u32 v7, $0xF  }
0xfd: {  	v7 =	vshrl.u32 v8, $0xF;
	v8 =	vor.u32 v1, v11;
	vm3 =	veq.s32 v3, v0  }
0xfe: {  	v9 =	vld [tilespmem:s28+$0xFFFFFFC0];
	v3 =	vshrl.u32 v4, $0xF;
	v4 =	vshll.u32 v4, $0x4;
	vm1 =	veq.s32 v7, v0  }
0xff: {  	v12 =	vld [tilespmem:s28+$0xFFFFFFB0];
	vm4 =	veq.s32 v3, v0;
	v4 =	vand.u32 $0x7FFF0, v4;
	v11 =	vmpcnt.ones.xlane vm3  }
0x100: {  	v7 =	vnsel vm3, $0x7FFFFFFF, v10;
	v8 =	vnsel vm1, $0x7FFFFFFF, v8;
	v10 =	vor.u32 $0x80000000, v5  }
0x101: {  	v17 =	vmpcnt.ones.xlane vm1;
	v14 =	vor.u32 $0x80000000, v8;
	v4 =	vor.u32 v1, v4  }
0x102: {  	v15 =	vor.u32 $0x80000000, v7;
	v11 =	vadd.s32 v6, v11;
	(xrf1) =	vsort.ascd.msk.u32 $0xffff, v14, v8;
	v4 =	vnsel vm4, $0x7FFFFFFF, v4  }
0x103: {  	v14 =	vmpcnt.ones.xlane vm2;
	v16 =	vshrl.u32 v9, $0xF;
	v8 =	vshll.u32 v9, $0x4;
	(xrf1) =	vsort.ascd.msk.u32 $0xffff, v10, v5  }
0x104: {  	v9 =	vld [tilespmem:s28+$0xFFFFFFD0];
	v5 =	vshll.u32 v12, $0x4;
	v10 =	vshrl.u32 v12, $0xF;
	v8 =	vand.u32 $0x7FFF0, v8;
	(xrf1) =	vsort.ascd.msk.u32 $0xffff, v15, v7  }
0x105: {  	vm2 =	veq.s32 v16, v0;
	v7 =	vor.u32 v1, v8;
	v8 =	vor.u32 $0x80000000, v4  }
0x106: {  	v5 =	vand.u32 $0x7FFF0, v5;
	vm3 =	veq.s32 v10, v0;
	v7 =	vnsel vm2, $0x7FFFFFFF, v7;
	(xrf1) =	vsort.ascd.msk.u32 $0xffff, v8, v4  }
0x107: {  	v16 =	vadd.s32 v1, v6;
	v5 =	vor.u32 v1, v5;
	v4 =	vor.u32 $0x80000000, v7  }
0x108: {  	v12 =	vmpcnt.ones.xlane vm3;
	v8 =	vadd.s32 v11, v14;
	v5 =	vnsel vm3, $0x7FFFFFFF, v5;
	(xrf1) =	vsort.ascd.msk.u32 $0xffff, v4, v7  }
0x109: {  	v10 =	vshrl.u32 v9, $0xF;
	v9 =	vshll.u32 v9, $0x4;
	v4 =	vor.u32 $0x80000000, v5  }
0x10a: {  	v14 =	vadd.s32 v1, v11;
	v19 =	vadd.s32 v8, v12;
	v7 =	vand.u32 $0x7FFF0, v9;
	v15, _, _ =	vpop (xrf1);
	(xrf1) =	vsort.ascd.msk.u32 $0xffff, v4, v5  }
0x10b: {  	v9 =	vmpcnt.ones.xlane vm2;
	vm2 =	veq.s32 v10, v0;
	v7 =	vor.u32 v1, v7  }
0x10c: {  	v11 =	vadd.s32 v1, v8;
	v21 =	vnsel vm2, $0x7FFFFFFF, v7;
	v10 =	vshrl.u32 v15, $0x4  }
0x10d: {  	v5 =	vmpcnt.ones.xlane vm2;
	v23 =	vor.u32 $0x80000000, v21;
	v7 =	vxor.u32 $0x8000000, v10  }
0x10e: {  	v3 =	vmpcnt.ones.xlane vm4;
	v12 =	vadd.s32 v19, v9;
	(xrf1) =	vsort.ascd.msk.u32 $0xffff, v23, v21;
	v18 =	vperm.xlane v7, v2  }
0x10f: {  	v9 =	vadd.s32 v1, v19;
	v4 =	vand.u32 $0xF, v15;
	v8 =	vadd.s32 v12, v5  }
0x110: {  	v5 =	vand.u32 $0x7FFF, v10;
	v6, _, _ =	vpop (xrf1);
	vm1 =	vne.s32 v7, v18;
	v7 =	vadd.s32 v8, v13  }
0x111: {  	v10 =	vshrl.u32 v6, $0x4;
	v22, _, _ =	vpop (xrf1);
	vm2 =	vmor vm1, vm0;
	vm1 =	vne.s32 v15, $0xFFFFFFFF  }
0x112: {  	v29 =	vshrl.u32 v22, $0x4;
	v15 =	vand.u32 $0xF, v22;
	v18 =	vxor.u32 $0x8000000, v10;
	v28, _, _ =	vpop (xrf1)  }
0x113: {  	vm3 =	vne.s32 v22, $0xFFFFFFFF;
	v24 =	vshrl.u32 v28, $0x4;
	v25 =	vxor.u32 $0x8000000, v29  }
0x114: {  	s14 =	simm.s32 $0x2010;
	v27 =	vand.u32 $0xF, v28;
	v30 =	vxor.u32 $0x8000000, v24;
	v26 =	vperm.xlane v25, v2;
	v13, _, _ =	vpop (xrf1)  }
0x115: {  	v20 =	vor.u32 s14, v15;
	v31 =	vperm.xlane v30, v2;
	v15 =	vshrl.u32 v13, $0x4  }
0x116: {  	v19 =	vperm.xlane v18, v2;
	vm4 =	vne.s32 v25, v26;
	v26 =	vxor.u32 $0x8000000, v15;
	v25, _, _ =	vpop (xrf1)  }
0x117: {  	vm5 =	vne.s32 v30, v31;
	vm4 =	vmor vm4, vm0;
	v22 =	vshrl.u32 v25, $0x4  }
0x118: {  	s31 =	simm.s32 $0x20F0;
	s30 =	simm.s32 $0x2000;
	s29 =	simm.s32 $0x2070;
	v21 =	vand.u32 $0xF, v25;
	vm5 =	vmor vm5, vm0;
	v30 =	vxor.u32 $0x8000000, v22;
	v23, _, _ =	vpop (xrf1)  }
.LBB2_4:
0x119: {  	p0 =	sne.s32 s31, $0x3FF0  }
0x11a: {  	v29 =	vand.u32 $0x7FFF, v29;
	v31 =	vshrl.u32 v23, $0x4;
	v32 =	vperm.xlane v26, v2;
	s28 =	sadd.s32 $0x80, s28;
	s0 =	smov.u32 s31;
	s31 =	sadd.s32 $0x80, s31  }
0x11b: {  	vm7 =	vne.s32 v28, $0xFFFFFFFF;
	v27 =	vor.u32 s30, v27;
	s30 =	sadd.s32 $0xFFFFFF90, s0;
	v28 =	vxor.u32 $0x8000000, v31  }
0x11c: {  	vm5 =	vmand vm7, vm5;
	v33 =	vperm.xlane v28, v2;
	vm8 =	vne.s32 v26, v32;
	v26, _, _ =	vpop (xrf1)  }
0x11d: {  	v24 =	vand.u32 $0x7FFF, v24;
	vm9 =	vmand vm3, vm4;
	v32 =	vshrl.u32 v26, $0x4  }
0x11e: {  	vm4 =	vne.s32 v28, v33;
	v28 =	vperm.xlane v30, v2;
	v33 =	vxor.u32 $0x8000000, v32  }
0x11f: {  	vm6 =	vne.s32 v23, $0xFFFFFFFF;
	vm4 =	vmor vm4, vm0;
	v34 =	vperm.xlane v33, v2  }
0x120: {  	vm10 =	vmand vm6, vm4;
	vm11 =	vne.s32 v30, v28;
	vm4 =	vne.s32 v25, $0xFFFFFFFF  }
0x121: {  	v25 =	vand.u32 $0x7FFF, v31;
	vm11 =	vmor vm11, vm0;
	vm12 =	vne.s32 v33, v34  }
0x122: {  	[tilespmem:v24+s17+$0x0] =	vst.idx.msk vm5, v27;
	vm11 =	vmand vm4, vm11;
	vm12 =	vmor vm12, vm0;
	v24 =	vand.u32 $0xF, v26  }
0x123: {  	vm5 =	vne.s32 v26, $0xFFFFFFFF;
	[tilespmem:v16+s18+$0x0] =	vst.idx.msk vm7, v27;
	v16 =	vand.u32 $0x7FFF, v22;
	vm7 =	vmor vm8, vm0  }
0x124: {  	s2 =	sadd.s32 $0xFFFFFFB0, s29;
	v22 =	vand.u32 $0xF, v23;
	vm8 =	vmand vm5, vm12;
	[tilespmem:v29+s17+$0x0] =	vst.idx.msk vm9, v20;
	vm9 =	vne.s32 v18, v19  }
0x125: {  	v18 =	vand.u32 $0x7FFF, v32;
	[tilespmem:v14+s18+$0x0] =	vst.idx.msk vm3, v20;
	v14 =	vor.u32 s2, v22;
	vm3 =	vmor vm9, vm0  }
0x126: {  	v12 =	vadd.s32 v1, v12;
	v17 =	vadd.s32 v7, v17;
	s2 =	sadd.s32 $0xFFFFFFC0, s29;
	vm9 =	vmand vm1, vm2;
	[tilespmem:v25+s17+$0x0] =	vst.idx.msk vm10, v14  }
0x127: {  	vm2 =	vne.s32 v6, $0xFFFFFFFF;
	[tilespmem:v11+s18+$0x0] =	vst.idx.msk vm6, v14;
	v11 =	vor.u32 s2, v21;
	v14 =	vand.u32 $0xF, v13  }
0x128: {  	v8 =	vadd.s32 v1, v8;
	vm3 =	vmand vm2, vm3;
	s2 =	sadd.s32 $0xFFFFFFD0, s29;
	[tilespmem:v16+s17+$0x0] =	vst.idx.msk vm11, v11;
	v16 =	vand.u32 $0xF, v6  }
0x129: {  	v10 =	vand.u32 $0x7FFF, v10;
	[tilespmem:v9+s18+$0x0] =	vst.idx.msk vm4, v11;
	v9 =	vor.u32 s2, v24;
	vm4 =	vne.s32 v13, $0xFFFFFFFF  }
0x12a: {  	v7 =	vadd.s32 v1, v7;
	v6 =	vadd.s32 v17, v3;
	s2 =	sadd.s32 $0xFFFFFFE0, s29;
	[tilespmem:v18+s17+$0x0] =	vst.idx.msk vm8, v9;
	vm6 =	vmand vm4, vm7  }
0x12b: {  	v3 =	vor.u32 s2, v4;
	v4 =	vand.u32 $0x7FFF, v15;
	[tilespmem:v12+s18+$0x0] =	vst.idx.msk vm5, v9  }
0x12c: {  	s2 =	sadd.s32 $0xFFFFFFF0, s29;
	[tilespmem:v5+s17+$0x0] =	vst.idx.msk vm9, v3;
	v5 =	vadd.s32 v1, v17  }
0x12d: {  	[tilespmem:v8+s18+$0x0] =	vst.idx.msk vm1, v3;
	v3 =	vor.u32 s2, v16  }
0x12e: {  	[tilespmem:v10+s17+$0x0] =	vst.idx.msk vm3, v3  }
0x12f: {  	[tilespmem:v7+s18+$0x0] =	vst.idx.msk vm2, v3;
	v3 =	vor.u32 s29, v14;
	s29 =	smov.u32 s0  }
0x130: {  	[tilespmem:v4+s17+$0x0] =	vst.idx.msk vm6, v3  }
0x131: {  	[tilespmem:v5+s18+$0x0] =	vst.idx.msk vm4, v3  }
0x132: {  	v3 =	vld [tilespmem:s28+$0xFFFFFFE0]  }
0x133: {  	v4 =	vld [tilespmem:s28+$0xFFFFFFA0];
	_ =	sdelay $0x1  }
0x134: {  	v5 =	vld [tilespmem:s28+$0xFFFFFF90]  }
0x135: {  	v7 =	vld [tilespmem:s28+$0xFFFFFFF0]  }
0x136: {  	v8 =	vshrl.u32 v3, $0xF;
	v3 =	vshll.u32 v3, $0x4  }
0x137: {  	v9 =	vshll.u32 v4, $0x4;
	vm1 =	veq.s32 v8, v0;
	v3 =	vand.u32 $0x7FFF0, v3;
	v8 =	vld [tilespmem:s28+$0x0]  }
0x138: {  	v4 =	vshrl.u32 v4, $0xF;
	v9 =	vand.u32 $0x7FFF0, v9;
	v3 =	vor.u32 v1, v3  }
0x139: {  	vm2 =	veq.s32 v4, v0;
	v10 =	vshll.u32 v5, $0x4;
	v3 =	vnsel vm1, $0x7FFFFFFF, v3  }
0x13a: {  	v4 =	vor.u32 v1, v9;
	v9 =	vor.u32 $0x80000000, v3;
	v11 =	vshll.u32 v7, $0x4  }
0x13b: {  	v13 =	vmpcnt.ones.xlane vm1;
	v10 =	vand.u32 $0x7FFF0, v10;
	v11 =	vand.u32 $0x7FFF0, v11;
	(xrf1) =	vsort.ascd.msk.u32 $0xffff, v9, v3  }
0x13c: {  	v3 =	vshrl.u32 v5, $0xF;
	v5 =	vshrl.u32 v7, $0xF;
	v7 =	vor.u32 v1, v11  }
0x13d: {  	vm3 =	veq.s32 v3, v0;
	v3 =	vshrl.u32 v8, $0xF;
	v8 =	vshll.u32 v8, $0x4;
	v9 =	vld [tilespmem:s28+$0xFFFFFFC0]  }
0x13e: {  	vm4 =	veq.s32 v3, v0;
	v8 =	vand.u32 $0x7FFF0, v8;
	v12 =	vmpcnt.ones.xlane vm3;
	v11 =	vld [tilespmem:s28+$0xFFFFFFB0]  }
0x13f: {  	v10 =	vor.u32 v1, v10;
	vm1 =	veq.s32 v5, v0;
	v3 =	vmpcnt.ones.xlane vm4  }
0x140: {  	v4 =	vnsel vm2, $0x7FFFFFFF, v4;
	v5 =	vnsel vm3, $0x7FFFFFFF, v10;
	v7 =	vnsel vm1, $0x7FFFFFFF, v7  }
0x141: {  	v10 =	vor.u32 $0x80000000, v4;
	v14 =	vor.u32 $0x80000000, v7;
	v12 =	vadd.s32 v6, v12  }
0x142: {  	v15 =	vor.u32 $0x80000000, v5;
	v8 =	vor.u32 v1, v8;
	v16 =	vshrl.u32 v9, $0xF;
	(xrf1) =	vsort.ascd.msk.u32 $0xffff, v14, v7  }
0x143: {  	v8 =	vnsel vm4, $0x7FFFFFFF, v8;
	v7 =	vshll.u32 v9, $0x4;
	v14 =	vmpcnt.ones.xlane vm2;
	v9 =	vld [tilespmem:s28+$0xFFFFFFD0];
	(xrf1) =	vsort.ascd.msk.u32 $0xffff, v10, v4  }
0x144: {  	v4 =	vshll.u32 v11, $0x4;
	vm2 =	veq.s32 v16, v0;
	v7 =	vand.u32 $0x7FFF0, v7;
	(xrf1) =	vsort.ascd.msk.u32 $0xffff, v15, v5  }
0x145: {  	v4 =	vand.u32 $0x7FFF0, v4;
	v5 =	vor.u32 v1, v7;
	v7 =	vor.u32 $0x80000000, v8  }
0x146: {  	v10 =	vshrl.u32 v11, $0xF;
	v4 =	vor.u32 v1, v4;
	v5 =	vnsel vm2, $0x7FFFFFFF, v5;
	(xrf1) =	vsort.ascd.msk.u32 $0xffff, v7, v8  }
0x147: {  	vm3 =	veq.s32 v10, v0;
	v7 =	vor.u32 $0x80000000, v5;
	v8 =	vadd.s32 v12, v14  }
0x148: {  	v4 =	vnsel vm3, $0x7FFFFFFF, v4;
	v10 =	vshrl.u32 v9, $0xF;
	v9 =	vshll.u32 v9, $0x4;
	(xrf1) =	vsort.ascd.msk.u32 $0xffff, v7, v5  }
0x149: {  	v5 =	vor.u32 $0x80000000, v4;
	v7 =	vand.u32 $0x7FFF0, v9;
	v9 =	vmpcnt.ones.xlane vm2;
	v15, _, _ =	vpop (xrf1)  }
0x14a: {  	vm2 =	veq.s32 v10, v0;
	v7 =	vor.u32 v1, v7;
	v10 =	vshrl.u32 v15, $0x4;
	(xrf1) =	vsort.ascd.msk.u32 $0xffff, v5, v4  }
0x14b: {  	v5 =	vnsel vm2, $0x7FFFFFFF, v7;
	v7 =	vmpcnt.ones.xlane vm2;
	v11 =	vxor.u32 $0x8000000, v10  }
0x14c: {  	v18 =	vmpcnt.ones.xlane vm3;
	v14 =	vor.u32 $0x80000000, v5;
	v19 =	vperm.xlane v11, v2  }
0x14d: {  	v17 =	vmpcnt.ones.xlane vm1;
	v16 =	vadd.s32 v1, v6;
	v4 =	vand.u32 $0xF, v15;
	(xrf1) =	vsort.ascd.msk.u32 $0xffff, v14, v5  }
0x14e: {  	v18 =	vadd.s32 v8, v18;
	v14 =	vadd.s32 v1, v12;
	vm1 =	vne.s32 v11, v19  }
0x14f: {  	v12 =	vadd.s32 v18, v9;
	v11 =	vadd.s32 v1, v8;
	vm2 =	vmor vm1, vm0  }
0x150: {  	v5 =	vand.u32 $0x7FFF, v10;
	v8 =	vadd.s32 v12, v7;
	vm1 =	vne.s32 v15, $0xFFFFFFFF;
	v6, _, _ =	vpop (xrf1)  }
0x151: {  	v9 =	vadd.s32 v1, v18;
	v7 =	vadd.s32 v8, v13;
	v10 =	vshrl.u32 v6, $0x4;
	v21, _, _ =	vpop (xrf1)  }
0x152: {  	v29 =	vshrl.u32 v21, $0x4;
	v15 =	vand.u32 $0xF, v21;
	v18 =	vxor.u32 $0x8000000, v10;
	v28, _, _ =	vpop (xrf1)  }
0x153: {  	v24 =	vshrl.u32 v28, $0x4;
	v27 =	vand.u32 $0xF, v28;
	v22 =	vxor.u32 $0x8000000, v29  }
.Ltmp3:
0x154: {  	s0 =	sadd.s32 $0xFFFFFFA0, s29;
	v19 =	vperm.xlane v18, v2;
	v23 =	vxor.u32 $0x8000000, v24;
	v31 =	vperm.xlane v22, v2;
	v13, _, _ =	vpop (xrf1);
	(pc) =	sbr.rel @p0 .LBB2_4-.Ltmp3, $4  }
0x155: {  	v20 =	vor.u32 s0, v15;
	v30 =	vperm.xlane v23, v2;
	v15 =	vshrl.u32 v13, $0x4  }
0x156: {  	vm3 =	vne.s32 v21, $0xFFFFFFFF;
	vm4 =	vne.s32 v22, v31;
	v26 =	vxor.u32 $0x8000000, v15;
	v25, _, _ =	vpop (xrf1)  }
0x157: {  	vm5 =	vne.s32 v23, v30;
	vm4 =	vmor vm4, vm0;
	v22 =	vshrl.u32 v25, $0x4  }
0x158: {  	v21 =	vand.u32 $0xF, v25;
	vm5 =	vmor vm5, vm0;
	v30 =	vxor.u32 $0x8000000, v22;
	v23, _, _ =	vpop (xrf1)  }
0x159: {  	v17 =	vadd.s32 v7, v17  }
0x15a: {  	v3 =	vadd.s32 v17, v3  }
0x15b: {  	v31 =	vshrl.u32 v23, $0x4;
	v3 =	vxor.u32 $0x80000000, v3  }
0x15c: {  	v29 =	vand.u32 $0x7FFF, v29;
	vm6 =	vne.s32 v28, $0xFFFFFFFF;
	v54 =	vxor.u32 $0x8000000, v31;
	(xrf0) =	vmax.scan.msk.u32 $0xffff, v3  }
0x15d: {  	v27 =	vor.u32 s30, v27;
	vm5 =	vmand vm6, vm5;
	v32 =	vperm.xlane v54, v2  }
0x15e: {  	v24 =	vand.u32 $0x7FFF, v24;
	vm7 =	vmand vm3, vm4;
	v55 =	vperm.xlane v30, v2;
	v33, _, _ =	vpop (xrf1)  }
0x15f: {  	vm8 =	vne.s32 v23, $0xFFFFFFFF;
	v34 =	vshrl.u32 v33, $0x4;
	vm12 =	vne.s32 v54, v32  }
0x160: {  	v58 =	vand.u32 $0x7FFF, v31;
	v56 =	vxor.u32 $0x8000000, v34;
	vm4 =	vmor vm12, vm0  }
0x161: {  	vm9 =	vne.s32 v30, v55;
	v57 =	vperm.xlane v56, v2;
	vm10 =	vmand vm8, vm4  }
0x162: {  	v3 =	vperm.xlane v26, v2;
	vm9 =	vmor vm9, vm0;
	vm4 =	vne.s32 v25, $0xFFFFFFFF;
	v59, _, _ =	vpop (xrf0)  }
0x163: {  	vm11 =	vne.s32 v56, v57;
	[tilespmem:v24+s17+$0x0] =	vst.idx.msk vm5, v27;
	vm5 =	vmand vm4, vm9;
	(v2sf) =	vpush v59, $0xF  }
0x164: {  	v60 =	vand.u32 $0x7FFF, v22;
	vm13 =	vmor vm11, vm0;
	[tilespmem:v16+s18+$0x0] =	vst.idx.msk vm6, v27;
	vm6 =	vne.s32 v33, $0xFFFFFFFF  }
0x165: {  	s0 =	sadd.s32 $0xFFFFFFB0, s29;
	vm14 =	vne.s32 v26, v3;
	v3 =	vand.u32 $0xF, v23;
	[tilespmem:v29+s17+$0x0] =	vst.idx.msk vm7, v20;
	vm15 =	vmand vm6, vm13  }
0x166: {  	v12 =	vadd.s32 v1, v12;
	v62 =	vand.u32 $0x7FFF, v34;
	v3 =	vor.u32 s0, v3;
	[tilespmem:v14+s18+$0x0] =	vst.idx.msk vm3, v20  }
0x167: {  	s12 =	sadd.s32 $0xFFFFFFC0, s29;
	vm2 =	vmand vm1, vm2;
	v8 =	vadd.s32 v1, v8;
	vm3 =	vne.s32 v18, v19;
	[tilespmem:v58+s17+$0x0] =	vst.idx.msk vm10, v3  }
0x168: {  	vm12 =	vne.s32 v6, $0xFFFFFFFF;
	vm3 =	vmor vm3, vm0;
	[tilespmem:v11+s18+$0x0] =	vst.idx.msk vm8, v3;
	v3 =	vor.u32 s12, v21  }
0x169: {  	s14 =	sadd.s32 $0xFFFFFFD0, s29;
	v63 =	vand.u32 $0x7FFF, v10;
	v61 =	vand.u32 $0xF, v33;
	vm3 =	vmand vm12, vm3;
	[tilespmem:v60+s17+$0x0] =	vst.idx.msk vm5, v3  }
0x16a: {  	vm13 =	vmor vm14, vm0;
	vm14 =	vne.s32 v13, $0xFFFFFFFF;
	[tilespmem:v9+s18+$0x0] =	vst.idx.msk vm4, v3;
	v3 =	vor.u32 s14, v61  }
0x16b: {  	s30 =	sadd.s32 $0xFFFFFFE0, s29;
	v7 =	vadd.s32 v1, v7;
	[tilespmem:v62+s17+$0x0] =	vst.idx.msk vm15, v3;
	vm15 =	vmand vm14, vm13  }
0x16c: {  	[tilespmem:v12+s18+$0x0] =	vst.idx.msk vm6, v3;
	v3 =	vor.u32 s30, v4;
	v4 =	vand.u32 $0x7FFF, v15  }
0x16d: {  	s31 =	sadd.s32 $0xFFFFFFF0, s29;
	v6 =	vand.u32 $0xF, v6;
	[tilespmem:v5+s17+$0x0] =	vst.idx.msk vm2, v3;
	v5 =	vadd.s32 v1, v17  }
0x16e: {  	[tilespmem:v8+s18+$0x0] =	vst.idx.msk vm1, v3;
	v3 =	vor.u32 s31, v6  }
0x16f: {  	v6 =	vand.u32 $0xF, v13;
	[tilespmem:v63+s17+$0x0] =	vst.idx.msk vm3, v3  }
0x170: {  	[tilespmem:v7+s18+$0x0] =	vst.idx.msk vm12, v3;
	v3 =	vor.u32 s29, v6  }
0x171: {  	[tilespmem:v4+s17+$0x0] =	vst.idx.msk vm15, v3  }
0x172: {  	[tilespmem:v5+s18+$0x0] =	vst.idx.msk vm14, v3;
	s0 =	spop (v2sf)  }
0x173: {  	_ =	strace $0x90000049  }
0x174: {  	v4 =	vld.msk [tilespmem:s18+$0x0], $0xffff;
	_ =	sdelay $0x4  }
0x175: {  	v3 =	vand.u32 $0x3FFF, v4;
	_ =	sdelay $0x4  }
0x176: {  	v3 =	vld.idx.msk [tilespmem:v3+s4+$0x0], $0xffff;
	_ =	sdelay $0x2  }
0x177: {  	s2 =	sadd.s32 $0x8000003F, s0  }
0x178: {  	s28 =	sshrl.u32 s2, $0x6  }
0x179: {  	p0 =	seq.s32 s28, $0x0;
	v3 =	vand.u32 $0x7FFF, v3  }
.Ltmp4:
0x17a: {  	_ = 	snop;
	(pc) =	sbr.rel @p0 .LBB2_14-.Ltmp4, $2  }
0x17b: {  	_ =	sdelay $0x2  }
0x17c: {  	v5 =	vld.idx.msk [tilespmem:v3+s17+$0x0], $0xffff;
	_ =	strace $0x8000004A  }
0x17d: {  	s2 =	sshll.u32 s28, $0x2  }
0x17e: {  	p1 =	sne.s32 s2, $0x1  }
.Ltmp5:
0x17f: {  	_ = 	snop;
	(pc) =	sbr.rel @!p1 .LBB2_7-.Ltmp5, $4  }
0x180: {  	_ = 	snop  }
0x181: {  	s0 =	sxor.u32 $0x80000000, s0  }
0x182: {  	v6 =	vshrl.u32 v1, $0x3;
	v3 =	vmov s0;
	s0 =	simm.s32 $0x0  }
0x183: {  	p0 =	por $0x0, $0x0;
	v7 =	vand.u32 $0x7, v1;
	v6 =	vmul.u32 $0x8, v6;
	s2 =	sadd.s32 $0xFFFFFFFF, s2;
	v11 =	vmov s0  }
0x184: {  	v8 =	vand.u32 $0xFFFFFFF8, v11  }
0x185: {  	v8 =	vor.u32 v6, v8  }
0x186: {  	v8 =	vor.u32 v7, v8;
	_ =	sdelay $0x4  }
0x187: {  	v9 =	vld.idx.msk [tilespmem:v8+s18+$0x0], $0xffff;
	_ =	sdelay $0x4  }
0x188: {  	v10 =	vand.u32 $0x3FFF, v9;
	_ =	sdelay $0x4  }
0x189: {  	v10 =	vld.idx.msk [tilespmem:v10+s4+$0x0], $0xffff;
	_ =	sdelay $0x4  }
0x18a: {  	p1 =	sne.s32 s2, $0x1;
	v10 =	vand.u32 $0x7FFF, v10  }
.Ltmp6:
0x18b: {  	_ = 	snop;
	(pc) =	sbr.rel @!p1 .LBB2_10-.Ltmp6, $4  }
0x18c: {  	_ = 	snop  }
0x18d: {  	v11 =	vor.u32 s0, v1  }
0x18e: {  	s0 =	simm.s32 $0x10;
	vm1 =	vlt.s32 v11, v3  }
0x18f: {  	s29 =	sadd.s32 $0xFFFFFFFF, s2;
	p0 =	por $0x1, $0x1;
	v11 =	vmov s0;
	v9 =	vsel vm1, v9, v4;
	v10 =	vld.idx.msk [tilespmem:v10+s17+$0x0], $0xffff  }
.LBB2_9:
0x190: {  	p1 =	sne.s32 s29, $0x1;
	v11 =	vand.u32 $0xFFFFFFF8, v11  }
0x191: {  	v11 =	vor.u32 v6, v11  }
0x192: {  	v11 =	vor.u32 v7, v11;
	_ =	sdelay $0x1  }
0x193: {  	v10 =	vsel vm1, v10, v5  }
0x194: {  	[tilespmem:v8+s21+$0x0] =	vst.idx.msk $0xffff, v10  }
0x195: {  	[tilespmem:v8+s18+$0x0] =	vst.idx.msk $0xffff, v9;
	v8 =	vmov v11  }
0x196: {  	v9 =	vld.idx.msk [tilespmem:v11+s18+$0x0], $0xffff;
	_ =	sdelay $0x3  }
0x197: {  	v10 =	vor.u32 s0, v1  }
0x198: {  	vm1 =	vlt.s32 v10, v3  }
0x199: {  	v10 =	vand.u32 $0x3FFF, v9;
	v9 =	vsel vm1, v9, v4;
	_ =	sdelay $0x4  }
0x19a: {  	v10 =	vld.idx.msk [tilespmem:v10+s4+$0x0], $0xffff;
	_ =	sdelay $0x5  }
0x19b: {  	v10 =	vand.u32 $0x7FFF, v10;
	_ =	sdelay $0x1  }
.Ltmp7:
0x19c: {  	(pc) =	sbr.rel @p1 .LBB2_9-.Ltmp7, $3  }
0x19d: {  	_ =	sdelay $0x1  }
0x19e: {  	s0 =	sadd.s32 $0x10, s0;
	v10 =	vld.idx.msk [tilespmem:v10+s17+$0x0], $0xffff  }
0x19f: {  	s29 =	sadd.s32 $0xFFFFFFFF, s29;
	v11 =	vmov s0  }
.LBB2_10:
0x1a0: {  	v11 =	vand.u32 $0xFFFFFFF8, v11  }
0x1a1: {  	v6 =	vor.u32 v6, v11  }
0x1a2: {  	v6 =	vor.u32 v7, v6;
	_ =	sdelay $0x1  }
0x1a3: {  	v7 =	vsel @p0 vm1, v10, v5  }
0x1a4: {  	[tilespmem:v8+s21+$0x0] =	vst.idx.msk @p0 $0xffff, v7  }
0x1a5: {  	[tilespmem:v8+s18+$0x0] =	vst.idx.msk @p0 $0xffff, v9  }
0x1a6: {  	v7 =	vld.idx.msk [tilespmem:v6+s18+$0x0], $0xffff;
	_ =	sdelay $0x4  }
0x1a7: {  	v8 =	vand.u32 $0x3FFF, v7;
	_ =	sdelay $0x4  }
0x1a8: {  	v8 =	vld.idx.msk [tilespmem:v8+s4+$0x0], $0xffff;
	_ =	sdelay $0x4  }
0x1a9: {  	v8 =	vand.u32 $0x7FFF, v8;
	_ =	sdelay $0x4  }
0x1aa: {  	v8 =	vld.idx.msk [tilespmem:v8+s17+$0x0], $0xffff;
	_ =	sdelay $0x2  }
0x1ab: {  	v63 =	vor.u32 s0, v1  }
0x1ac: {  	vm1 =	vlt.s32 v63, v3  }
0x1ad: {  	v5 =	vsel vm1, v8, v5  }
0x1ae: {  	v4 =	vsel vm1, v7, v4;
	[tilespmem:v6+s21+$0x0] =	vst.idx.msk $0xffff, v5  }
0x1af: {  	[tilespmem:v6+s18+$0x0] =	vst.idx.msk $0xffff, v4  }
0x1b0: {  	_ =	swait.ge [sflag:s20], $0x4000  }
0x1b1: {  	[sflag:s20] =	ssyncset.done $0x0  }
0x1b2: {  	[sflag:s20] =	ssyncadd.s32 $0xFFFFC000  }
0x1b3: {  	_ =	strace $0x9000004A  }
0x1b4: {  	p0 =	seq.s32 s28, $0x1;
	_ =	strace $0x8000004B  }
0x1b5: {  	[tilespmem:s23], [sflag:$0x1] =	stream.indirect.gather [hbm4b:s6+s22], $0x80, s21, s22, $0x2000b8;
	[tilespmem:$0x1C880] =	vst v63  }
0x1b6: {  	s0 =	simm.s32 @!p0 $0x40;
	s2 =	simm.s32 @!p0 $0x14040;
	s29 =	simm.s32 @!p0 $0x1A000  }
0x1b7: {  	[tilespmem:s29], [sflag:$0x1] =	stream.indirect.gather @!p0 [hbm4b:s6+s0], $0x80, s2, s0, $0x2000b8;
	[tilespmem:$0x1C880] =	vst v63  }
0x1b8: {  	v4 =	vld [tilespmem:$0x14000];
	_ =	sdelay $0x6  }
0x1b9: {  	s0 =	simm.s32 $0x4000  }
0x1ba: {  	v4 =	vld.idx.msk [tilespmem:v4+s0+$0x0], $0xffff;
	_ =	sdelay $0x3  }
0x1bb: {  	vm1 =	vgt.s32 v3, v1  }
0x1bc: {  	v4 =	vnsel vm1, $0x0, v4  }
0x1bd: {  	[tilespmem:v1+s24+$0x0] =	vst.idx.msk $0xffff, v4  }
0x1be: {  	v4 =	vld [tilespmem:$0x14010];
	_ =	sdelay $0x7  }
0x1bf: {  	v5 =	vld.idx.msk [tilespmem:v4+s0+$0x0], $0xffff  }
0x1c0: {  	v4 =	vor.u32 $0x10, v1;
	_ =	sdelay $0x2  }
0x1c1: {  	vm1 =	vgt.s32 v3, v4  }
0x1c2: {  	v5 =	vnsel vm1, $0x0, v5  }
0x1c3: {  	[tilespmem:v4+s24+$0x0] =	vst.idx.msk $0xffff, v5  }
0x1c4: {  	v5 =	vld [tilespmem:$0x14020];
	_ =	sdelay $0x7  }
0x1c5: {  	v6 =	vld.idx.msk [tilespmem:v5+s0+$0x0], $0xffff  }
0x1c6: {  	v5 =	vor.u32 $0x20, v1;
	_ =	sdelay $0x2  }
0x1c7: {  	vm1 =	vgt.s32 v3, v5  }
0x1c8: {  	v6 =	vnsel vm1, $0x0, v6  }
0x1c9: {  	[tilespmem:v5+s24+$0x0] =	vst.idx.msk $0xffff, v6  }
0x1ca: {  	v6 =	vld [tilespmem:$0x14030];
	_ =	sdelay $0x7  }
0x1cb: {  	v7 =	vld.idx.msk [tilespmem:v6+s0+$0x0], $0xffff  }
0x1cc: {  	v6 =	vor.u32 $0x30, v1;
	_ =	sdelay $0x2  }
0x1cd: {  	vm1 =	vgt.s32 v3, v6  }
0x1ce: {  	v7 =	vnsel vm1, $0x0, v7  }
0x1cf: {  	s29 =	simm.s32 $0x1;
	[tilespmem:v6+s24+$0x0] =	vst.idx.msk $0xffff, v7  }
0x1d0: {  	_ =	swait.ge [sflag:s29], $0x2000  }
.Ltmp8:
0x1d1: {  	[sflag:s29] =	ssyncset.done $0x0;
	(pc) =	sbr.rel @p0 .LBB2_13-.Ltmp8, $4  }
0x1d2: {  	s30 =	simm.s32 $0x40;
	[sflag:s29] =	ssyncadd.s32 $0xFFFFE000  }
0x1d3: {  	[hbm4b:s7+s30] =	stream.indirect.scatter [tilespmem:s23], [sflag:$0x2], $0x80, s18, s30, $0x2000b8;
	[tilespmem:$0x1C880] =	vst v63  }
0x1d4: {  	_ = 	snop  }
0x1d5: {  	[spmem:s3] =	stream.indirect.scatter.add.s32 [tilespmem:s24], [sflag:$0x3], $0x1, s18, s30, $0x2000b8;
	[tilespmem:$0x1C880] =	vst v63  }
0x1d6: {  	s31 =	simm.s32 $0x14080;
	s2 =	simm.s32 $0x10040  }
.LBB2_12:
0x1d7: {  	_ =	swait.ge [sflag:s25], $0x2000  }
0x1d8: {  	[sflag:s25] =	ssyncset.done $0x0  }
0x1d9: {  	s12 =	sand.u32 $0x1, s29;
	s29 =	sadd.s32 $0x1, s29;
	[sflag:s25] =	ssyncadd.s32 $0xFFFFE000  }
0x1da: {  	p0 =	sge.u32 s29, s28;
	_ =	swait.ge [sflag:s20], $0x40  }
0x1db: {  	s14 =	sand.u32 @!p0 $0x2000, s0;
	[sflag:s20] =	ssyncset.done $0x0  }
0x1dc: {  	s1 =	simm.s32 @!p0 $0x40;
	s14 =	sor.u32 @!p0 $0x18000, s14;
	[sflag:s20] =	ssyncadd.s32 $0xFFFFFFC0  }
0x1dd: {  	[tilespmem:s14], [sflag:$0x1] =	stream.indirect.gather @!p0 [hbm4b:s6+s1], $0x80, s31, s1, $0x2000b8;
	[tilespmem:$0x1C880] =	vst v63  }
0x1de: {  	v7 =	vld [tilespmem:s31+$0xFFFFFFC0];
	_ =	sdelay $0x7  }
0x1df: {  	v7 =	vld.idx.msk [tilespmem:v7+s13+$0x0], $0xffff;
	_ =	sdelay $0x2  }
0x1e0: {  	v8 =	vor.u32 s30, v1  }
0x1e1: {  	vm1 =	vlt.s32 v8, v3;
	s14 =	sshll.u32 s12, $0x6  }
0x1e2: {  	s1 =	sor.u32 $0x1C000, s14;
	v7 =	vnsel vm1, $0x0, v7  }
0x1e3: {  	[tilespmem:v1+s1+$0x0] =	vst.idx.msk $0xffff, v7  }
0x1e4: {  	v7 =	vld [tilespmem:s31+$0xFFFFFFD0];
	_ =	sdelay $0x7  }
0x1e5: {  	v7 =	vld.idx.msk [tilespmem:v7+s13+$0x0], $0xffff;
	_ =	sdelay $0x2  }
0x1e6: {  	v8 =	vor.u32 s30, v4  }
0x1e7: {  	vm1 =	vlt.s32 v8, v3  }
0x1e8: {  	v7 =	vnsel vm1, $0x0, v7  }
0x1e9: {  	[tilespmem:v4+s1+$0x0] =	vst.idx.msk $0xffff, v7  }
0x1ea: {  	v7 =	vld [tilespmem:s31+$0xFFFFFFE0];
	_ =	sdelay $0x7  }
0x1eb: {  	v7 =	vld.idx.msk [tilespmem:v7+s13+$0x0], $0xffff;
	_ =	sdelay $0x2  }
0x1ec: {  	v8 =	vor.u32 s30, v5  }
0x1ed: {  	vm1 =	vlt.s32 v8, v3  }
0x1ee: {  	v7 =	vnsel vm1, $0x0, v7  }
0x1ef: {  	[tilespmem:v5+s1+$0x0] =	vst.idx.msk $0xffff, v7  }
0x1f0: {  	v7 =	vld [tilespmem:s31+$0xFFFFFFF0];
	_ =	sdelay $0x7  }
0x1f1: {  	v7 =	vld.idx.msk [tilespmem:v7+s13+$0x0], $0xffff;
	_ =	sdelay $0x2  }
0x1f2: {  	v8 =	vor.u32 s30, v6  }
0x1f3: {  	vm1 =	vlt.s32 v8, v3  }
0x1f4: {  	v7 =	vnsel vm1, $0x0, v7  }
0x1f5: {  	[tilespmem:v6+s1+$0x0] =	vst.idx.msk $0xffff, v7  }
0x1f6: {  	_ =	swait.ge [sflag:s19], $0x2000  }
0x1f7: {  	s12 =	sshll.u32 s12, $0xD;
	p0 =	sne.s32 s28, s29;
	[sflag:s19] =	ssyncset.done $0x0  }
.Ltmp9:
0x1f8: {  	s12 =	sor.u32 $0x18000, s12;
	[sflag:s19] =	ssyncadd.s32 $0xFFFFE000;
	(pc) =	sbr.rel @p0 .LBB2_12-.Ltmp9, $4  }
0x1f9: {  	[hbm4b:s7+s22] =	stream.indirect.scatter [tilespmem:s12], [sflag:$0x2], $0x80, s2, s22, $0x2000b8;
	[tilespmem:$0x1C880] =	vst v63  }
0x1fa: {  	s0 =	sadd.s32 $0x2000, s0  }
0x1fb: {  	[spmem:s3] =	stream.indirect.scatter.add.s32 [tilespmem:s1], [sflag:$0x3], $0x1, s2, s22, $0x2000b8;
	[tilespmem:$0x1C880] =	vst v63  }
0x1fc: {  	s30 =	sadd.s32 $0x40, s30;
	s31 =	sadd.s32 $0x40, s31;
	s2 =	sadd.s32 $0x40, s2  }
.LBB2_13:
0x1fd: {  	_ =	swait.ge [sflag:s25], $0x2000  }
.Ltmp10:
0x1fe: {  	[sflag:s25] =	ssyncset.done $0x0;
	(pc) =	sbr.rel .LBB2_15-.Ltmp10, $4  }
0x1ff: {  	[sflag:s25] =	ssyncadd.s32 $0xFFFFE000  }
0x200: {  	_ =	swait.ge [sflag:s20], $0x40  }
0x201: {  	[sflag:s20] =	ssyncset.done $0x0  }
0x202: {  	[sflag:s20] =	ssyncadd.s32 $0xFFFFFFC0  }
.LBB2_7:
.Ltmp11:
0x203: {  	(pc) =	sbr.rel .LBB2_10-.Ltmp11, $2  }
0x204: {  	_ =	sdelay $0x2  }
0x205: {  	_ = 	snop  }
.LBB2_16:
0x206: {  	_ =	sfence.sel $0x180000  }
0x207: {  	[bflag:$0x0] =	sbarrier.arrive $0xFFFF  }
0x208: {  	_ =	strace $0x90000047  }
0x209: {  	[bflag:$0x2] =	sbarrier.arrive $0xFFFF  }
0x20a: {  	p0 =	sne.s32 s5, $0x0;
	s0 =	rddreg [dreg:$0x5]  }
0x20b: {  	s0 =	sadd.s32 @!p0 $0x100000, s0  }
0x20c: {  	[sflag:s0] =	ssyncadd.tile.s32 @!p0 $0x1;
	_ =	shalt  }
.Lfunc_end2:
_tile_overlayer_lowered:
.L_overlay_start_2:
0x20d: {  	(tag) =	ssettag $0x2  }
0x20e: {  	s0 =	rddreg [dreg:$0x0];
	s2 =	stileid.u32  }
0x20f: {  	s1 =	rddreg [dreg:$0x1];
	p0 =	sne.s32 s2, $0x0  }
0x210: {  	s3 =	rddreg [dreg:$0x2];
	[bflag:$0x3] =	sbarrier.arrive $0xFFFF;
	s2 =	simm.s32 @!p0 $0x1C05  }
0x211: {  	[timem:s3], [sflag:s2] =	dma.local @!p0 [hbm:s0], s1  }
0x212: {  	s0 =	simm.s32 @!p0 $0x5  }
0x213: {  	_ =	swait.ge @!p0 [sflag:s0], s1  }
0x214: {  	s1 =	ssub.s32 @!p0 $0x0, s1;
	[sflag:s0] =	ssyncset.done @!p0 $0x0  }
0x215: {  	[sflag:s0] =	ssyncadd.s32 @!p0 s1  }
0x216: {  	[bflag:$0x3] =	sbarrier.arrive $0xFFFF  }
0x217: {  	_ =	shalt  }

</sc_bundles>
